<compile_context>
chip_gen: v7x
topology: tpu7x:2x2x1
jax: 0.10.2.dev20260603
libtpu: 0.0.44.dev20260713+nightly
codegen_flags: <defaults>
</compile_context>

<pallas_src>
import functools

import jax
import jax.numpy as jnp
from jax import lax
from jax.experimental import pallas as pl
from jax.experimental.pallas import tpu as pltpu
from jax.experimental.pallas import tpu_sc as plsc

T = 4096
D = 768
E = 8
K = 2
BLK = 256
NB = T * K // BLK + E
PAD = NB * BLK
NTILES = 32
TPW = T // NTILES


def _lane_cumsum_excl(a, n):
    incl = a
    s = 1
    while s < n:
        incl = incl + jnp.concatenate(
            [jnp.zeros((a.shape[0], s), a.dtype), incl[:, :n - s]], axis=1)
        s *= 2
    return incl - a, incl[:, n - 1:n]


def _router_body(x_ref, wr_ref, br_ref, idx_ref, pb_ref, x16_ref):
    xb = x_ref[...]
    u = lax.bitcast_convert_type(
        xb.astype(jnp.bfloat16).astype(jnp.float32), jnp.int32)
    x16_ref[...] = (lax.shift_right_logical(u[:, :D // 2], 16)
                    | (u[:, D // 2:] & jnp.int32(-65536)))
    logits = jnp.dot(xb, wr_ref[...],
                     preferred_element_type=jnp.float32) + br_ref[...]
    m = jnp.max(logits, axis=1, keepdims=True)
    ex = jnp.exp(logits - m)
    probs = ex / jnp.sum(ex, axis=1, keepdims=True)

    iota = lax.broadcasted_iota(jnp.int32, (T, E), 1)
    m1 = jnp.max(probs, axis=1, keepdims=True)
    idx1 = jnp.min(jnp.where(probs == m1, iota, E), axis=1, keepdims=True)
    sel1 = iota == idx1
    probs_m = jnp.where(sel1, -1.0, probs)
    m2 = jnp.max(probs_m, axis=1, keepdims=True)
    idx2 = jnp.min(jnp.where(probs_m == m2, iota, E), axis=1, keepdims=True)
    sel2 = iota == idx2

    pb_ref[...] = jnp.concatenate(
        [jnp.broadcast_to(m1, (T, 16)), jnp.broadcast_to(m2, (T, 16))], axis=1)

    s0 = jnp.transpose(sel1.astype(jnp.float32))
    s1 = jnp.transpose(sel2.astype(jnp.float32))
    excl0, cnt0 = _lane_cumsum_excl(s0, T)
    excl1, cnt1 = _lane_cumsum_excl(s1, T)
    cnt = cnt0 + cnt1
    pc = jnp.floor((cnt + (BLK - 1)) / BLK) * BLK
    incl = pc
    for s in (1, 2, 4):
        incl = incl + jnp.concatenate(
            [jnp.zeros((s, 1), jnp.float32), incl[:E - s, :]], axis=0)
    pad_start = incl - pc

    dst0 = jnp.sum(s0 * (pad_start + excl0), axis=0, keepdims=True)
    dst1 = jnp.sum(s1 * (pad_start + cnt0 + excl1), axis=0, keepdims=True)

    psb = pad_start / BLK
    iob = lax.broadcasted_iota(jnp.int32, (E, 64), 1).astype(jnp.float32)
    bexp = jnp.sum((iob >= psb).astype(jnp.float32), axis=0, keepdims=True) - 1.0
    bexp_row = jnp.concatenate([bexp, jnp.zeros((1, T - 64), jnp.float32)], axis=1)

    idx_ref[...] = jnp.concatenate(
        [dst0, dst1, bexp_row, jnp.zeros((E - 3, T), jnp.float32)],
        axis=0).astype(jnp.int32)


def _router_call(x, Wr, br):
    return pl.pallas_call(
        _router_body,
        out_shape=(jax.ShapeDtypeStruct((E, T), jnp.int32),
                   jax.ShapeDtypeStruct((T, 32), jnp.float32),
                   jax.ShapeDtypeStruct((T, D // 2), jnp.int32)),
    )(x, Wr, br)


@functools.cache
def _dispatch_kernel():
    mesh = plsc.VectorSubcoreMesh(core_axis_name="c", subcore_axis_name="s")

    @functools.partial(
        pl.kernel, mesh=mesh,
        out_type=jax.ShapeDtypeStruct((PAD, D // 2), jnp.int32),
        scratch_types=[
            pltpu.VMEM((TPW, D // 2), jnp.int32),
            pltpu.VMEM((TPW,), jnp.int32),
            pltpu.VMEM((TPW,), jnp.int32),
            pltpu.SemaphoreType.DMA,
            pltpu.SemaphoreType.DMA,
        ],
    )
    def _dispatch(x_hbm, d0_hbm, d1_hbm, xs_hbm, xv, i0, i1, s0, s1):
        wid = lax.axis_index("s") * 2 + lax.axis_index("c")
        base = wid * TPW
        pltpu.sync_copy(x_hbm.at[pl.ds(base, TPW)], xv)
        pltpu.sync_copy(d0_hbm.at[pl.ds(base, TPW)], i0)
        pltpu.sync_copy(d1_hbm.at[pl.ds(base, TPW)], i1)
        c0 = pltpu.async_copy(xv, xs_hbm.at[i0], s0)
        c1 = pltpu.async_copy(xv, xs_hbm.at[i1], s1)
        c0.wait()
        c1.wait()

    return _dispatch


def _gmm_body(bexp_ref, xs_ref, we_ref, be_ref, ys_ref):
    e = bexp_ref[pl.program_id(0)]
    w = xs_ref[...]
    xlo = lax.bitcast_convert_type(lax.shift_left(w, 16), jnp.float32)
    xhi = lax.bitcast_convert_type(w & jnp.int32(-65536), jnp.float32)
    xb = jnp.concatenate([xlo, xhi], axis=1).astype(jnp.bfloat16)
    ys_ref[...] = jnp.dot(xb, we_ref[e],
                          preferred_element_type=jnp.float32) + be_ref[e]


def _gmm_call(bexp, xs, We16, be3):
    return pl.pallas_call(
        _gmm_body,
        grid_spec=pltpu.PrefetchScalarGridSpec(
            num_scalar_prefetch=1,
            grid=(NB,),
            in_specs=[
                pl.BlockSpec((BLK, D // 2), lambda b, br: (b, 0)),
                pl.BlockSpec((E, D, D), lambda b, br: (0, 0, 0)),
                pl.BlockSpec((E, 1, D), lambda b, br: (0, 0, 0)),
            ],
            out_specs=pl.BlockSpec((BLK, D), lambda b, br: (b, 0)),
        ),
        out_shape=jax.ShapeDtypeStruct((PAD, D), jnp.float32),
    )(bexp, xs, We16, be3)


CHUNK = 64


@functools.cache
def _combine_kernel():
    mesh = plsc.VectorSubcoreMesh(core_axis_name="c", subcore_axis_name="s")

    @functools.partial(
        pl.kernel, mesh=mesh,
        out_type=jax.ShapeDtypeStruct((T, D), jnp.float32),
        scratch_types=[
            pltpu.VMEM((CHUNK,), jnp.int32),
            pltpu.VMEM((CHUNK,), jnp.int32),
            pltpu.VMEM((CHUNK, 32), jnp.float32),
            pltpu.VMEM((CHUNK, D), jnp.float32),
            pltpu.VMEM((CHUNK, D), jnp.float32),
            pltpu.SemaphoreType.DMA,
            pltpu.SemaphoreType.DMA,
        ],
    )
    def _combine(ys_hbm, d0_hbm, d1_hbm, pb_hbm, out_hbm,
                 i0, i1, pbv, g0, g1, s0, s1):
        wid = lax.axis_index("s") * 2 + lax.axis_index("c")
        base = wid * TPW

        def chunk(c, carry):
            tb = base + c * CHUNK
            pltpu.sync_copy(d0_hbm.at[pl.ds(tb, CHUNK)], i0)
            pltpu.sync_copy(d1_hbm.at[pl.ds(tb, CHUNK)], i1)
            pltpu.sync_copy(pb_hbm.at[pl.ds(tb, CHUNK)], pbv)
            c0 = pltpu.async_copy(ys_hbm.at[i0], g0, s0)
            c1 = pltpu.async_copy(ys_hbm.at[i1], g1, s1)
            c0.wait()
            c1.wait()

            def row(r, rcarry):
                b0 = pbv[r, pl.ds(0, 16)]
                b1 = pbv[r, pl.ds(16, 16)]
                for j in range(D // 16):
                    sl = pl.ds(j * 16, 16)
                    g0[r, sl] = b0 * g0[r, sl] + b1 * g1[r, sl]
                return rcarry

            lax.fori_loop(0, CHUNK, row, 0)
            pltpu.sync_copy(g0, out_hbm.at[pl.ds(tb, CHUNK)])
            return carry

        lax.fori_loop(0, TPW // CHUNK, chunk, 0)

    return _combine


@jax.jit
def kernel(x, Wr, br, We, be):
    idx_all, pb, x16p = _router_call(x, Wr, br)
    dst0 = idx_all[0]
    dst1 = idx_all[1]
    bexp = idx_all[2, :NB]
    We_b, _ = lax.optimization_barrier((We, dst0))
    We16 = We_b.astype(jnp.bfloat16)
    xs = _dispatch_kernel()(x16p, dst0, dst1)
    ys = _gmm_call(bexp, xs, We16, be.reshape(E, 1, D))
    return _combine_kernel()(ys, dst0, dst1, pb)

# --- scband reference (transcript-rebuilt; emitter-appended) ---
"""Pipeline reference for scband-mo-e-47244640256434 (READ-ONLY COPY).

The authoritative reference and input builder live on the scoring server;
editing this copy changes nothing except your own understanding.
"""

import jax, jax.numpy as jnp
import numpy as np

T = 4096
D = 768
E = 8
K = 2

def setup_inputs(seed: int = 0) -> dict:
    key = jax.random.key(seed)
    ks = jax.random.split(key, 5)
    x = jax.random.normal(ks[0], (T, D), dtype=jnp.float32)
    Wr = jax.random.normal(ks[1], (D, E), dtype=jnp.float32) * (1.0 / np.sqrt(D))
    br = jnp.zeros((E,), dtype=jnp.float32)
    We = jax.random.normal(ks[2], (E, D, D), dtype=jnp.float32) * (1.0 / np.sqrt(D))
    be = jnp.zeros((E, D), dtype=jnp.float32)
    return {"x": x, "Wr": Wr, "br": br, "We": We, "be": be}

def reference(x, Wr, br, We, be):
    # router
    logits = x @ Wr + br                      # [T, E]
    probs = jax.nn.softmax(logits, axis=-1)   # [T, E]
    topk_probs, topk_idx = jax.lax.top_k(probs, K)  # [T, K], [T, K]
    # compute every expert's output for every token (dense-equivalent of the
    # masked per-expert dispatch loop in the torch module), then gather the
    # top-k experts per token and combine with routing probabilities.
    all_out = jnp.einsum('td,edf->tef', x, We) + be[None, :, :]  # [T, E, D]
    gathered = jnp.take_along_axis(all_out, topk_idx[:, :, None], axis=1)  # [T, K, D]
    out = jnp.sum(gathered * topk_probs[:, :, None], axis=1)  # [T, D]
    return out

if __name__ == "__main__":
    import jax
    _d = setup_inputs()
    print(jax.jit(kernel)(*tuple(_d.values())))

</pallas_src>

<mosaic_0001>
#map = affine_map<(d0, d1) -> (0, 0)>
#map1 = affine_map<(d0, d1) -> (0)>
module attributes {stable_mosaic.version = 14 : i64} {
  func.func @_combine(%arg0: i32, %arg1: i32, %arg2: memref<10240x768xf32, #tpu.memory_space<hbm>>, %arg3: memref<4096xi32, #tpu.memory_space<hbm>>, %arg4: memref<4096xi32, #tpu.memory_space<hbm>>, %arg5: memref<4096x32xf32, #tpu.memory_space<hbm>>, %arg6: memref<4096x768xf32, #tpu.memory_space<hbm>>, %arg7: memref<64xi32, #tpu.memory_space<vmem>>, %arg8: memref<64xi32, #tpu.memory_space<vmem>>, %arg9: memref<64x32xf32, #tpu.memory_space<vmem>>, %arg10: memref<64x768xf32, #tpu.memory_space<vmem>>, %arg11: memref<64x768xf32, #tpu.memory_space<vmem>>, %arg12: memref<!tpu.dma_semaphore, #tpu.memory_space<semaphore_mem>>, %arg13: memref<!tpu.dma_semaphore, #tpu.memory_space<semaphore_mem>>) attributes {dimension_semantics = [#tpu.dimension_semantics<core_parallel>, #tpu.dimension_semantics<subcore_parallel>], iteration_bounds = array<i64: 2, 16>, scalar_prefetch = 0 : i64, scratch_operands = 7 : i64, tpu.core_type = #tpu.core_type<sc_vector_subcore>, window_params = [{transform_indices = #map}, {transform_indices = #map1}, {transform_indices = #map1}, {transform_indices = #map}, {transform_indices = #map}]} {
    %mul3A = arith.constant 2 : i32
    %mul3A_0 = arith.muli %arg1, %mul3A : i32
    %add3A = arith.addi %mul3A_0, %arg0 : i32
    %mul3A_1 = arith.constant 128 : i32
    %mul3A_2 = arith.muli %add3A, %mul3A_1 : i32
    %scan3A = arith.constant 0 : i32
    %scan3A_3 = arith.constant 0 : i32
    %scan3A_4 = arith.constant 2 : i32
    %scan3A_5 = arith.addi %scan3A_3, %scan3A_4 : i32
    %scan3A_6 = arith.constant 1 : i32
    scf.for %scan3A_8 = %scan3A_3 to %scan3A_5 step %scan3A_6  : i32 {
      %mul3A_9 = arith.constant 64 : i32
      %mul3A_10 = arith.muli %scan3A_8, %mul3A_9 : i32
      %add3A_11 = arith.addi %mul3A_2, %mul3A_10 : i32
      "tpu.region"() ({
        %run_scoped3A = tpu.sem_alloc : memref<!tpu.dma_semaphore, #tpu.memory_space<semaphore_mem>>
        %dma_start3A_28 = tpu.memref_slice %arg3[%add3A_11] : memref<4096xi32, #tpu.memory_space<hbm>> -> memref<64xi32, #tpu.memory_space<hbm>>
        %dma_start3A_29 = tpu.memref_slice %arg3[%add3A_11] : memref<4096xi32, #tpu.memory_space<hbm>> -> memref<64xi32, #tpu.memory_space<hbm>>
        tpu.enqueue_dma source(%dma_start3A_29 : memref<64xi32, #tpu.memory_space<hbm>>) target(%arg7 : memref<64xi32, #tpu.memory_space<vmem>>) target_semaphore(%run_scoped3A : memref<!tpu.dma_semaphore, #tpu.memory_space<semaphore_mem>>)
        %dma_wait3A_30 = tpu.memref_slice %arg3[%add3A_11] : memref<4096xi32, #tpu.memory_space<hbm>> -> memref<64xi32, #tpu.memory_space<hbm>>
        %dma_wait3A_31 = tpu.memref_slice %arg3[%add3A_11] : memref<4096xi32, #tpu.memory_space<hbm>> -> memref<64xi32, #tpu.memory_space<hbm>>
        tpu.wait_dma2 semaphore(%run_scoped3A : memref<!tpu.dma_semaphore, #tpu.memory_space<semaphore_mem>>) src(%dma_wait3A_31 : memref<64xi32, #tpu.memory_space<hbm>>) dst(%arg7 : memref<64xi32, #tpu.memory_space<vmem>>)
        tpu.yield
      }) : () -> ()
      "tpu.region"() ({
        %run_scoped3A = tpu.sem_alloc : memref<!tpu.dma_semaphore, #tpu.memory_space<semaphore_mem>>
        %dma_start3A_28 = tpu.memref_slice %arg4[%add3A_11] : memref<4096xi32, #tpu.memory_space<hbm>> -> memref<64xi32, #tpu.memory_space<hbm>>
        %dma_start3A_29 = tpu.memref_slice %arg4[%add3A_11] : memref<4096xi32, #tpu.memory_space<hbm>> -> memref<64xi32, #tpu.memory_space<hbm>>
        tpu.enqueue_dma source(%dma_start3A_29 : memref<64xi32, #tpu.memory_space<hbm>>) target(%arg8 : memref<64xi32, #tpu.memory_space<vmem>>) target_semaphore(%run_scoped3A : memref<!tpu.dma_semaphore, #tpu.memory_space<semaphore_mem>>)
        %dma_wait3A_30 = tpu.memref_slice %arg4[%add3A_11] : memref<4096xi32, #tpu.memory_space<hbm>> -> memref<64xi32, #tpu.memory_space<hbm>>
        %dma_wait3A_31 = tpu.memref_slice %arg4[%add3A_11] : memref<4096xi32, #tpu.memory_space<hbm>> -> memref<64xi32, #tpu.memory_space<hbm>>
        tpu.wait_dma2 semaphore(%run_scoped3A : memref<!tpu.dma_semaphore, #tpu.memory_space<semaphore_mem>>) src(%dma_wait3A_31 : memref<64xi32, #tpu.memory_space<hbm>>) dst(%arg8 : memref<64xi32, #tpu.memory_space<vmem>>)
        tpu.yield
      }) : () -> ()
      "tpu.region"() ({
        %run_scoped3A = tpu.sem_alloc : memref<!tpu.dma_semaphore, #tpu.memory_space<semaphore_mem>>
        %dma_start3A_28 = arith.constant 0 : i32
        %dma_start3A_29 = tpu.memref_slice %arg5[%add3A_11, %dma_start3A_28] : memref<4096x32xf32, #tpu.memory_space<hbm>> -> memref<64x32xf32, #tpu.memory_space<hbm>>
        %dma_start3A_30 = arith.constant 0 : i32
        %dma_start3A_31 = tpu.memref_slice %arg5[%add3A_11, %dma_start3A_30] : memref<4096x32xf32, #tpu.memory_space<hbm>> -> memref<64x32xf32, #tpu.memory_space<hbm>>
        tpu.enqueue_dma source(%dma_start3A_31 : memref<64x32xf32, #tpu.memory_space<hbm>>) target(%arg9 : memref<64x32xf32, #tpu.memory_space<vmem>>) target_semaphore(%run_scoped3A : memref<!tpu.dma_semaphore, #tpu.memory_space<semaphore_mem>>)
        %dma_wait3A_32 = arith.constant 0 : i32
        %dma_wait3A_33 = tpu.memref_slice %arg5[%add3A_11, %dma_wait3A_32] : memref<4096x32xf32, #tpu.memory_space<hbm>> -> memref<64x32xf32, #tpu.memory_space<hbm>>
        %dma_wait3A_34 = arith.constant 0 : i32
        %dma_wait3A_35 = tpu.memref_slice %arg5[%add3A_11, %dma_wait3A_34] : memref<4096x32xf32, #tpu.memory_space<hbm>> -> memref<64x32xf32, #tpu.memory_space<hbm>>
        tpu.wait_dma2 semaphore(%run_scoped3A : memref<!tpu.dma_semaphore, #tpu.memory_space<semaphore_mem>>) src(%dma_wait3A_35 : memref<64x32xf32, #tpu.memory_space<hbm>>) dst(%arg9 : memref<64x32xf32, #tpu.memory_space<vmem>>)
        tpu.yield
      }) : () -> ()
      %dma_start3A = arith.constant 0 : i32
      %dma_start3A_12 = arith.constant 0 : i32
      %dma_start3A_13 = tpu.memref_slice %arg2[%dma_start3A, %dma_start3A_12] : memref<10240x768xf32, #tpu.memory_space<hbm>> -> memref<10240x768xf32, #tpu.memory_space<hbm>>
      tpu.enqueue_indirect_dma source(%dma_start3A_13 : memref<10240x768xf32, #tpu.memory_space<hbm>>) target(%arg10 : memref<64x768xf32, #tpu.memory_space<vmem>>) offsets(%arg7 : memref<64xi32, #tpu.memory_space<vmem>>) semaphore(%arg12 : memref<!tpu.dma_semaphore, #tpu.memory_space<semaphore_mem>>)
      %dma_start3A_14 = arith.constant 0 : i32
      %dma_start3A_15 = arith.constant 0 : i32
      %dma_start3A_16 = tpu.memref_slice %arg2[%dma_start3A_14, %dma_start3A_15] : memref<10240x768xf32, #tpu.memory_space<hbm>> -> memref<10240x768xf32, #tpu.memory_space<hbm>>
      tpu.enqueue_indirect_dma source(%dma_start3A_16 : memref<10240x768xf32, #tpu.memory_space<hbm>>) target(%arg11 : memref<64x768xf32, #tpu.memory_space<vmem>>) offsets(%arg8 : memref<64xi32, #tpu.memory_space<vmem>>) semaphore(%arg13 : memref<!tpu.dma_semaphore, #tpu.memory_space<semaphore_mem>>)
      %dma_wait3A = arith.constant 0 : i32
      %dma_wait3A_17 = arith.constant 0 : i32
      %dma_wait3A_18 = tpu.memref_slice %arg2[%dma_wait3A, %dma_wait3A_17] : memref<10240x768xf32, #tpu.memory_space<hbm>> -> memref<10240x768xf32, #tpu.memory_space<hbm>>
      tpu.wait_indirect_dma semaphore(%arg12 : memref<!tpu.dma_semaphore, #tpu.memory_space<semaphore_mem>>) src(%dma_wait3A_18 : memref<10240x768xf32, #tpu.memory_space<hbm>>) dst(%arg10 : memref<64x768xf32, #tpu.memory_space<vmem>>)
      %dma_wait3A_19 = arith.constant 0 : i32
      %dma_wait3A_20 = arith.constant 0 : i32
      %dma_wait3A_21 = tpu.memref_slice %arg2[%dma_wait3A_19, %dma_wait3A_20] : memref<10240x768xf32, #tpu.memory_space<hbm>> -> memref<10240x768xf32, #tpu.memory_space<hbm>>
      tpu.wait_indirect_dma semaphore(%arg13 : memref<!tpu.dma_semaphore, #tpu.memory_space<semaphore_mem>>) src(%dma_wait3A_21 : memref<10240x768xf32, #tpu.memory_space<hbm>>) dst(%arg11 : memref<64x768xf32, #tpu.memory_space<vmem>>)
      %scan3A_22 = arith.constant 0 : i32
      %scan3A_23 = arith.constant 0 : i32
      %scan3A_24 = arith.constant 64 : i32
      %scan3A_25 = arith.addi %scan3A_23, %scan3A_24 : i32
      %scan3A_26 = arith.constant 1 : i32
      scf.for %scan3A_28 = %scan3A_23 to %scan3A_25 step %scan3A_26  : i32 {
        %get3A = arith.index_cast %scan3A_28 : i32 to index
        %get3A_29 = arith.constant 0 : index
        %get3A_30 = tpu.vector_load %arg9[%get3A, %get3A_29] {strides = array<i32>} : memref<64x32xf32, #tpu.memory_space<vmem>>, vector<1x16xf32>,
        %get3A_31 = vector.shape_cast %get3A_30 : vector<1x16xf32> to vector<16xf32>
        %get3A_32 = arith.index_cast %scan3A_28 : i32 to index
        %get3A_33 = arith.constant 16 : index
        %get3A_34 = tpu.vector_load %arg9[%get3A_32, %get3A_33] {strides = array<i32>} : memref<64x32xf32, #tpu.memory_space<vmem>>, vector<1x16xf32>,
        %get3A_35 = vector.shape_cast %get3A_34 : vector<1x16xf32> to vector<16xf32>
        %get3A_36 = arith.index_cast %scan3A_28 : i32 to index
        %get3A_37 = arith.constant 0 : index
        %get3A_38 = tpu.vector_load %arg10[%get3A_36, %get3A_37] {strides = array<i32>} : memref<64x768xf32, #tpu.memory_space<vmem>>, vector<1x16xf32>,
        %get3A_39 = vector.shape_cast %get3A_38 : vector<1x16xf32> to vector<16xf32>
        %mul3A_40 = arith.mulf %get3A_31, %get3A_39 : vector<16xf32>
        %get3A_41 = arith.index_cast %scan3A_28 : i32 to index
        %get3A_42 = arith.constant 0 : index
        %get3A_43 = tpu.vector_load %arg11[%get3A_41, %get3A_42] {strides = array<i32>} : memref<64x768xf32, #tpu.memory_space<vmem>>, vector<1x16xf32>,
        %get3A_44 = vector.shape_cast %get3A_43 : vector<1x16xf32> to vector<16xf32>
        %mul3A_45 = arith.mulf %get3A_35, %get3A_44 : vector<16xf32>
        %add3A_46 = arith.addf %mul3A_40, %mul3A_45 : vector<16xf32>
        %swap3A = arith.index_cast %scan3A_28 : i32 to index
        %swap3A_47 = arith.constant 0 : index
        %swap3A_48 = tpu.vector_load %arg10[%swap3A, %swap3A_47] {strides = array<i32>} : memref<64x768xf32, #tpu.memory_space<vmem>>, vector<1x16xf32>,
        %swap3A_49 = vector.shape_cast %swap3A_48 : vector<1x16xf32> to vector<16xf32>
        %swap3A_50 = vector.shape_cast %add3A_46 : vector<16xf32> to vector<1x16xf32>
        tpu.vector_store %arg10[%swap3A, %swap3A_47], %swap3A_50 {strides = array<i32>} : memref<64x768xf32, #tpu.memory_space<vmem>>, vector<1x16xf32>,
        %get3A_51 = arith.index_cast %scan3A_28 : i32 to index
        %get3A_52 = arith.constant 16 : index
        %get3A_53 = tpu.vector_load %arg10[%get3A_51, %get3A_52] {strides = array<i32>} : memref<64x768xf32, #tpu.memory_space<vmem>>, vector<1x16xf32>,
        %get3A_54 = vector.shape_cast %get3A_53 : vector<1x16xf32> to vector<16xf32>
        %mul3A_55 = arith.mulf %get3A_31, %get3A_54 : vector<16xf32>
        %get3A_56 = arith.index_cast %scan3A_28 : i32 to index
        %get3A_57 = arith.constant 16 : index
        %get3A_58 = tpu.vector_load %arg11[%get3A_56, %get3A_57] {strides = array<i32>} : memref<64x768xf32, #tpu.memory_space<vmem>>, vector<1x16xf32>,
        %get3A_59 = vector.shape_cast %get3A_58 : vector<1x16xf32> to vector<16xf32>
        %mul3A_60 = arith.mulf %get3A_35, %get3A_59 : vector<16xf32>
        %add3A_61 = arith.addf %mul3A_55, %mul3A_60 : vector<16xf32>
        %swap3A_62 = arith.index_cast %scan3A_28 : i32 to index
        %swap3A_63 = arith.constant 16 : index
        %swap3A_64 = tpu.vector_load %arg10[%swap3A_62, %swap3A_63] {strides = array<i32>} : memref<64x768xf32, #tpu.memory_space<vmem>>, vector<1x16xf32>,
        %swap3A_65 = vector.shape_cast %swap3A_64 : vector<1x16xf32> to vector<16xf32>
        %swap3A_66 = vector.shape_cast %add3A_61 : vector<16xf32> to vector<1x16xf32>
        tpu.vector_store %arg10[%swap3A_62, %swap3A_63], %swap3A_66 {strides = array<i32>} : memref<64x768xf32, #tpu.memory_space<vmem>>, vector<1x16xf32>,
        %get3A_67 = arith.index_cast %scan3A_28 : i32 to index
        %get3A_68 = arith.constant 32 : index
        %get3A_69 = tpu.vector_load %arg10[%get3A_67, %get3A_68] {strides = array<i32>} : memref<64x768xf32, #tpu.memory_space<vmem>>, vector<1x16xf32>,
        %get3A_70 = vector.shape_cast %get3A_69 : vector<1x16xf32> to vector<16xf32>
        %mul3A_71 = arith.mulf %get3A_31, %get3A_70 : vector<16xf32>
        %get3A_72 = arith.index_cast %scan3A_28 : i32 to index
        %get3A_73 = arith.constant 32 : index
        %get3A_74 = tpu.vector_load %arg11[%get3A_72, %get3A_73] {strides = array<i32>} : memref<64x768xf32, #tpu.memory_space<vmem>>, vector<1x16xf32>,
        %get3A_75 = vector.shape_cast %get3A_74 : vector<1x16xf32> to vector<16xf32>
        %mul3A_76 = arith.mulf %get3A_35, %get3A_75 : vector<16xf32>
        %add3A_77 = arith.addf %mul3A_71, %mul3A_76 : vector<16xf32>
        %swap3A_78 = arith.index_cast %scan3A_28 : i32 to index
        %swap3A_79 = arith.constant 32 : index
        %swap3A_80 = tpu.vector_load %arg10[%swap3A_78, %swap3A_79] {strides = array<i32>} : memref<64x768xf32, #tpu.memory_space<vmem>>, vector<1x16xf32>,
        %swap3A_81 = vector.shape_cast %swap3A_80 : vector<1x16xf32> to vector<16xf32>
        %swap3A_82 = vector.shape_cast %add3A_77 : vector<16xf32> to vector<1x16xf32>
        tpu.vector_store %arg10[%swap3A_78, %swap3A_79], %swap3A_82 {strides = array<i32>} : memref<64x768xf32, #tpu.memory_space<vmem>>, vector<1x16xf32>,
        %get3A_83 = arith.index_cast %scan3A_28 : i32 to index
        %get3A_84 = arith.constant 48 : index
        %get3A_85 = tpu.vector_load %arg10[%get3A_83, %get3A_84] {strides = array<i32>} : memref<64x768xf32, #tpu.memory_space<vmem>>, vector<1x16xf32>,
        %get3A_86 = vector.shape_cast %get3A_85 : vector<1x16xf32> to vector<16xf32>
        %mul3A_87 = arith.mulf %get3A_31, %get3A_86 : vector<16xf32>
        %get3A_88 = arith.index_cast %scan3A_28 : i32 to index
        %get3A_89 = arith.constant 48 : index
        %get3A_90 = tpu.vector_load %arg11[%get3A_88, %get3A_89] {strides = array<i32>} : memref<64x768xf32, #tpu.memory_space<vmem>>, vector<1x16xf32>,
        %get3A_91 = vector.shape_cast %get3A_90 : vector<1x16xf32> to vector<16xf32>
        %mul3A_92 = arith.mulf %get3A_35, %get3A_91 : vector<16xf32>
        %add3A_93 = arith.addf %mul3A_87, %mul3A_92 : vector<16xf32>
        %swap3A_94 = arith.index_cast %scan3A_28 : i32 to index
        %swap3A_95 = arith.constant 48 : index
        %swap3A_96 = tpu.vector_load %arg10[%swap3A_94, %swap3A_95] {strides = array<i32>} : memref<64x768xf32, #tpu.memory_space<vmem>>, vector<1x16xf32>,
        %swap3A_97 = vector.shape_cast %swap3A_96 : vector<1x16xf32> to vector<16xf32>
        %swap3A_98 = vector.shape_cast %add3A_93 : vector<16xf32> to vector<1x16xf32>
        tpu.vector_store %arg10[%swap3A_94, %swap3A_95], %swap3A_98 {strides = array<i32>} : memref<64x768xf32, #tpu.memory_space<vmem>>, vector<1x16xf32>,
        %get3A_99 = arith.index_cast %scan3A_28 : i32 to index
        %get3A_100 = arith.constant 64 : index
        %get3A_101 = tpu.vector_load %arg10[%get3A_99, %get3A_100] {strides = array<i32>} : memref<64x768xf32, #tpu.memory_space<vmem>>, vector<1x16xf32>,
        %get3A_102 = vector.shape_cast %get3A_101 : vector<1x16xf32> to vector<16xf32>
        %mul3A_103 = arith.mulf %get3A_31, %get3A_102 : vector<16xf32>
        %get3A_104 = arith.index_cast %scan3A_28 : i32 to index
        %get3A_105 = arith.constant 64 : index
        %get3A_106 = tpu.vector_load %arg11[%get3A_104, %get3A_105] {strides = array<i32>} : memref<64x768xf32, #tpu.memory_space<vmem>>, vector<1x16xf32>,
        %get3A_107 = vector.shape_cast %get3A_106 : vector<1x16xf32> to vector<16xf32>
        %mul3A_108 = arith.mulf %get3A_35, %get3A_107 : vector<16xf32>
        %add3A_109 = arith.addf %mul3A_103, %mul3A_108 : vector<16xf32>
        %swap3A_110 = arith.index_cast %scan3A_28 : i32 to index
        %swap3A_111 = arith.constant 64 : index
        %swap3A_112 = tpu.vector_load %arg10[%swap3A_110, %swap3A_111] {strides = array<i32>} : memref<64x768xf32, #tpu.memory_space<vmem>>, vector<1x16xf32>,
        %swap3A_113 = vector.shape_cast %swap3A_112 : vector<1x16xf32> to vector<16xf32>
        %swap3A_114 = vector.shape_cast %add3A_109 : vector<16xf32> to vector<1x16xf32>
        tpu.vector_store %arg10[%swap3A_110, %swap3A_111], %swap3A_114 {strides = array<i32>} : memref<64x768xf32, #tpu.memory_space<vmem>>, vector<1x16xf32>,
        %get3A_115 = arith.index_cast %scan3A_28 : i32 to index
        %get3A_116 = arith.constant 80 : index
        %get3A_117 = tpu.vector_load %arg10[%get3A_115, %get3A_116] {strides = array<i32>} : memref<64x768xf32, #tpu.memory_space<vmem>>, vector<1x16xf32>,
        %get3A_118 = vector.shape_cast %get3A_117 : vector<1x16xf32> to vector<16xf32>
        %mul3A_119 = arith.mulf %get3A_31, %get3A_118 : vector<16xf32>
        %get3A_120 = arith.index_cast %scan3A_28 : i32 to index
        %get3A_121 = arith.constant 80 : index
        %get3A_122 = tpu.vector_load %arg11[%get3A_120, %get3A_121] {strides = array<i32>} : memref<64x768xf32, #tpu.memory_space<vmem>>, vector<1x16xf32>,
        %get3A_123 = vector.shape_cast %get3A_122 : vector<1x16xf32> to vector<16xf32>
        %mul3A_124 = arith.mulf %get3A_35, %get3A_123 : vector<16xf32>
        %add3A_125 = arith.addf %mul3A_119, %mul3A_124 : vector<16xf32>
        %swap3A_126 = arith.index_cast %scan3A_28 : i32 to index
        %swap3A_127 = arith.constant 80 : index
        %swap3A_128 = tpu.vector_load %arg10[%swap3A_126, %swap3A_127] {strides = array<i32>} : memref<64x768xf32, #tpu.memory_space<vmem>>, vector<1x16xf32>,
        %swap3A_129 = vector.shape_cast %swap3A_128 : vector<1x16xf32> to vector<16xf32>
        %swap3A_130 = vector.shape_cast %add3A_125 : vector<16xf32> to vector<1x16xf32>
        tpu.vector_store %arg10[%swap3A_126, %swap3A_127], %swap3A_130 {strides = array<i32>} : memref<64x768xf32, #tpu.memory_space<vmem>>, vector<1x16xf32>,
        %get3A_131 = arith.index_cast %scan3A_28 : i32 to index
        %get3A_132 = arith.constant 96 : index
        %get3A_133 = tpu.vector_load %arg10[%get3A_131, %get3A_132] {strides = array<i32>} : memref<64x768xf32, #tpu.memory_space<vmem>>, vector<1x16xf32>,
        %get3A_134 = vector.shape_cast %get3A_133 : vector<1x16xf32> to vector<16xf32>
        %mul3A_135 = arith.mulf %get3A_31, %get3A_134 : vector<16xf32>
        %get3A_136 = arith.index_cast %scan3A_28 : i32 to index
        %get3A_137 = arith.constant 96 : index
        %get3A_138 = tpu.vector_load %arg11[%get3A_136, %get3A_137] {strides = array<i32>} : memref<64x768xf32, #tpu.memory_space<vmem>>, vector<1x16xf32>,
        %get3A_139 = vector.shape_cast %get3A_138 : vector<1x16xf32> to vector<16xf32>
        %mul3A_140 = arith.mulf %get3A_35, %get3A_139 : vector<16xf32>
        %add3A_141 = arith.addf %mul3A_135, %mul3A_140 : vector<16xf32>
        %swap3A_142 = arith.index_cast %scan3A_28 : i32 to index
        %swap3A_143 = arith.constant 96 : index
        %swap3A_144 = tpu.vector_load %arg10[%swap3A_142, %swap3A_143] {strides = array<i32>} : memref<64x768xf32, #tpu.memory_space<vmem>>, vector<1x16xf32>,
        %swap3A_145 = vector.shape_cast %swap3A_144 : vector<1x16xf32> to vector<16xf32>
        %swap3A_146 = vector.shape_cast %add3A_141 : vector<16xf32> to vector<1x16xf32>
        tpu.vector_store %arg10[%swap3A_142, %swap3A_143], %swap3A_146 {strides = array<i32>} : memref<64x768xf32, #tpu.memory_space<vmem>>, vector<1x16xf32>,
        %get3A_147 = arith.index_cast %scan3A_28 : i32 to index
        %get3A_148 = arith.constant 112 : index
        %get3A_149 = tpu.vector_load %arg10[%get3A_147, %get3A_148] {strides = array<i32>} : memref<64x768xf32, #tpu.memory_space<vmem>>, vector<1x16xf32>,
        %get3A_150 = vector.shape_cast %get3A_149 : vector<1x16xf32> to vector<16xf32>
        %mul3A_151 = arith.mulf %get3A_31, %get3A_150 : vector<16xf32>
        %get3A_152 = arith.index_cast %scan3A_28 : i32 to index
        %get3A_153 = arith.constant 112 : index
        %get3A_154 = tpu.vector_load %arg11[%get3A_152, %get3A_153] {strides = array<i32>} : memref<64x768xf32, #tpu.memory_space<vmem>>, vector<1x16xf32>,
        %get3A_155 = vector.shape_cast %get3A_154 : vector<1x16xf32> to vector<16xf32>
        %mul3A_156 = arith.mulf %get3A_35, %get3A_155 : vector<16xf32>
        %add3A_157 = arith.addf %mul3A_151, %mul3A_156 : vector<16xf32>
        %swap3A_158 = arith.index_cast %scan3A_28 : i32 to index
        %swap3A_159 = arith.constant 112 : index
        %swap3A_160 = tpu.vector_load %arg10[%swap3A_158, %swap3A_159] {strides = array<i32>} : memref<64x768xf32, #tpu.memory_space<vmem>>, vector<1x16xf32>,
        %swap3A_161 = vector.shape_cast %swap3A_160 : vector<1x16xf32> to vector<16xf32>
        %swap3A_162 = vector.shape_cast %add3A_157 : vector<16xf32> to vector<1x16xf32>
        tpu.vector_store %arg10[%swap3A_158, %swap3A_159], %swap3A_162 {strides = array<i32>} : memref<64x768xf32, #tpu.memory_space<vmem>>, vector<1x16xf32>,
        %get3A_163 = arith.index_cast %scan3A_28 : i32 to index
        %get3A_164 = arith.constant 128 : index
        %get3A_165 = tpu.vector_load %arg10[%get3A_163, %get3A_164] {strides = array<i32>} : memref<64x768xf32, #tpu.memory_space<vmem>>, vector<1x16xf32>,
        %get3A_166 = vector.shape_cast %get3A_165 : vector<1x16xf32> to vector<16xf32>
        %mul3A_167 = arith.mulf %get3A_31, %get3A_166 : vector<16xf32>
        %get3A_168 = arith.index_cast %scan3A_28 : i32 to index
        %get3A_169 = arith.constant 128 : index
        %get3A_170 = tpu.vector_load %arg11[%get3A_168, %get3A_169] {strides = array<i32>} : memref<64x768xf32, #tpu.memory_space<vmem>>, vector<1x16xf32>,
        %get3A_171 = vector.shape_cast %get3A_170 : vector<1x16xf32> to vector<16xf32>
        %mul3A_172 = arith.mulf %get3A_35, %get3A_171 : vector<16xf32>
        %add3A_173 = arith.addf %mul3A_167, %mul3A_172 : vector<16xf32>
        %swap3A_174 = arith.index_cast %scan3A_28 : i32 to index
        %swap3A_175 = arith.constant 128 : index
        %swap3A_176 = tpu.vector_load %arg10[%swap3A_174, %swap3A_175] {strides = array<i32>} : memref<64x768xf32, #tpu.memory_space<vmem>>, vector<1x16xf32>,
        %swap3A_177 = vector.shape_cast %swap3A_176 : vector<1x16xf32> to vector<16xf32>
        %swap3A_178 = vector.shape_cast %add3A_173 : vector<16xf32> to vector<1x16xf32>
        tpu.vector_store %arg10[%swap3A_174, %swap3A_175], %swap3A_178 {strides = array<i32>} : memref<64x768xf32, #tpu.memory_space<vmem>>, vector<1x16xf32>,
        %get3A_179 = arith.index_cast %scan3A_28 : i32 to index
        %get3A_180 = arith.constant 144 : index
        %get3A_181 = tpu.vector_load %arg10[%get3A_179, %get3A_180] {strides = array<i32>} : memref<64x768xf32, #tpu.memory_space<vmem>>, vector<1x16xf32>,
        %get3A_182 = vector.shape_cast %get3A_181 : vector<1x16xf32> to vector<16xf32>
        %mul3A_183 = arith.mulf %get3A_31, %get3A_182 : vector<16xf32>
        %get3A_184 = arith.index_cast %scan3A_28 : i32 to index
        %get3A_185 = arith.constant 144 : index
        %get3A_186 = tpu.vector_load %arg11[%get3A_184, %get3A_185] {strides = array<i32>} : memref<64x768xf32, #tpu.memory_space<vmem>>, vector<1x16xf32>,
        %get3A_187 = vector.shape_cast %get3A_186 : vector<1x16xf32> to vector<16xf32>
        %mul3A_188 = arith.mulf %get3A_35, %get3A_187 : vector<16xf32>
        %add3A_189 = arith.addf %mul3A_183, %mul3A_188 : vector<16xf32>
        %swap3A_190 = arith.index_cast %scan3A_28 : i32 to index
        %swap3A_191 = arith.constant 144 : index
        %swap3A_192 = tpu.vector_load %arg10[%swap3A_190, %swap3A_191] {strides = array<i32>} : memref<64x768xf32, #tpu.memory_space<vmem>>, vector<1x16xf32>,
        %swap3A_193 = vector.shape_cast %swap3A_192 : vector<1x16xf32> to vector<16xf32>
        %swap3A_194 = vector.shape_cast %add3A_189 : vector<16xf32> to vector<1x16xf32>
        tpu.vector_store %arg10[%swap3A_190, %swap3A_191], %swap3A_194 {strides = array<i32>} : memref<64x768xf32, #tpu.memory_space<vmem>>, vector<1x16xf32>,
        %get3A_195 = arith.index_cast %scan3A_28 : i32 to index
        %get3A_196 = arith.constant 160 : index
        %get3A_197 = tpu.vector_load %arg10[%get3A_195, %get3A_196] {strides = array<i32>} : memref<64x768xf32, #tpu.memory_space<vmem>>, vector<1x16xf32>,
        %get3A_198 = vector.shape_cast %get3A_197 : vector<1x16xf32> to vector<16xf32>
        %mul3A_199 = arith.mulf %get3A_31, %get3A_198 : vector<16xf32>
        %get3A_200 = arith.index_cast %scan3A_28 : i32 to index
        %get3A_201 = arith.constant 160 : index
        %get3A_202 = tpu.vector_load %arg11[%get3A_200, %get3A_201] {strides = array<i32>} : memref<64x768xf32, #tpu.memory_space<vmem>>, vector<1x16xf32>,
        %get3A_203 = vector.shape_cast %get3A_202 : vector<1x16xf32> to vector<16xf32>
        %mul3A_204 = arith.mulf %get3A_35, %get3A_203 : vector<16xf32>
        %add3A_205 = arith.addf %mul3A_199, %mul3A_204 : vector<16xf32>
        %swap3A_206 = arith.index_cast %scan3A_28 : i32 to index
        %swap3A_207 = arith.constant 160 : index
        %swap3A_208 = tpu.vector_load %arg10[%swap3A_206, %swap3A_207] {strides = array<i32>} : memref<64x768xf32, #tpu.memory_space<vmem>>, vector<1x16xf32>,
        %swap3A_209 = vector.shape_cast %swap3A_208 : vector<1x16xf32> to vector<16xf32>
        %swap3A_210 = vector.shape_cast %add3A_205 : vector<16xf32> to vector<1x16xf32>
        tpu.vector_store %arg10[%swap3A_206, %swap3A_207], %swap3A_210 {strides = array<i32>} : memref<64x768xf32, #tpu.memory_space<vmem>>, vector<1x16xf32>,
        %get3A_211 = arith.index_cast %scan3A_28 : i32 to index
        %get3A_212 = arith.constant 176 : index
        %get3A_213 = tpu.vector_load %arg10[%get3A_211, %get3A_212] {strides = array<i32>} : memref<64x768xf32, #tpu.memory_space<vmem>>, vector<1x16xf32>,
        %get3A_214 = vector.shape_cast %get3A_213 : vector<1x16xf32> to vector<16xf32>
        %mul3A_215 = arith.mulf %get3A_31, %get3A_214 : vector<16xf32>
        %get3A_216 = arith.index_cast %scan3A_28 : i32 to index
        %get3A_217 = arith.constant 176 : index
        %get3A_218 = tpu.vector_load %arg11[%get3A_216, %get3A_217] {strides = array<i32>} : memref<64x768xf32, #tpu.memory_space<vmem>>, vector<1x16xf32>,
        %get3A_219 = vector.shape_cast %get3A_218 : vector<1x16xf32> to vector<16xf32>
        %mul3A_220 = arith.mulf %get3A_35, %get3A_219 : vector<16xf32>
        %add3A_221 = arith.addf %mul3A_215, %mul3A_220 : vector<16xf32>
        %swap3A_222 = arith.index_cast %scan3A_28 : i32 to index
        %swap3A_223 = arith.constant 176 : index
        %swap3A_224 = tpu.vector_load %arg10[%swap3A_222, %swap3A_223] {strides = array<i32>} : memref<64x768xf32, #tpu.memory_space<vmem>>, vector<1x16xf32>,
        %swap3A_225 = vector.shape_cast %swap3A_224 : vector<1x16xf32> to vector<16xf32>
        %swap3A_226 = vector.shape_cast %add3A_221 : vector<16xf32> to vector<1x16xf32>
        tpu.vector_store %arg10[%swap3A_222, %swap3A_223], %swap3A_226 {strides = array<i32>} : memref<64x768xf32, #tpu.memory_space<vmem>>, vector<1x16xf32>,
        %get3A_227 = arith.index_cast %scan3A_28 : i32 to index
        %get3A_228 = arith.constant 192 : index
        %get3A_229 = tpu.vector_load %arg10[%get3A_227, %get3A_228] {strides = array<i32>} : memref<64x768xf32, #tpu.memory_space<vmem>>, vector<1x16xf32>,
        %get3A_230 = vector.shape_cast %get3A_229 : vector<1x16xf32> to vector<16xf32>
        %mul3A_231 = arith.mulf %get3A_31, %get3A_230 : vector<16xf32>
        %get3A_232 = arith.index_cast %scan3A_28 : i32 to index
        %get3A_233 = arith.constant 192 : index
        %get3A_234 = tpu.vector_load %arg11[%get3A_232, %get3A_233] {strides = array<i32>} : memref<64x768xf32, #tpu.memory_space<vmem>>, vector<1x16xf32>,
        %get3A_235 = vector.shape_cast %get3A_234 : vector<1x16xf32> to vector<16xf32>
        %mul3A_236 = arith.mulf %get3A_35, %get3A_235 : vector<16xf32>
        %add3A_237 = arith.addf %mul3A_231, %mul3A_236 : vector<16xf32>
        %swap3A_238 = arith.index_cast %scan3A_28 : i32 to index
        %swap3A_239 = arith.constant 192 : index
        %swap3A_240 = tpu.vector_load %arg10[%swap3A_238, %swap3A_239] {strides = array<i32>} : memref<64x768xf32, #tpu.memory_space<vmem>>, vector<1x16xf32>,
        %swap3A_241 = vector.shape_cast %swap3A_240 : vector<1x16xf32> to vector<16xf32>
        %swap3A_242 = vector.shape_cast %add3A_237 : vector<16xf32> to vector<1x16xf32>
        tpu.vector_store %arg10[%swap3A_238, %swap3A_239], %swap3A_242 {strides = array<i32>} : memref<64x768xf32, #tpu.memory_space<vmem>>, vector<1x16xf32>,
        %get3A_243 = arith.index_cast %scan3A_28 : i32 to index
        %get3A_244 = arith.constant 208 : index
        %get3A_245 = tpu.vector_load %arg10[%get3A_243, %get3A_244] {strides = array<i32>} : memref<64x768xf32, #tpu.memory_space<vmem>>, vector<1x16xf32>,
        %get3A_246 = vector.shape_cast %get3A_245 : vector<1x16xf32> to vector<16xf32>
        %mul3A_247 = arith.mulf %get3A_31, %get3A_246 : vector<16xf32>
        %get3A_248 = arith.index_cast %scan3A_28 : i32 to index
        %get3A_249 = arith.constant 208 : index
        %get3A_250 = tpu.vector_load %arg11[%get3A_248, %get3A_249] {strides = array<i32>} : memref<64x768xf32, #tpu.memory_space<vmem>>, vector<1x16xf32>,
        %get3A_251 = vector.shape_cast %get3A_250 : vector<1x16xf32> to vector<16xf32>
        %mul3A_252 = arith.mulf %get3A_35, %get3A_251 : vector<16xf32>
        %add3A_253 = arith.addf %mul3A_247, %mul3A_252 : vector<16xf32>
        %swap3A_254 = arith.index_cast %scan3A_28 : i32 to index
        %swap3A_255 = arith.constant 208 : index
        %swap3A_256 = tpu.vector_load %arg10[%swap3A_254, %swap3A_255] {strides = array<i32>} : memref<64x768xf32, #tpu.memory_space<vmem>>, vector<1x16xf32>,
        %swap3A_257 = vector.shape_cast %swap3A_256 : vector<1x16xf32> to vector<16xf32>
        %swap3A_258 = vector.shape_cast %add3A_253 : vector<16xf32> to vector<1x16xf32>
        tpu.vector_store %arg10[%swap3A_254, %swap3A_255], %swap3A_258 {strides = array<i32>} : memref<64x768xf32, #tpu.memory_space<vmem>>, vector<1x16xf32>,
        %get3A_259 = arith.index_cast %scan3A_28 : i32 to index
        %get3A_260 = arith.constant 224 : index
        %get3A_261 = tpu.vector_load %arg10[%get3A_259, %get3A_260] {strides = array<i32>} : memref<64x768xf32, #tpu.memory_space<vmem>>, vector<1x16xf32>,
        %get3A_262 = vector.shape_cast %get3A_261 : vector<1x16xf32> to vector<16xf32>
        %mul3A_263 = arith.mulf %get3A_31, %get3A_262 : vector<16xf32>
        %get3A_264 = arith.index_cast %scan3A_28 : i32 to index
        %get3A_265 = arith.constant 224 : index
        %get3A_266 = tpu.vector_load %arg11[%get3A_264, %get3A_265] {strides = array<i32>} : memref<64x768xf32, #tpu.memory_space<vmem>>, vector<1x16xf32>,
        %get3A_267 = vector.shape_cast %get3A_266 : vector<1x16xf32> to vector<16xf32>
        %mul3A_268 = arith.mulf %get3A_35, %get3A_267 : vector<16xf32>
        %add3A_269 = arith.addf %mul3A_263, %mul3A_268 : vector<16xf32>
        %swap3A_270 = arith.index_cast %scan3A_28 : i32 to index
        %swap3A_271 = arith.constant 224 : index
        %swap3A_272 = tpu.vector_load %arg10[%swap3A_270, %swap3A_271] {strides = array<i32>} : memref<64x768xf32, #tpu.memory_space<vmem>>, vector<1x16xf32>,
        %swap3A_273 = vector.shape_cast %swap3A_272 : vector<1x16xf32> to vector<16xf32>
        %swap3A_274 = vector.shape_cast %add3A_269 : vector<16xf32> to vector<1x16xf32>
        tpu.vector_store %arg10[%swap3A_270, %swap3A_271], %swap3A_274 {strides = array<i32>} : memref<64x768xf32, #tpu.memory_space<vmem>>, vector<1x16xf32>,
        %get3A_275 = arith.index_cast %scan3A_28 : i32 to index
        %get3A_276 = arith.constant 240 : index
        %get3A_277 = tpu.vector_load %arg10[%get3A_275, %get3A_276] {strides = array<i32>} : memref<64x768xf32, #tpu.memory_space<vmem>>, vector<1x16xf32>,
        %get3A_278 = vector.shape_cast %get3A_277 : vector<1x16xf32> to vector<16xf32>
        %mul3A_279 = arith.mulf %get3A_31, %get3A_278 : vector<16xf32>
        %get3A_280 = arith.index_cast %scan3A_28 : i32 to index
        %get3A_281 = arith.constant 240 : index
        %get3A_282 = tpu.vector_load %arg11[%get3A_280, %get3A_281] {strides = array<i32>} : memref<64x768xf32, #tpu.memory_space<vmem>>, vector<1x16xf32>,
        %get3A_283 = vector.shape_cast %get3A_282 : vector<1x16xf32> to vector<16xf32>
        %mul3A_284 = arith.mulf %get3A_35, %get3A_283 : vector<16xf32>
        %add3A_285 = arith.addf %mul3A_279, %mul3A_284 : vector<16xf32>
        %swap3A_286 = arith.index_cast %scan3A_28 : i32 to index
        %swap3A_287 = arith.constant 240 : index
        %swap3A_288 = tpu.vector_load %arg10[%swap3A_286, %swap3A_287] {strides = array<i32>} : memref<64x768xf32, #tpu.memory_space<vmem>>, vector<1x16xf32>,
        %swap3A_289 = vector.shape_cast %swap3A_288 : vector<1x16xf32> to vector<16xf32>
        %swap3A_290 = vector.shape_cast %add3A_285 : vector<16xf32> to vector<1x16xf32>
        tpu.vector_store %arg10[%swap3A_286, %swap3A_287], %swap3A_290 {strides = array<i32>} : memref<64x768xf32, #tpu.memory_space<vmem>>, vector<1x16xf32>,
        %get3A_291 = arith.index_cast %scan3A_28 : i32 to index
        %get3A_292 = arith.constant 256 : index
        %get3A_293 = tpu.vector_load %arg10[%get3A_291, %get3A_292] {strides = array<i32>} : memref<64x768xf32, #tpu.memory_space<vmem>>, vector<1x16xf32>,
        %get3A_294 = vector.shape_cast %get3A_293 : vector<1x16xf32> to vector<16xf32>
        %mul3A_295 = arith.mulf %get3A_31, %get3A_294 : vector<16xf32>
        %get3A_296 = arith.index_cast %scan3A_28 : i32 to index
        %get3A_297 = arith.constant 256 : index
        %get3A_298 = tpu.vector_load %arg11[%get3A_296, %get3A_297] {strides = array<i32>} : memref<64x768xf32, #tpu.memory_space<vmem>>, vector<1x16xf32>,
        %get3A_299 = vector.shape_cast %get3A_298 : vector<1x16xf32> to vector<16xf32>
        %mul3A_300 = arith.mulf %get3A_35, %get3A_299 : vector<16xf32>
        %add3A_301 = arith.addf %mul3A_295, %mul3A_300 : vector<16xf32>
        %swap3A_302 = arith.index_cast %scan3A_28 : i32 to index
        %swap3A_303 = arith.constant 256 : index
        %swap3A_304 = tpu.vector_load %arg10[%swap3A_302, %swap3A_303] {strides = array<i32>} : memref<64x768xf32, #tpu.memory_space<vmem>>, vector<1x16xf32>,
        %swap3A_305 = vector.shape_cast %swap3A_304 : vector<1x16xf32> to vector<16xf32>
        %swap3A_306 = vector.shape_cast %add3A_301 : vector<16xf32> to vector<1x16xf32>
        tpu.vector_store %arg10[%swap3A_302, %swap3A_303], %swap3A_306 {strides = array<i32>} : memref<64x768xf32, #tpu.memory_space<vmem>>, vector<1x16xf32>,
        %get3A_307 = arith.index_cast %scan3A_28 : i32 to index
        %get3A_308 = arith.constant 272 : index
        %get3A_309 = tpu.vector_load %arg10[%get3A_307, %get3A_308] {strides = array<i32>} : memref<64x768xf32, #tpu.memory_space<vmem>>, vector<1x16xf32>,
        %get3A_310 = vector.shape_cast %get3A_309 : vector<1x16xf32> to vector<16xf32>
        %mul3A_311 = arith.mulf %get3A_31, %get3A_310 : vector<16xf32>
        %get3A_312 = arith.index_cast %scan3A_28 : i32 to index
        %get3A_313 = arith.constant 272 : index
        %get3A_314 = tpu.vector_load %arg11[%get3A_312, %get3A_313] {strides = array<i32>} : memref<64x768xf32, #tpu.memory_space<vmem>>, vector<1x16xf32>,
        %get3A_315 = vector.shape_cast %get3A_314 : vector<1x16xf32> to vector<16xf32>
        %mul3A_316 = arith.mulf %get3A_35, %get3A_315 : vector<16xf32>
        %add3A_317 = arith.addf %mul3A_311, %mul3A_316 : vector<16xf32>
        %swap3A_318 = arith.index_cast %scan3A_28 : i32 to index
        %swap3A_319 = arith.constant 272 : index
        %swap3A_320 = tpu.vector_load %arg10[%swap3A_318, %swap3A_319] {strides = array<i32>} : memref<64x768xf32, #tpu.memory_space<vmem>>, vector<1x16xf32>,
        %swap3A_321 = vector.shape_cast %swap3A_320 : vector<1x16xf32> to vector<16xf32>
        %swap3A_322 = vector.shape_cast %add3A_317 : vector<16xf32> to vector<1x16xf32>
        tpu.vector_store %arg10[%swap3A_318, %swap3A_319], %swap3A_322 {strides = array<i32>} : memref<64x768xf32, #tpu.memory_space<vmem>>, vector<1x16xf32>,
        %get3A_323 = arith.index_cast %scan3A_28 : i32 to index
        %get3A_324 = arith.constant 288 : index
        %get3A_325 = tpu.vector_load %arg10[%get3A_323, %get3A_324] {strides = array<i32>} : memref<64x768xf32, #tpu.memory_space<vmem>>, vector<1x16xf32>,
        %get3A_326 = vector.shape_cast %get3A_325 : vector<1x16xf32> to vector<16xf32>
        %mul3A_327 = arith.mulf %get3A_31, %get3A_326 : vector<16xf32>
        %get3A_328 = arith.index_cast %scan3A_28 : i32 to index
        %get3A_329 = arith.constant 288 : index
        %get3A_330 = tpu.vector_load %arg11[%get3A_328, %get3A_329] {strides = array<i32>} : memref<64x768xf32, #tpu.memory_space<vmem>>, vector<1x16xf32>,
        %get3A_331 = vector.shape_cast %get3A_330 : vector<1x16xf32> to vector<16xf32>
        %mul3A_332 = arith.mulf %get3A_35, %get3A_331 : vector<16xf32>
        %add3A_333 = arith.addf %mul3A_327, %mul3A_332 : vector<16xf32>
        %swap3A_334 = arith.index_cast %scan3A_28 : i32 to index
        %swap3A_335 = arith.constant 288 : index
        %swap3A_336 = tpu.vector_load %arg10[%swap3A_334, %swap3A_335] {strides = array<i32>} : memref<64x768xf32, #tpu.memory_space<vmem>>, vector<1x16xf32>,
        %swap3A_337 = vector.shape_cast %swap3A_336 : vector<1x16xf32> to vector<16xf32>
        %swap3A_338 = vector.shape_cast %add3A_333 : vector<16xf32> to vector<1x16xf32>
        tpu.vector_store %arg10[%swap3A_334, %swap3A_335], %swap3A_338 {strides = array<i32>} : memref<64x768xf32, #tpu.memory_space<vmem>>, vector<1x16xf32>,
        %get3A_339 = arith.index_cast %scan3A_28 : i32 to index
        %get3A_340 = arith.constant 304 : index
        %get3A_341 = tpu.vector_load %arg10[%get3A_339, %get3A_340] {strides = array<i32>} : memref<64x768xf32, #tpu.memory_space<vmem>>, vector<1x16xf32>,
        %get3A_342 = vector.shape_cast %get3A_341 : vector<1x16xf32> to vector<16xf32>
        %mul3A_343 = arith.mulf %get3A_31, %get3A_342 : vector<16xf32>
        %get3A_344 = arith.index_cast %scan3A_28 : i32 to index
        %get3A_345 = arith.constant 304 : index
        %get3A_346 = tpu.vector_load %arg11[%get3A_344, %get3A_345] {strides = array<i32>} : memref<64x768xf32, #tpu.memory_space<vmem>>, vector<1x16xf32>,
        %get3A_347 = vector.shape_cast %get3A_346 : vector<1x16xf32> to vector<16xf32>
        %mul3A_348 = arith.mulf %get3A_35, %get3A_347 : vector<16xf32>
        %add3A_349 = arith.addf %mul3A_343, %mul3A_348 : vector<16xf32>
        %swap3A_350 = arith.index_cast %scan3A_28 : i32 to index
        %swap3A_351 = arith.constant 304 : index
        %swap3A_352 = tpu.vector_load %arg10[%swap3A_350, %swap3A_351] {strides = array<i32>} : memref<64x768xf32, #tpu.memory_space<vmem>>, vector<1x16xf32>,
        %swap3A_353 = vector.shape_cast %swap3A_352 : vector<1x16xf32> to vector<16xf32>
        %swap3A_354 = vector.shape_cast %add3A_349 : vector<16xf32> to vector<1x16xf32>
        tpu.vector_store %arg10[%swap3A_350, %swap3A_351], %swap3A_354 {strides = array<i32>} : memref<64x768xf32, #tpu.memory_space<vmem>>, vector<1x16xf32>,
        %get3A_355 = arith.index_cast %scan3A_28 : i32 to index
        %get3A_356 = arith.constant 320 : index
        %get3A_357 = tpu.vector_load %arg10[%get3A_355, %get3A_356] {strides = array<i32>} : memref<64x768xf32, #tpu.memory_space<vmem>>, vector<1x16xf32>,
        %get3A_358 = vector.shape_cast %get3A_357 : vector<1x16xf32> to vector<16xf32>
        %mul3A_359 = arith.mulf %get3A_31, %get3A_358 : vector<16xf32>
        %get3A_360 = arith.index_cast %scan3A_28 : i32 to index
        %get3A_361 = arith.constant 320 : index
        %get3A_362 = tpu.vector_load %arg11[%get3A_360, %get3A_361] {strides = array<i32>} : memref<64x768xf32, #tpu.memory_space<vmem>>, vector<1x16xf32>,
        %get3A_363 = vector.shape_cast %get3A_362 : vector<1x16xf32> to vector<16xf32>
        %mul3A_364 = arith.mulf %get3A_35, %get3A_363 : vector<16xf32>
        %add3A_365 = arith.addf %mul3A_359, %mul3A_364 : vector<16xf32>
        %swap3A_366 = arith.index_cast %scan3A_28 : i32 to index
        %swap3A_367 = arith.constant 320 : index
        %swap3A_368 = tpu.vector_load %arg10[%swap3A_366, %swap3A_367] {strides = array<i32>} : memref<64x768xf32, #tpu.memory_space<vmem>>, vector<1x16xf32>,
        %swap3A_369 = vector.shape_cast %swap3A_368 : vector<1x16xf32> to vector<16xf32>
        %swap3A_370 = vector.shape_cast %add3A_365 : vector<16xf32> to vector<1x16xf32>
        tpu.vector_store %arg10[%swap3A_366, %swap3A_367], %swap3A_370 {strides = array<i32>} : memref<64x768xf32, #tpu.memory_space<vmem>>, vector<1x16xf32>,
        %get3A_371 = arith.index_cast %scan3A_28 : i32 to index
        %get3A_372 = arith.constant 336 : index
        %get3A_373 = tpu.vector_load %arg10[%get3A_371, %get3A_372] {strides = array<i32>} : memref<64x768xf32, #tpu.memory_space<vmem>>, vector<1x16xf32>,
        %get3A_374 = vector.shape_cast %get3A_373 : vector<1x16xf32> to vector<16xf32>
        %mul3A_375 = arith.mulf %get3A_31, %get3A_374 : vector<16xf32>
        %get3A_376 = arith.index_cast %scan3A_28 : i32 to index
        %get3A_377 = arith.constant 336 : index
        %get3A_378 = tpu.vector_load %arg11[%get3A_376, %get3A_377] {strides = array<i32>} : memref<64x768xf32, #tpu.memory_space<vmem>>, vector<1x16xf32>,
        %get3A_379 = vector.shape_cast %get3A_378 : vector<1x16xf32> to vector<16xf32>
        %mul3A_380 = arith.mulf %get3A_35, %get3A_379 : vector<16xf32>
        %add3A_381 = arith.addf %mul3A_375, %mul3A_380 : vector<16xf32>
        %swap3A_382 = arith.index_cast %scan3A_28 : i32 to index
        %swap3A_383 = arith.constant 336 : index
        %swap3A_384 = tpu.vector_load %arg10[%swap3A_382, %swap3A_383] {strides = array<i32>} : memref<64x768xf32, #tpu.memory_space<vmem>>, vector<1x16xf32>,
        %swap3A_385 = vector.shape_cast %swap3A_384 : vector<1x16xf32> to vector<16xf32>
        %swap3A_386 = vector.shape_cast %add3A_381 : vector<16xf32> to vector<1x16xf32>
        tpu.vector_store %arg10[%swap3A_382, %swap3A_383], %swap3A_386 {strides = array<i32>} : memref<64x768xf32, #tpu.memory_space<vmem>>, vector<1x16xf32>,
        %get3A_387 = arith.index_cast %scan3A_28 : i32 to index
        %get3A_388 = arith.constant 352 : index
        %get3A_389 = tpu.vector_load %arg10[%get3A_387, %get3A_388] {strides = array<i32>} : memref<64x768xf32, #tpu.memory_space<vmem>>, vector<1x16xf32>,
        %get3A_390 = vector.shape_cast %get3A_389 : vector<1x16xf32> to vector<16xf32>
        %mul3A_391 = arith.mulf %get3A_31, %get3A_390 : vector<16xf32>
        %get3A_392 = arith.index_cast %scan3A_28 : i32 to index
        %get3A_393 = arith.constant 352 : index
        %get3A_394 = tpu.vector_load %arg11[%get3A_392, %get3A_393] {strides = array<i32>} : memref<64x768xf32, #tpu.memory_space<vmem>>, vector<1x16xf32>,
        %get3A_395 = vector.shape_cast %get3A_394 : vector<1x16xf32> to vector<16xf32>
        %mul3A_396 = arith.mulf %get3A_35, %get3A_395 : vector<16xf32>
        %add3A_397 = arith.addf %mul3A_391, %mul3A_396 : vector<16xf32>
        %swap3A_398 = arith.index_cast %scan3A_28 : i32 to index
        %swap3A_399 = arith.constant 352 : index
        %swap3A_400 = tpu.vector_load %arg10[%swap3A_398, %swap3A_399] {strides = array<i32>} : memref<64x768xf32, #tpu.memory_space<vmem>>, vector<1x16xf32>,
        %swap3A_401 = vector.shape_cast %swap3A_400 : vector<1x16xf32> to vector<16xf32>
        %swap3A_402 = vector.shape_cast %add3A_397 : vector<16xf32> to vector<1x16xf32>
        tpu.vector_store %arg10[%swap3A_398, %swap3A_399], %swap3A_402 {strides = array<i32>} : memref<64x768xf32, #tpu.memory_space<vmem>>, vector<1x16xf32>,
        %get3A_403 = arith.index_cast %scan3A_28 : i32 to index
        %get3A_404 = arith.constant 368 : index
        %get3A_405 = tpu.vector_load %arg10[%get3A_403, %get3A_404] {strides = array<i32>} : memref<64x768xf32, #tpu.memory_space<vmem>>, vector<1x16xf32>,
        %get3A_406 = vector.shape_cast %get3A_405 : vector<1x16xf32> to vector<16xf32>
        %mul3A_407 = arith.mulf %get3A_31, %get3A_406 : vector<16xf32>
        %get3A_408 = arith.index_cast %scan3A_28 : i32 to index
        %get3A_409 = arith.constant 368 : index
        %get3A_410 = tpu.vector_load %arg11[%get3A_408, %get3A_409] {strides = array<i32>} : memref<64x768xf32, #tpu.memory_space<vmem>>, vector<1x16xf32>,
        %get3A_411 = vector.shape_cast %get3A_410 : vector<1x16xf32> to vector<16xf32>
        %mul3A_412 = arith.mulf %get3A_35, %get3A_411 : vector<16xf32>
        %add3A_413 = arith.addf %mul3A_407, %mul3A_412 : vector<16xf32>
        %swap3A_414 = arith.index_cast %scan3A_28 : i32 to index
        %swap3A_415 = arith.constant 368 : index
        %swap3A_416 = tpu.vector_load %arg10[%swap3A_414, %swap3A_415] {strides = array<i32>} : memref<64x768xf32, #tpu.memory_space<vmem>>, vector<1x16xf32>,
        %swap3A_417 = vector.shape_cast %swap3A_416 : vector<1x16xf32> to vector<16xf32>
        %swap3A_418 = vector.shape_cast %add3A_413 : vector<16xf32> to vector<1x16xf32>
        tpu.vector_store %arg10[%swap3A_414, %swap3A_415], %swap3A_418 {strides = array<i32>} : memref<64x768xf32, #tpu.memory_space<vmem>>, vector<1x16xf32>,
        %get3A_419 = arith.index_cast %scan3A_28 : i32 to index
        %get3A_420 = arith.constant 384 : index
        %get3A_421 = tpu.vector_load %arg10[%get3A_419, %get3A_420] {strides = array<i32>} : memref<64x768xf32, #tpu.memory_space<vmem>>, vector<1x16xf32>,
        %get3A_422 = vector.shape_cast %get3A_421 : vector<1x16xf32> to vector<16xf32>
        %mul3A_423 = arith.mulf %get3A_31, %get3A_422 : vector<16xf32>
        %get3A_424 = arith.index_cast %scan3A_28 : i32 to index
        %get3A_425 = arith.constant 384 : index
        %get3A_426 = tpu.vector_load %arg11[%get3A_424, %get3A_425] {strides = array<i32>} : memref<64x768xf32, #tpu.memory_space<vmem>>, vector<1x16xf32>,
        %get3A_427 = vector.shape_cast %get3A_426 : vector<1x16xf32> to vector<16xf32>
        %mul3A_428 = arith.mulf %get3A_35, %get3A_427 : vector<16xf32>
        %add3A_429 = arith.addf %mul3A_423, %mul3A_428 : vector<16xf32>
        %swap3A_430 = arith.index_cast %scan3A_28 : i32 to index
        %swap3A_431 = arith.constant 384 : index
        %swap3A_432 = tpu.vector_load %arg10[%swap3A_430, %swap3A_431] {strides = array<i32>} : memref<64x768xf32, #tpu.memory_space<vmem>>, vector<1x16xf32>,
        %swap3A_433 = vector.shape_cast %swap3A_432 : vector<1x16xf32> to vector<16xf32>
        %swap3A_434 = vector.shape_cast %add3A_429 : vector<16xf32> to vector<1x16xf32>
        tpu.vector_store %arg10[%swap3A_430, %swap3A_431], %swap3A_434 {strides = array<i32>} : memref<64x768xf32, #tpu.memory_space<vmem>>, vector<1x16xf32>,
        %get3A_435 = arith.index_cast %scan3A_28 : i32 to index
        %get3A_436 = arith.constant 400 : index
        %get3A_437 = tpu.vector_load %arg10[%get3A_435, %get3A_436] {strides = array<i32>} : memref<64x768xf32, #tpu.memory_space<vmem>>, vector<1x16xf32>,
        %get3A_438 = vector.shape_cast %get3A_437 : vector<1x16xf32> to vector<16xf32>
        %mul3A_439 = arith.mulf %get3A_31, %get3A_438 : vector<16xf32>
        %get3A_440 = arith.index_cast %scan3A_28 : i32 to index
        %get3A_441 = arith.constant 400 : index
        %get3A_442 = tpu.vector_load %arg11[%get3A_440, %get3A_441] {strides = array<i32>} : memref<64x768xf32, #tpu.memory_space<vmem>>, vector<1x16xf32>,
        %get3A_443 = vector.shape_cast %get3A_442 : vector<1x16xf32> to vector<16xf32>
        %mul3A_444 = arith.mulf %get3A_35, %get3A_443 : vector<16xf32>
        %add3A_445 = arith.addf %mul3A_439, %mul3A_444 : vector<16xf32>
        %swap3A_446 = arith.index_cast %scan3A_28 : i32 to index
        %swap3A_447 = arith.constant 400 : index
        %swap3A_448 = tpu.vector_load %arg10[%swap3A_446, %swap3A_447] {strides = array<i32>} : memref<64x768xf32, #tpu.memory_space<vmem>>, vector<1x16xf32>,
        %swap3A_449 = vector.shape_cast %swap3A_448 : vector<1x16xf32> to vector<16xf32>
        %swap3A_450 = vector.shape_cast %add3A_445 : vector<16xf32> to vector<1x16xf32>
        tpu.vector_store %arg10[%swap3A_446, %swap3A_447], %swap3A_450 {strides = array<i32>} : memref<64x768xf32, #tpu.memory_space<vmem>>, vector<1x16xf32>,
        %get3A_451 = arith.index_cast %scan3A_28 : i32 to index
        %get3A_452 = arith.constant 416 : index
        %get3A_453 = tpu.vector_load %arg10[%get3A_451, %get3A_452] {strides = array<i32>} : memref<64x768xf32, #tpu.memory_space<vmem>>, vector<1x16xf32>,
        %get3A_454 = vector.shape_cast %get3A_453 : vector<1x16xf32> to vector<16xf32>
        %mul3A_455 = arith.mulf %get3A_31, %get3A_454 : vector<16xf32>
        %get3A_456 = arith.index_cast %scan3A_28 : i32 to index
        %get3A_457 = arith.constant 416 : index
        %get3A_458 = tpu.vector_load %arg11[%get3A_456, %get3A_457] {strides = array<i32>} : memref<64x768xf32, #tpu.memory_space<vmem>>, vector<1x16xf32>,
        %get3A_459 = vector.shape_cast %get3A_458 : vector<1x16xf32> to vector<16xf32>
        %mul3A_460 = arith.mulf %get3A_35, %get3A_459 : vector<16xf32>
        %add3A_461 = arith.addf %mul3A_455, %mul3A_460 : vector<16xf32>
        %swap3A_462 = arith.index_cast %scan3A_28 : i32 to index
        %swap3A_463 = arith.constant 416 : index
        %swap3A_464 = tpu.vector_load %arg10[%swap3A_462, %swap3A_463] {strides = array<i32>} : memref<64x768xf32, #tpu.memory_space<vmem>>, vector<1x16xf32>,
        %swap3A_465 = vector.shape_cast %swap3A_464 : vector<1x16xf32> to vector<16xf32>
        %swap3A_466 = vector.shape_cast %add3A_461 : vector<16xf32> to vector<1x16xf32>
        tpu.vector_store %arg10[%swap3A_462, %swap3A_463], %swap3A_466 {strides = array<i32>} : memref<64x768xf32, #tpu.memory_space<vmem>>, vector<1x16xf32>,
        %get3A_467 = arith.index_cast %scan3A_28 : i32 to index
        %get3A_468 = arith.constant 432 : index
        %get3A_469 = tpu.vector_load %arg10[%get3A_467, %get3A_468] {strides = array<i32>} : memref<64x768xf32, #tpu.memory_space<vmem>>, vector<1x16xf32>,
        %get3A_470 = vector.shape_cast %get3A_469 : vector<1x16xf32> to vector<16xf32>
        %mul3A_471 = arith.mulf %get3A_31, %get3A_470 : vector<16xf32>
        %get3A_472 = arith.index_cast %scan3A_28 : i32 to index
        %get3A_473 = arith.constant 432 : index
        %get3A_474 = tpu.vector_load %arg11[%get3A_472, %get3A_473] {strides = array<i32>} : memref<64x768xf32, #tpu.memory_space<vmem>>, vector<1x16xf32>,
        %get3A_475 = vector.shape_cast %get3A_474 : vector<1x16xf32> to vector<16xf32>
        %mul3A_476 = arith.mulf %get3A_35, %get3A_475 : vector<16xf32>
        %add3A_477 = arith.addf %mul3A_471, %mul3A_476 : vector<16xf32>
        %swap3A_478 = arith.index_cast %scan3A_28 : i32 to index
        %swap3A_479 = arith.constant 432 : index
        %swap3A_480 = tpu.vector_load %arg10[%swap3A_478, %swap3A_479] {strides = array<i32>} : memref<64x768xf32, #tpu.memory_space<vmem>>, vector<1x16xf32>,
        %swap3A_481 = vector.shape_cast %swap3A_480 : vector<1x16xf32> to vector<16xf32>
        %swap3A_482 = vector.shape_cast %add3A_477 : vector<16xf32> to vector<1x16xf32>
        tpu.vector_store %arg10[%swap3A_478, %swap3A_479], %swap3A_482 {strides = array<i32>} : memref<64x768xf32, #tpu.memory_space<vmem>>, vector<1x16xf32>,
        %get3A_483 = arith.index_cast %scan3A_28 : i32 to index
        %get3A_484 = arith.constant 448 : index
        %get3A_485 = tpu.vector_load %arg10[%get3A_483, %get3A_484] {strides = array<i32>} : memref<64x768xf32, #tpu.memory_space<vmem>>, vector<1x16xf32>,
        %get3A_486 = vector.shape_cast %get3A_485 : vector<1x16xf32> to vector<16xf32>
        %mul3A_487 = arith.mulf %get3A_31, %get3A_486 : vector<16xf32>
        %get3A_488 = arith.index_cast %scan3A_28 : i32 to index
        %get3A_489 = arith.constant 448 : index
        %get3A_490 = tpu.vector_load %arg11[%get3A_488, %get3A_489] {strides = array<i32>} : memref<64x768xf32, #tpu.memory_space<vmem>>, vector<1x16xf32>,
        %get3A_491 = vector.shape_cast %get3A_490 : vector<1x16xf32> to vector<16xf32>
        %mul3A_492 = arith.mulf %get3A_35, %get3A_491 : vector<16xf32>
        %add3A_493 = arith.addf %mul3A_487, %mul3A_492 : vector<16xf32>
        %swap3A_494 = arith.index_cast %scan3A_28 : i32 to index
        %swap3A_495 = arith.constant 448 : index
        %swap3A_496 = tpu.vector_load %arg10[%swap3A_494, %swap3A_495] {strides = array<i32>} : memref<64x768xf32, #tpu.memory_space<vmem>>, vector<1x16xf32>,
        %swap3A_497 = vector.shape_cast %swap3A_496 : vector<1x16xf32> to vector<16xf32>
        %swap3A_498 = vector.shape_cast %add3A_493 : vector<16xf32> to vector<1x16xf32>
        tpu.vector_store %arg10[%swap3A_494, %swap3A_495], %swap3A_498 {strides = array<i32>} : memref<64x768xf32, #tpu.memory_space<vmem>>, vector<1x16xf32>,
        %get3A_499 = arith.index_cast %scan3A_28 : i32 to index
        %get3A_500 = arith.constant 464 : index
        %get3A_501 = tpu.vector_load %arg10[%get3A_499, %get3A_500] {strides = array<i32>} : memref<64x768xf32, #tpu.memory_space<vmem>>, vector<1x16xf32>,
        %get3A_502 = vector.shape_cast %get3A_501 : vector<1x16xf32> to vector<16xf32>
        %mul3A_503 = arith.mulf %get3A_31, %get3A_502 : vector<16xf32>
        %get3A_504 = arith.index_cast %scan3A_28 : i32 to index
        %get3A_505 = arith.constant 464 : index
        %get3A_506 = tpu.vector_load %arg11[%get3A_504, %get3A_505] {strides = array<i32>} : memref<64x768xf32, #tpu.memory_space<vmem>>, vector<1x16xf32>,
        %get3A_507 = vector.shape_cast %get3A_506 : vector<1x16xf32> to vector<16xf32>
        %mul3A_508 = arith.mulf %get3A_35, %get3A_507 : vector<16xf32>
        %add3A_509 = arith.addf %mul3A_503, %mul3A_508 : vector<16xf32>
        %swap3A_510 = arith.index_cast %scan3A_28 : i32 to index
        %swap3A_511 = arith.constant 464 : index
        %swap3A_512 = tpu.vector_load %arg10[%swap3A_510, %swap3A_511] {strides = array<i32>} : memref<64x768xf32, #tpu.memory_space<vmem>>, vector<1x16xf32>,
        %swap3A_513 = vector.shape_cast %swap3A_512 : vector<1x16xf32> to vector<16xf32>
        %swap3A_514 = vector.shape_cast %add3A_509 : vector<16xf32> to vector<1x16xf32>
        tpu.vector_store %arg10[%swap3A_510, %swap3A_511], %swap3A_514 {strides = array<i32>} : memref<64x768xf32, #tpu.memory_space<vmem>>, vector<1x16xf32>,
        %get3A_515 = arith.index_cast %scan3A_28 : i32 to index
        %get3A_516 = arith.constant 480 : index
        %get3A_517 = tpu.vector_load %arg10[%get3A_515, %get3A_516] {strides = array<i32>} : memref<64x768xf32, #tpu.memory_space<vmem>>, vector<1x16xf32>,
        %get3A_518 = vector.shape_cast %get3A_517 : vector<1x16xf32> to vector<16xf32>
        %mul3A_519 = arith.mulf %get3A_31, %get3A_518 : vector<16xf32>
        %get3A_520 = arith.index_cast %scan3A_28 : i32 to index
        %get3A_521 = arith.constant 480 : index
        %get3A_522 = tpu.vector_load %arg11[%get3A_520, %get3A_521] {strides = array<i32>} : memref<64x768xf32, #tpu.memory_space<vmem>>, vector<1x16xf32>,
        %get3A_523 = vector.shape_cast %get3A_522 : vector<1x16xf32> to vector<16xf32>
        %mul3A_524 = arith.mulf %get3A_35, %get3A_523 : vector<16xf32>
        %add3A_525 = arith.addf %mul3A_519, %mul3A_524 : vector<16xf32>
        %swap3A_526 = arith.index_cast %scan3A_28 : i32 to index
        %swap3A_527 = arith.constant 480 : index
        %swap3A_528 = tpu.vector_load %arg10[%swap3A_526, %swap3A_527] {strides = array<i32>} : memref<64x768xf32, #tpu.memory_space<vmem>>, vector<1x16xf32>,
        %swap3A_529 = vector.shape_cast %swap3A_528 : vector<1x16xf32> to vector<16xf32>
        %swap3A_530 = vector.shape_cast %add3A_525 : vector<16xf32> to vector<1x16xf32>
        tpu.vector_store %arg10[%swap3A_526, %swap3A_527], %swap3A_530 {strides = array<i32>} : memref<64x768xf32, #tpu.memory_space<vmem>>, vector<1x16xf32>,
        %get3A_531 = arith.index_cast %scan3A_28 : i32 to index
        %get3A_532 = arith.constant 496 : index
        %get3A_533 = tpu.vector_load %arg10[%get3A_531, %get3A_532] {strides = array<i32>} : memref<64x768xf32, #tpu.memory_space<vmem>>, vector<1x16xf32>,
        %get3A_534 = vector.shape_cast %get3A_533 : vector<1x16xf32> to vector<16xf32>
        %mul3A_535 = arith.mulf %get3A_31, %get3A_534 : vector<16xf32>
        %get3A_536 = arith.index_cast %scan3A_28 : i32 to index
        %get3A_537 = arith.constant 496 : index
        %get3A_538 = tpu.vector_load %arg11[%get3A_536, %get3A_537] {strides = array<i32>} : memref<64x768xf32, #tpu.memory_space<vmem>>, vector<1x16xf32>,
        %get3A_539 = vector.shape_cast %get3A_538 : vector<1x16xf32> to vector<16xf32>
        %mul3A_540 = arith.mulf %get3A_35, %get3A_539 : vector<16xf32>
        %add3A_541 = arith.addf %mul3A_535, %mul3A_540 : vector<16xf32>
        %swap3A_542 = arith.index_cast %scan3A_28 : i32 to index
        %swap3A_543 = arith.constant 496 : index
        %swap3A_544 = tpu.vector_load %arg10[%swap3A_542, %swap3A_543] {strides = array<i32>} : memref<64x768xf32, #tpu.memory_space<vmem>>, vector<1x16xf32>,
        %swap3A_545 = vector.shape_cast %swap3A_544 : vector<1x16xf32> to vector<16xf32>
        %swap3A_546 = vector.shape_cast %add3A_541 : vector<16xf32> to vector<1x16xf32>
        tpu.vector_store %arg10[%swap3A_542, %swap3A_543], %swap3A_546 {strides = array<i32>} : memref<64x768xf32, #tpu.memory_space<vmem>>, vector<1x16xf32>,
        %get3A_547 = arith.index_cast %scan3A_28 : i32 to index
        %get3A_548 = arith.constant 512 : index
        %get3A_549 = tpu.vector_load %arg10[%get3A_547, %get3A_548] {strides = array<i32>} : memref<64x768xf32, #tpu.memory_space<vmem>>, vector<1x16xf32>,
        %get3A_550 = vector.shape_cast %get3A_549 : vector<1x16xf32> to vector<16xf32>
        %mul3A_551 = arith.mulf %get3A_31, %get3A_550 : vector<16xf32>
        %get3A_552 = arith.index_cast %scan3A_28 : i32 to index
        %get3A_553 = arith.constant 512 : index
        %get3A_554 = tpu.vector_load %arg11[%get3A_552, %get3A_553] {strides = array<i32>} : memref<64x768xf32, #tpu.memory_space<vmem>>, vector<1x16xf32>,
        %get3A_555 = vector.shape_cast %get3A_554 : vector<1x16xf32> to vector<16xf32>
        %mul3A_556 = arith.mulf %get3A_35, %get3A_555 : vector<16xf32>
        %add3A_557 = arith.addf %mul3A_551, %mul3A_556 : vector<16xf32>
        %swap3A_558 = arith.index_cast %scan3A_28 : i32 to index
        %swap3A_559 = arith.constant 512 : index
        %swap3A_560 = tpu.vector_load %arg10[%swap3A_558, %swap3A_559] {strides = array<i32>} : memref<64x768xf32, #tpu.memory_space<vmem>>, vector<1x16xf32>,
        %swap3A_561 = vector.shape_cast %swap3A_560 : vector<1x16xf32> to vector<16xf32>
        %swap3A_562 = vector.shape_cast %add3A_557 : vector<16xf32> to vector<1x16xf32>
        tpu.vector_store %arg10[%swap3A_558, %swap3A_559], %swap3A_562 {strides = array<i32>} : memref<64x768xf32, #tpu.memory_space<vmem>>, vector<1x16xf32>,
        %get3A_563 = arith.index_cast %scan3A_28 : i32 to index
        %get3A_564 = arith.constant 528 : index
        %get3A_565 = tpu.vector_load %arg10[%get3A_563, %get3A_564] {strides = array<i32>} : memref<64x768xf32, #tpu.memory_space<vmem>>, vector<1x16xf32>,
        %get3A_566 = vector.shape_cast %get3A_565 : vector<1x16xf32> to vector<16xf32>
        %mul3A_567 = arith.mulf %get3A_31, %get3A_566 : vector<16xf32>
        %get3A_568 = arith.index_cast %scan3A_28 : i32 to index
        %get3A_569 = arith.constant 528 : index
        %get3A_570 = tpu.vector_load %arg11[%get3A_568, %get3A_569] {strides = array<i32>} : memref<64x768xf32, #tpu.memory_space<vmem>>, vector<1x16xf32>,
        %get3A_571 = vector.shape_cast %get3A_570 : vector<1x16xf32> to vector<16xf32>
        %mul3A_572 = arith.mulf %get3A_35, %get3A_571 : vector<16xf32>
        %add3A_573 = arith.addf %mul3A_567, %mul3A_572 : vector<16xf32>
        %swap3A_574 = arith.index_cast %scan3A_28 : i32 to index
        %swap3A_575 = arith.constant 528 : index
        %swap3A_576 = tpu.vector_load %arg10[%swap3A_574, %swap3A_575] {strides = array<i32>} : memref<64x768xf32, #tpu.memory_space<vmem>>, vector<1x16xf32>,
        %swap3A_577 = vector.shape_cast %swap3A_576 : vector<1x16xf32> to vector<16xf32>
        %swap3A_578 = vector.shape_cast %add3A_573 : vector<16xf32> to vector<1x16xf32>
        tpu.vector_store %arg10[%swap3A_574, %swap3A_575], %swap3A_578 {strides = array<i32>} : memref<64x768xf32, #tpu.memory_space<vmem>>, vector<1x16xf32>,
        %get3A_579 = arith.index_cast %scan3A_28 : i32 to index
        %get3A_580 = arith.constant 544 : index
        %get3A_581 = tpu.vector_load %arg10[%get3A_579, %get3A_580] {strides = array<i32>} : memref<64x768xf32, #tpu.memory_space<vmem>>, vector<1x16xf32>,
        %get3A_582 = vector.shape_cast %get3A_581 : vector<1x16xf32> to vector<16xf32>
        %mul3A_583 = arith.mulf %get3A_31, %get3A_582 : vector<16xf32>
        %get3A_584 = arith.index_cast %scan3A_28 : i32 to index
        %get3A_585 = arith.constant 544 : index
        %get3A_586 = tpu.vector_load %arg11[%get3A_584, %get3A_585] {strides = array<i32>} : memref<64x768xf32, #tpu.memory_space<vmem>>, vector<1x16xf32>,
        %get3A_587 = vector.shape_cast %get3A_586 : vector<1x16xf32> to vector<16xf32>
        %mul3A_588 = arith.mulf %get3A_35, %get3A_587 : vector<16xf32>
        %add3A_589 = arith.addf %mul3A_583, %mul3A_588 : vector<16xf32>
        %swap3A_590 = arith.index_cast %scan3A_28 : i32 to index
        %swap3A_591 = arith.constant 544 : index
        %swap3A_592 = tpu.vector_load %arg10[%swap3A_590, %swap3A_591] {strides = array<i32>} : memref<64x768xf32, #tpu.memory_space<vmem>>, vector<1x16xf32>,
        %swap3A_593 = vector.shape_cast %swap3A_592 : vector<1x16xf32> to vector<16xf32>
        %swap3A_594 = vector.shape_cast %add3A_589 : vector<16xf32> to vector<1x16xf32>
        tpu.vector_store %arg10[%swap3A_590, %swap3A_591], %swap3A_594 {strides = array<i32>} : memref<64x768xf32, #tpu.memory_space<vmem>>, vector<1x16xf32>,
        %get3A_595 = arith.index_cast %scan3A_28 : i32 to index
        %get3A_596 = arith.constant 560 : index
        %get3A_597 = tpu.vector_load %arg10[%get3A_595, %get3A_596] {strides = array<i32>} : memref<64x768xf32, #tpu.memory_space<vmem>>, vector<1x16xf32>,
        %get3A_598 = vector.shape_cast %get3A_597 : vector<1x16xf32> to vector<16xf32>
        %mul3A_599 = arith.mulf %get3A_31, %get3A_598 : vector<16xf32>
        %get3A_600 = arith.index_cast %scan3A_28 : i32 to index
        %get3A_601 = arith.constant 560 : index
        %get3A_602 = tpu.vector_load %arg11[%get3A_600, %get3A_601] {strides = array<i32>} : memref<64x768xf32, #tpu.memory_space<vmem>>, vector<1x16xf32>,
        %get3A_603 = vector.shape_cast %get3A_602 : vector<1x16xf32> to vector<16xf32>
        %mul3A_604 = arith.mulf %get3A_35, %get3A_603 : vector<16xf32>
        %add3A_605 = arith.addf %mul3A_599, %mul3A_604 : vector<16xf32>
        %swap3A_606 = arith.index_cast %scan3A_28 : i32 to index
        %swap3A_607 = arith.constant 560 : index
        %swap3A_608 = tpu.vector_load %arg10[%swap3A_606, %swap3A_607] {strides = array<i32>} : memref<64x768xf32, #tpu.memory_space<vmem>>, vector<1x16xf32>,
        %swap3A_609 = vector.shape_cast %swap3A_608 : vector<1x16xf32> to vector<16xf32>
        %swap3A_610 = vector.shape_cast %add3A_605 : vector<16xf32> to vector<1x16xf32>
        tpu.vector_store %arg10[%swap3A_606, %swap3A_607], %swap3A_610 {strides = array<i32>} : memref<64x768xf32, #tpu.memory_space<vmem>>, vector<1x16xf32>,
        %get3A_611 = arith.index_cast %scan3A_28 : i32 to index
        %get3A_612 = arith.constant 576 : index
        %get3A_613 = tpu.vector_load %arg10[%get3A_611, %get3A_612] {strides = array<i32>} : memref<64x768xf32, #tpu.memory_space<vmem>>, vector<1x16xf32>,
        %get3A_614 = vector.shape_cast %get3A_613 : vector<1x16xf32> to vector<16xf32>
        %mul3A_615 = arith.mulf %get3A_31, %get3A_614 : vector<16xf32>
        %get3A_616 = arith.index_cast %scan3A_28 : i32 to index
        %get3A_617 = arith.constant 576 : index
        %get3A_618 = tpu.vector_load %arg11[%get3A_616, %get3A_617] {strides = array<i32>} : memref<64x768xf32, #tpu.memory_space<vmem>>, vector<1x16xf32>,
        %get3A_619 = vector.shape_cast %get3A_618 : vector<1x16xf32> to vector<16xf32>
        %mul3A_620 = arith.mulf %get3A_35, %get3A_619 : vector<16xf32>
        %add3A_621 = arith.addf %mul3A_615, %mul3A_620 : vector<16xf32>
        %swap3A_622 = arith.index_cast %scan3A_28 : i32 to index
        %swap3A_623 = arith.constant 576 : index
        %swap3A_624 = tpu.vector_load %arg10[%swap3A_622, %swap3A_623] {strides = array<i32>} : memref<64x768xf32, #tpu.memory_space<vmem>>, vector<1x16xf32>,
        %swap3A_625 = vector.shape_cast %swap3A_624 : vector<1x16xf32> to vector<16xf32>
        %swap3A_626 = vector.shape_cast %add3A_621 : vector<16xf32> to vector<1x16xf32>
        tpu.vector_store %arg10[%swap3A_622, %swap3A_623], %swap3A_626 {strides = array<i32>} : memref<64x768xf32, #tpu.memory_space<vmem>>, vector<1x16xf32>,
        %get3A_627 = arith.index_cast %scan3A_28 : i32 to index
        %get3A_628 = arith.constant 592 : index
        %get3A_629 = tpu.vector_load %arg10[%get3A_627, %get3A_628] {strides = array<i32>} : memref<64x768xf32, #tpu.memory_space<vmem>>, vector<1x16xf32>,
        %get3A_630 = vector.shape_cast %get3A_629 : vector<1x16xf32> to vector<16xf32>
        %mul3A_631 = arith.mulf %get3A_31, %get3A_630 : vector<16xf32>
        %get3A_632 = arith.index_cast %scan3A_28 : i32 to index
        %get3A_633 = arith.constant 592 : index
        %get3A_634 = tpu.vector_load %arg11[%get3A_632, %get3A_633] {strides = array<i32>} : memref<64x768xf32, #tpu.memory_space<vmem>>, vector<1x16xf32>,
        %get3A_635 = vector.shape_cast %get3A_634 : vector<1x16xf32> to vector<16xf32>
        %mul3A_636 = arith.mulf %get3A_35, %get3A_635 : vector<16xf32>
        %add3A_637 = arith.addf %mul3A_631, %mul3A_636 : vector<16xf32>
        %swap3A_638 = arith.index_cast %scan3A_28 : i32 to index
        %swap3A_639 = arith.constant 592 : index
        %swap3A_640 = tpu.vector_load %arg10[%swap3A_638, %swap3A_639] {strides = array<i32>} : memref<64x768xf32, #tpu.memory_space<vmem>>, vector<1x16xf32>,
        %swap3A_641 = vector.shape_cast %swap3A_640 : vector<1x16xf32> to vector<16xf32>
        %swap3A_642 = vector.shape_cast %add3A_637 : vector<16xf32> to vector<1x16xf32>
        tpu.vector_store %arg10[%swap3A_638, %swap3A_639], %swap3A_642 {strides = array<i32>} : memref<64x768xf32, #tpu.memory_space<vmem>>, vector<1x16xf32>,
        %get3A_643 = arith.index_cast %scan3A_28 : i32 to index
        %get3A_644 = arith.constant 608 : index
        %get3A_645 = tpu.vector_load %arg10[%get3A_643, %get3A_644] {strides = array<i32>} : memref<64x768xf32, #tpu.memory_space<vmem>>, vector<1x16xf32>,
        %get3A_646 = vector.shape_cast %get3A_645 : vector<1x16xf32> to vector<16xf32>
        %mul3A_647 = arith.mulf %get3A_31, %get3A_646 : vector<16xf32>
        %get3A_648 = arith.index_cast %scan3A_28 : i32 to index
        %get3A_649 = arith.constant 608 : index
        %get3A_650 = tpu.vector_load %arg11[%get3A_648, %get3A_649] {strides = array<i32>} : memref<64x768xf32, #tpu.memory_space<vmem>>, vector<1x16xf32>,
        %get3A_651 = vector.shape_cast %get3A_650 : vector<1x16xf32> to vector<16xf32>
        %mul3A_652 = arith.mulf %get3A_35, %get3A_651 : vector<16xf32>
        %add3A_653 = arith.addf %mul3A_647, %mul3A_652 : vector<16xf32>
        %swap3A_654 = arith.index_cast %scan3A_28 : i32 to index
        %swap3A_655 = arith.constant 608 : index
        %swap3A_656 = tpu.vector_load %arg10[%swap3A_654, %swap3A_655] {strides = array<i32>} : memref<64x768xf32, #tpu.memory_space<vmem>>, vector<1x16xf32>,
        %swap3A_657 = vector.shape_cast %swap3A_656 : vector<1x16xf32> to vector<16xf32>
        %swap3A_658 = vector.shape_cast %add3A_653 : vector<16xf32> to vector<1x16xf32>
        tpu.vector_store %arg10[%swap3A_654, %swap3A_655], %swap3A_658 {strides = array<i32>} : memref<64x768xf32, #tpu.memory_space<vmem>>, vector<1x16xf32>,
        %get3A_659 = arith.index_cast %scan3A_28 : i32 to index
        %get3A_660 = arith.constant 624 : index
        %get3A_661 = tpu.vector_load %arg10[%get3A_659, %get3A_660] {strides = array<i32>} : memref<64x768xf32, #tpu.memory_space<vmem>>, vector<1x16xf32>,
        %get3A_662 = vector.shape_cast %get3A_661 : vector<1x16xf32> to vector<16xf32>
        %mul3A_663 = arith.mulf %get3A_31, %get3A_662 : vector<16xf32>
        %get3A_664 = arith.index_cast %scan3A_28 : i32 to index
        %get3A_665 = arith.constant 624 : index
        %get3A_666 = tpu.vector_load %arg11[%get3A_664, %get3A_665] {strides = array<i32>} : memref<64x768xf32, #tpu.memory_space<vmem>>, vector<1x16xf32>,
        %get3A_667 = vector.shape_cast %get3A_666 : vector<1x16xf32> to vector<16xf32>
        %mul3A_668 = arith.mulf %get3A_35, %get3A_667 : vector<16xf32>
        %add3A_669 = arith.addf %mul3A_663, %mul3A_668 : vector<16xf32>
        %swap3A_670 = arith.index_cast %scan3A_28 : i32 to index
        %swap3A_671 = arith.constant 624 : index
        %swap3A_672 = tpu.vector_load %arg10[%swap3A_670, %swap3A_671] {strides = array<i32>} : memref<64x768xf32, #tpu.memory_space<vmem>>, vector<1x16xf32>,
        %swap3A_673 = vector.shape_cast %swap3A_672 : vector<1x16xf32> to vector<16xf32>
        %swap3A_674 = vector.shape_cast %add3A_669 : vector<16xf32> to vector<1x16xf32>
        tpu.vector_store %arg10[%swap3A_670, %swap3A_671], %swap3A_674 {strides = array<i32>} : memref<64x768xf32, #tpu.memory_space<vmem>>, vector<1x16xf32>,
        %get3A_675 = arith.index_cast %scan3A_28 : i32 to index
        %get3A_676 = arith.constant 640 : index
        %get3A_677 = tpu.vector_load %arg10[%get3A_675, %get3A_676] {strides = array<i32>} : memref<64x768xf32, #tpu.memory_space<vmem>>, vector<1x16xf32>,
        %get3A_678 = vector.shape_cast %get3A_677 : vector<1x16xf32> to vector<16xf32>
        %mul3A_679 = arith.mulf %get3A_31, %get3A_678 : vector<16xf32>
        %get3A_680 = arith.index_cast %scan3A_28 : i32 to index
        %get3A_681 = arith.constant 640 : index
        %get3A_682 = tpu.vector_load %arg11[%get3A_680, %get3A_681] {strides = array<i32>} : memref<64x768xf32, #tpu.memory_space<vmem>>, vector<1x16xf32>,
        %get3A_683 = vector.shape_cast %get3A_682 : vector<1x16xf32> to vector<16xf32>
        %mul3A_684 = arith.mulf %get3A_35, %get3A_683 : vector<16xf32>
        %add3A_685 = arith.addf %mul3A_679, %mul3A_684 : vector<16xf32>
        %swap3A_686 = arith.index_cast %scan3A_28 : i32 to index
        %swap3A_687 = arith.constant 640 : index
        %swap3A_688 = tpu.vector_load %arg10[%swap3A_686, %swap3A_687] {strides = array<i32>} : memref<64x768xf32, #tpu.memory_space<vmem>>, vector<1x16xf32>,
        %swap3A_689 = vector.shape_cast %swap3A_688 : vector<1x16xf32> to vector<16xf32>
        %swap3A_690 = vector.shape_cast %add3A_685 : vector<16xf32> to vector<1x16xf32>
        tpu.vector_store %arg10[%swap3A_686, %swap3A_687], %swap3A_690 {strides = array<i32>} : memref<64x768xf32, #tpu.memory_space<vmem>>, vector<1x16xf32>,
        %get3A_691 = arith.index_cast %scan3A_28 : i32 to index
        %get3A_692 = arith.constant 656 : index
        %get3A_693 = tpu.vector_load %arg10[%get3A_691, %get3A_692] {strides = array<i32>} : memref<64x768xf32, #tpu.memory_space<vmem>>, vector<1x16xf32>,
        %get3A_694 = vector.shape_cast %get3A_693 : vector<1x16xf32> to vector<16xf32>
        %mul3A_695 = arith.mulf %get3A_31, %get3A_694 : vector<16xf32>
        %get3A_696 = arith.index_cast %scan3A_28 : i32 to index
        %get3A_697 = arith.constant 656 : index
        %get3A_698 = tpu.vector_load %arg11[%get3A_696, %get3A_697] {strides = array<i32>} : memref<64x768xf32, #tpu.memory_space<vmem>>, vector<1x16xf32>,
        %get3A_699 = vector.shape_cast %get3A_698 : vector<1x16xf32> to vector<16xf32>
        %mul3A_700 = arith.mulf %get3A_35, %get3A_699 : vector<16xf32>
        %add3A_701 = arith.addf %mul3A_695, %mul3A_700 : vector<16xf32>
        %swap3A_702 = arith.index_cast %scan3A_28 : i32 to index
        %swap3A_703 = arith.constant 656 : index
        %swap3A_704 = tpu.vector_load %arg10[%swap3A_702, %swap3A_703] {strides = array<i32>} : memref<64x768xf32, #tpu.memory_space<vmem>>, vector<1x16xf32>,
        %swap3A_705 = vector.shape_cast %swap3A_704 : vector<1x16xf32> to vector<16xf32>
        %swap3A_706 = vector.shape_cast %add3A_701 : vector<16xf32> to vector<1x16xf32>
        tpu.vector_store %arg10[%swap3A_702, %swap3A_703], %swap3A_706 {strides = array<i32>} : memref<64x768xf32, #tpu.memory_space<vmem>>, vector<1x16xf32>,
        %get3A_707 = arith.index_cast %scan3A_28 : i32 to index
        %get3A_708 = arith.constant 672 : index
        %get3A_709 = tpu.vector_load %arg10[%get3A_707, %get3A_708] {strides = array<i32>} : memref<64x768xf32, #tpu.memory_space<vmem>>, vector<1x16xf32>,
        %get3A_710 = vector.shape_cast %get3A_709 : vector<1x16xf32> to vector<16xf32>
        %mul3A_711 = arith.mulf %get3A_31, %get3A_710 : vector<16xf32>
        %get3A_712 = arith.index_cast %scan3A_28 : i32 to index
        %get3A_713 = arith.constant 672 : index
        %get3A_714 = tpu.vector_load %arg11[%get3A_712, %get3A_713] {strides = array<i32>} : memref<64x768xf32, #tpu.memory_space<vmem>>, vector<1x16xf32>,
        %get3A_715 = vector.shape_cast %get3A_714 : vector<1x16xf32> to vector<16xf32>
        %mul3A_716 = arith.mulf %get3A_35, %get3A_715 : vector<16xf32>
        %add3A_717 = arith.addf %mul3A_711, %mul3A_716 : vector<16xf32>
        %swap3A_718 = arith.index_cast %scan3A_28 : i32 to index
        %swap3A_719 = arith.constant 672 : index
        %swap3A_720 = tpu.vector_load %arg10[%swap3A_718, %swap3A_719] {strides = array<i32>} : memref<64x768xf32, #tpu.memory_space<vmem>>, vector<1x16xf32>,
        %swap3A_721 = vector.shape_cast %swap3A_720 : vector<1x16xf32> to vector<16xf32>
        %swap3A_722 = vector.shape_cast %add3A_717 : vector<16xf32> to vector<1x16xf32>
        tpu.vector_store %arg10[%swap3A_718, %swap3A_719], %swap3A_722 {strides = array<i32>} : memref<64x768xf32, #tpu.memory_space<vmem>>, vector<1x16xf32>,
        %get3A_723 = arith.index_cast %scan3A_28 : i32 to index
        %get3A_724 = arith.constant 688 : index
        %get3A_725 = tpu.vector_load %arg10[%get3A_723, %get3A_724] {strides = array<i32>} : memref<64x768xf32, #tpu.memory_space<vmem>>, vector<1x16xf32>,
        %get3A_726 = vector.shape_cast %get3A_725 : vector<1x16xf32> to vector<16xf32>
        %mul3A_727 = arith.mulf %get3A_31, %get3A_726 : vector<16xf32>
        %get3A_728 = arith.index_cast %scan3A_28 : i32 to index
        %get3A_729 = arith.constant 688 : index
        %get3A_730 = tpu.vector_load %arg11[%get3A_728, %get3A_729] {strides = array<i32>} : memref<64x768xf32, #tpu.memory_space<vmem>>, vector<1x16xf32>,
        %get3A_731 = vector.shape_cast %get3A_730 : vector<1x16xf32> to vector<16xf32>
        %mul3A_732 = arith.mulf %get3A_35, %get3A_731 : vector<16xf32>
        %add3A_733 = arith.addf %mul3A_727, %mul3A_732 : vector<16xf32>
        %swap3A_734 = arith.index_cast %scan3A_28 : i32 to index
        %swap3A_735 = arith.constant 688 : index
        %swap3A_736 = tpu.vector_load %arg10[%swap3A_734, %swap3A_735] {strides = array<i32>} : memref<64x768xf32, #tpu.memory_space<vmem>>, vector<1x16xf32>,
        %swap3A_737 = vector.shape_cast %swap3A_736 : vector<1x16xf32> to vector<16xf32>
        %swap3A_738 = vector.shape_cast %add3A_733 : vector<16xf32> to vector<1x16xf32>
        tpu.vector_store %arg10[%swap3A_734, %swap3A_735], %swap3A_738 {strides = array<i32>} : memref<64x768xf32, #tpu.memory_space<vmem>>, vector<1x16xf32>,
        %get3A_739 = arith.index_cast %scan3A_28 : i32 to index
        %get3A_740 = arith.constant 704 : index
        %get3A_741 = tpu.vector_load %arg10[%get3A_739, %get3A_740] {strides = array<i32>} : memref<64x768xf32, #tpu.memory_space<vmem>>, vector<1x16xf32>,
        %get3A_742 = vector.shape_cast %get3A_741 : vector<1x16xf32> to vector<16xf32>
        %mul3A_743 = arith.mulf %get3A_31, %get3A_742 : vector<16xf32>
        %get3A_744 = arith.index_cast %scan3A_28 : i32 to index
        %get3A_745 = arith.constant 704 : index
        %get3A_746 = tpu.vector_load %arg11[%get3A_744, %get3A_745] {strides = array<i32>} : memref<64x768xf32, #tpu.memory_space<vmem>>, vector<1x16xf32>,
        %get3A_747 = vector.shape_cast %get3A_746 : vector<1x16xf32> to vector<16xf32>
        %mul3A_748 = arith.mulf %get3A_35, %get3A_747 : vector<16xf32>
        %add3A_749 = arith.addf %mul3A_743, %mul3A_748 : vector<16xf32>
        %swap3A_750 = arith.index_cast %scan3A_28 : i32 to index
        %swap3A_751 = arith.constant 704 : index
        %swap3A_752 = tpu.vector_load %arg10[%swap3A_750, %swap3A_751] {strides = array<i32>} : memref<64x768xf32, #tpu.memory_space<vmem>>, vector<1x16xf32>,
        %swap3A_753 = vector.shape_cast %swap3A_752 : vector<1x16xf32> to vector<16xf32>
        %swap3A_754 = vector.shape_cast %add3A_749 : vector<16xf32> to vector<1x16xf32>
        tpu.vector_store %arg10[%swap3A_750, %swap3A_751], %swap3A_754 {strides = array<i32>} : memref<64x768xf32, #tpu.memory_space<vmem>>, vector<1x16xf32>,
        %get3A_755 = arith.index_cast %scan3A_28 : i32 to index
        %get3A_756 = arith.constant 720 : index
        %get3A_757 = tpu.vector_load %arg10[%get3A_755, %get3A_756] {strides = array<i32>} : memref<64x768xf32, #tpu.memory_space<vmem>>, vector<1x16xf32>,
        %get3A_758 = vector.shape_cast %get3A_757 : vector<1x16xf32> to vector<16xf32>
        %mul3A_759 = arith.mulf %get3A_31, %get3A_758 : vector<16xf32>
        %get3A_760 = arith.index_cast %scan3A_28 : i32 to index
        %get3A_761 = arith.constant 720 : index
        %get3A_762 = tpu.vector_load %arg11[%get3A_760, %get3A_761] {strides = array<i32>} : memref<64x768xf32, #tpu.memory_space<vmem>>, vector<1x16xf32>,
        %get3A_763 = vector.shape_cast %get3A_762 : vector<1x16xf32> to vector<16xf32>
        %mul3A_764 = arith.mulf %get3A_35, %get3A_763 : vector<16xf32>
        %add3A_765 = arith.addf %mul3A_759, %mul3A_764 : vector<16xf32>
        %swap3A_766 = arith.index_cast %scan3A_28 : i32 to index
        %swap3A_767 = arith.constant 720 : index
        %swap3A_768 = tpu.vector_load %arg10[%swap3A_766, %swap3A_767] {strides = array<i32>} : memref<64x768xf32, #tpu.memory_space<vmem>>, vector<1x16xf32>,
        %swap3A_769 = vector.shape_cast %swap3A_768 : vector<1x16xf32> to vector<16xf32>
        %swap3A_770 = vector.shape_cast %add3A_765 : vector<16xf32> to vector<1x16xf32>
        tpu.vector_store %arg10[%swap3A_766, %swap3A_767], %swap3A_770 {strides = array<i32>} : memref<64x768xf32, #tpu.memory_space<vmem>>, vector<1x16xf32>,
        %get3A_771 = arith.index_cast %scan3A_28 : i32 to index
        %get3A_772 = arith.constant 736 : index
        %get3A_773 = tpu.vector_load %arg10[%get3A_771, %get3A_772] {strides = array<i32>} : memref<64x768xf32, #tpu.memory_space<vmem>>, vector<1x16xf32>,
        %get3A_774 = vector.shape_cast %get3A_773 : vector<1x16xf32> to vector<16xf32>
        %mul3A_775 = arith.mulf %get3A_31, %get3A_774 : vector<16xf32>
        %get3A_776 = arith.index_cast %scan3A_28 : i32 to index
        %get3A_777 = arith.constant 736 : index
        %get3A_778 = tpu.vector_load %arg11[%get3A_776, %get3A_777] {strides = array<i32>} : memref<64x768xf32, #tpu.memory_space<vmem>>, vector<1x16xf32>,
        %get3A_779 = vector.shape_cast %get3A_778 : vector<1x16xf32> to vector<16xf32>
        %mul3A_780 = arith.mulf %get3A_35, %get3A_779 : vector<16xf32>
        %add3A_781 = arith.addf %mul3A_775, %mul3A_780 : vector<16xf32>
        %swap3A_782 = arith.index_cast %scan3A_28 : i32 to index
        %swap3A_783 = arith.constant 736 : index
        %swap3A_784 = tpu.vector_load %arg10[%swap3A_782, %swap3A_783] {strides = array<i32>} : memref<64x768xf32, #tpu.memory_space<vmem>>, vector<1x16xf32>,
        %swap3A_785 = vector.shape_cast %swap3A_784 : vector<1x16xf32> to vector<16xf32>
        %swap3A_786 = vector.shape_cast %add3A_781 : vector<16xf32> to vector<1x16xf32>
        tpu.vector_store %arg10[%swap3A_782, %swap3A_783], %swap3A_786 {strides = array<i32>} : memref<64x768xf32, #tpu.memory_space<vmem>>, vector<1x16xf32>,
        %get3A_787 = arith.index_cast %scan3A_28 : i32 to index
        %get3A_788 = arith.constant 752 : index
        %get3A_789 = tpu.vector_load %arg10[%get3A_787, %get3A_788] {strides = array<i32>} : memref<64x768xf32, #tpu.memory_space<vmem>>, vector<1x16xf32>,
        %get3A_790 = vector.shape_cast %get3A_789 : vector<1x16xf32> to vector<16xf32>
        %mul3A_791 = arith.mulf %get3A_31, %get3A_790 : vector<16xf32>
        %get3A_792 = arith.index_cast %scan3A_28 : i32 to index
        %get3A_793 = arith.constant 752 : index
        %get3A_794 = tpu.vector_load %arg11[%get3A_792, %get3A_793] {strides = array<i32>} : memref<64x768xf32, #tpu.memory_space<vmem>>, vector<1x16xf32>,
        %get3A_795 = vector.shape_cast %get3A_794 : vector<1x16xf32> to vector<16xf32>
        %mul3A_796 = arith.mulf %get3A_35, %get3A_795 : vector<16xf32>
        %add3A_797 = arith.addf %mul3A_791, %mul3A_796 : vector<16xf32>
        %swap3A_798 = arith.index_cast %scan3A_28 : i32 to index
        %swap3A_799 = arith.constant 752 : index
        %swap3A_800 = tpu.vector_load %arg10[%swap3A_798, %swap3A_799] {strides = array<i32>} : memref<64x768xf32, #tpu.memory_space<vmem>>, vector<1x16xf32>,
        %swap3A_801 = vector.shape_cast %swap3A_800 : vector<1x16xf32> to vector<16xf32>
        %swap3A_802 = vector.shape_cast %add3A_797 : vector<16xf32> to vector<1x16xf32>
        tpu.vector_store %arg10[%swap3A_798, %swap3A_799], %swap3A_802 {strides = array<i32>} : memref<64x768xf32, #tpu.memory_space<vmem>>, vector<1x16xf32>,
      }
      %scan3A_27 = arith.constant 64 : i32
      "tpu.region"() ({
        %run_scoped3A = tpu.sem_alloc : memref<!tpu.dma_semaphore, #tpu.memory_space<semaphore_mem>>
        %dma_start3A_28 = arith.constant 0 : i32
        %dma_start3A_29 = tpu.memref_slice %arg6[%add3A_11, %dma_start3A_28] : memref<4096x768xf32, #tpu.memory_space<hbm>> -> memref<64x768xf32, #tpu.memory_space<hbm>>
        %dma_start3A_30 = arith.constant 0 : i32
        %dma_start3A_31 = tpu.memref_slice %arg6[%add3A_11, %dma_start3A_30] : memref<4096x768xf32, #tpu.memory_space<hbm>> -> memref<64x768xf32, #tpu.memory_space<hbm>>
        tpu.enqueue_dma source(%arg10 : memref<64x768xf32, #tpu.memory_space<vmem>>) target(%dma_start3A_31 : memref<64x768xf32, #tpu.memory_space<hbm>>) target_semaphore(%run_scoped3A : memref<!tpu.dma_semaphore, #tpu.memory_space<semaphore_mem>>)
        %dma_wait3A_32 = arith.constant 0 : i32
        %dma_wait3A_33 = tpu.memref_slice %arg6[%add3A_11, %dma_wait3A_32] : memref<4096x768xf32, #tpu.memory_space<hbm>> -> memref<64x768xf32, #tpu.memory_space<hbm>>
        %dma_wait3A_34 = arith.constant 0 : i32
        %dma_wait3A_35 = tpu.memref_slice %arg6[%add3A_11, %dma_wait3A_34] : memref<4096x768xf32, #tpu.memory_space<hbm>> -> memref<64x768xf32, #tpu.memory_space<hbm>>
        tpu.wait_dma2 semaphore(%run_scoped3A : memref<!tpu.dma_semaphore, #tpu.memory_space<semaphore_mem>>) src(%arg10 : memref<64x768xf32, #tpu.memory_space<vmem>>) dst(%dma_wait3A_35 : memref<64x768xf32, #tpu.memory_space<hbm>>)
        tpu.yield
      }) : () -> ()
    }
    %scan3A_7 = arith.constant 2 : i32
    return
  }
}

#map = affine_map<(d0, d1) -> (0, 0)>
#map1 = affine_map<(d0, d1) -> (0)>
module attributes {stable_mosaic.version = 14 : i64} {
  func.func @_dispatch(%arg0: i32, %arg1: i32, %arg2: memref<4096x384xi32, #tpu.memory_space<hbm>>, %arg3: memref<4096xi32, #tpu.memory_space<hbm>>, %arg4: memref<4096xi32, #tpu.memory_space<hbm>>, %arg5: memref<10240x384xi32, #tpu.memory_space<hbm>>, %arg6: memref<128x384xi32, #tpu.memory_space<vmem>>, %arg7: memref<128xi32, #tpu.memory_space<vmem>>, %arg8: memref<128xi32, #tpu.memory_space<vmem>>, %arg9: memref<!tpu.dma_semaphore, #tpu.memory_space<semaphore_mem>>, %arg10: memref<!tpu.dma_semaphore, #tpu.memory_space<semaphore_mem>>) attributes {dimension_semantics = [#tpu.dimension_semantics<core_parallel>, #tpu.dimension_semantics<subcore_parallel>], iteration_bounds = array<i64: 2, 16>, scalar_prefetch = 0 : i64, scratch_operands = 5 : i64, tpu.core_type = #tpu.core_type<sc_vector_subcore>, window_params = [{transform_indices = #map}, {transform_indices = #map1}, {transform_indices = #map1}, {transform_indices = #map}]} {
    %mul3A = arith.constant 2 : i32
    %mul3A_0 = arith.muli %arg1, %mul3A : i32
    %add3A = arith.addi %mul3A_0, %arg0 : i32
    %mul3A_1 = arith.constant 128 : i32
    %mul3A_2 = arith.muli %add3A, %mul3A_1 : i32
    "tpu.region"() ({
      %run_scoped3A = tpu.sem_alloc : memref<!tpu.dma_semaphore, #tpu.memory_space<semaphore_mem>>
      %dma_start3A_13 = arith.constant 0 : i32
      %dma_start3A_14 = tpu.memref_slice %arg2[%mul3A_2, %dma_start3A_13] : memref<4096x384xi32, #tpu.memory_space<hbm>> -> memref<128x384xi32, #tpu.memory_space<hbm>>
      %dma_start3A_15 = arith.constant 0 : i32
      %dma_start3A_16 = tpu.memref_slice %arg2[%mul3A_2, %dma_start3A_15] : memref<4096x384xi32, #tpu.memory_space<hbm>> -> memref<128x384xi32, #tpu.memory_space<hbm>>
      tpu.enqueue_dma source(%dma_start3A_16 : memref<128x384xi32, #tpu.memory_space<hbm>>) target(%arg6 : memref<128x384xi32, #tpu.memory_space<vmem>>) target_semaphore(%run_scoped3A : memref<!tpu.dma_semaphore, #tpu.memory_space<semaphore_mem>>)
      %dma_wait3A_17 = arith.constant 0 : i32
      %dma_wait3A_18 = tpu.memref_slice %arg2[%mul3A_2, %dma_wait3A_17] : memref<4096x384xi32, #tpu.memory_space<hbm>> -> memref<128x384xi32, #tpu.memory_space<hbm>>
      %dma_wait3A_19 = arith.constant 0 : i32
      %dma_wait3A_20 = tpu.memref_slice %arg2[%mul3A_2, %dma_wait3A_19] : memref<4096x384xi32, #tpu.memory_space<hbm>> -> memref<128x384xi32, #tpu.memory_space<hbm>>
      tpu.wait_dma2 semaphore(%run_scoped3A : memref<!tpu.dma_semaphore, #tpu.memory_space<semaphore_mem>>) src(%dma_wait3A_20 : memref<128x384xi32, #tpu.memory_space<hbm>>) dst(%arg6 : memref<128x384xi32, #tpu.memory_space<vmem>>)
      tpu.yield
    }) : () -> ()
    "tpu.region"() ({
      %run_scoped3A = tpu.sem_alloc : memref<!tpu.dma_semaphore, #tpu.memory_space<semaphore_mem>>
      %dma_start3A_13 = tpu.memref_slice %arg3[%mul3A_2] : memref<4096xi32, #tpu.memory_space<hbm>> -> memref<128xi32, #tpu.memory_space<hbm>>
      %dma_start3A_14 = tpu.memref_slice %arg3[%mul3A_2] : memref<4096xi32, #tpu.memory_space<hbm>> -> memref<128xi32, #tpu.memory_space<hbm>>
      tpu.enqueue_dma source(%dma_start3A_14 : memref<128xi32, #tpu.memory_space<hbm>>) target(%arg7 : memref<128xi32, #tpu.memory_space<vmem>>) target_semaphore(%run_scoped3A : memref<!tpu.dma_semaphore, #tpu.memory_space<semaphore_mem>>)
      %dma_wait3A_15 = tpu.memref_slice %arg3[%mul3A_2] : memref<4096xi32, #tpu.memory_space<hbm>> -> memref<128xi32, #tpu.memory_space<hbm>>
      %dma_wait3A_16 = tpu.memref_slice %arg3[%mul3A_2] : memref<4096xi32, #tpu.memory_space<hbm>> -> memref<128xi32, #tpu.memory_space<hbm>>
      tpu.wait_dma2 semaphore(%run_scoped3A : memref<!tpu.dma_semaphore, #tpu.memory_space<semaphore_mem>>) src(%dma_wait3A_16 : memref<128xi32, #tpu.memory_space<hbm>>) dst(%arg7 : memref<128xi32, #tpu.memory_space<vmem>>)
      tpu.yield
    }) : () -> ()
    "tpu.region"() ({
      %run_scoped3A = tpu.sem_alloc : memref<!tpu.dma_semaphore, #tpu.memory_space<semaphore_mem>>
      %dma_start3A_13 = tpu.memref_slice %arg4[%mul3A_2] : memref<4096xi32, #tpu.memory_space<hbm>> -> memref<128xi32, #tpu.memory_space<hbm>>
      %dma_start3A_14 = tpu.memref_slice %arg4[%mul3A_2] : memref<4096xi32, #tpu.memory_space<hbm>> -> memref<128xi32, #tpu.memory_space<hbm>>
      tpu.enqueue_dma source(%dma_start3A_14 : memref<128xi32, #tpu.memory_space<hbm>>) target(%arg8 : memref<128xi32, #tpu.memory_space<vmem>>) target_semaphore(%run_scoped3A : memref<!tpu.dma_semaphore, #tpu.memory_space<semaphore_mem>>)
      %dma_wait3A_15 = tpu.memref_slice %arg4[%mul3A_2] : memref<4096xi32, #tpu.memory_space<hbm>> -> memref<128xi32, #tpu.memory_space<hbm>>
      %dma_wait3A_16 = tpu.memref_slice %arg4[%mul3A_2] : memref<4096xi32, #tpu.memory_space<hbm>> -> memref<128xi32, #tpu.memory_space<hbm>>
      tpu.wait_dma2 semaphore(%run_scoped3A : memref<!tpu.dma_semaphore, #tpu.memory_space<semaphore_mem>>) src(%dma_wait3A_16 : memref<128xi32, #tpu.memory_space<hbm>>) dst(%arg8 : memref<128xi32, #tpu.memory_space<vmem>>)
      tpu.yield
    }) : () -> ()
    %dma_start3A = arith.constant 0 : i32
    %dma_start3A_3 = arith.constant 0 : i32
    %dma_start3A_4 = tpu.memref_slice %arg5[%dma_start3A, %dma_start3A_3] : memref<10240x384xi32, #tpu.memory_space<hbm>> -> memref<10240x384xi32, #tpu.memory_space<hbm>>
    tpu.enqueue_indirect_dma source(%arg6 : memref<128x384xi32, #tpu.memory_space<vmem>>) target(%dma_start3A_4 : memref<10240x384xi32, #tpu.memory_space<hbm>>) offsets(%arg7 : memref<128xi32, #tpu.memory_space<vmem>>) semaphore(%arg9 : memref<!tpu.dma_semaphore, #tpu.memory_space<semaphore_mem>>)
    %dma_start3A_5 = arith.constant 0 : i32
    %dma_start3A_6 = arith.constant 0 : i32
    %dma_start3A_7 = tpu.memref_slice %arg5[%dma_start3A_5, %dma_start3A_6] : memref<10240x384xi32, #tpu.memory_space<hbm>> -> memref<10240x384xi32, #tpu.memory_space<hbm>>
    tpu.enqueue_indirect_dma source(%arg6 : memref<128x384xi32, #tpu.memory_space<vmem>>) target(%dma_start3A_7 : memref<10240x384xi32, #tpu.memory_space<hbm>>) offsets(%arg8 : memref<128xi32, #tpu.memory_space<vmem>>) semaphore(%arg10 : memref<!tpu.dma_semaphore, #tpu.memory_space<semaphore_mem>>)
    %dma_wait3A = arith.constant 0 : i32
    %dma_wait3A_8 = arith.constant 0 : i32
    %dma_wait3A_9 = tpu.memref_slice %arg5[%dma_wait3A, %dma_wait3A_8] : memref<10240x384xi32, #tpu.memory_space<hbm>> -> memref<10240x384xi32, #tpu.memory_space<hbm>>
    tpu.wait_indirect_dma semaphore(%arg9 : memref<!tpu.dma_semaphore, #tpu.memory_space<semaphore_mem>>) src(%arg6 : memref<128x384xi32, #tpu.memory_space<vmem>>) dst(%dma_wait3A_9 : memref<10240x384xi32, #tpu.memory_space<hbm>>)
    %dma_wait3A_10 = arith.constant 0 : i32
    %dma_wait3A_11 = arith.constant 0 : i32
    %dma_wait3A_12 = tpu.memref_slice %arg5[%dma_wait3A_10, %dma_wait3A_11] : memref<10240x384xi32, #tpu.memory_space<hbm>> -> memref<10240x384xi32, #tpu.memory_space<hbm>>
    tpu.wait_indirect_dma semaphore(%arg10 : memref<!tpu.dma_semaphore, #tpu.memory_space<semaphore_mem>>) src(%arg6 : memref<128x384xi32, #tpu.memory_space<vmem>>) dst(%dma_wait3A_12 : memref<10240x384xi32, #tpu.memory_space<hbm>>)
    return
  }
}

module attributes {stable_mosaic.version = 14 : i64} {
  func.func @_gmm_body(%arg0: i32, %arg1: memref<40xi32, #tpu.memory_space<smem>>, %arg2: memref<256x384xi32, #tpu.memory_space<vmem>>, %arg3: memref<8x768x768xbf16, #tpu.memory_space<vmem>>, %arg4: memref<8x1x768xf32, #tpu.memory_space<vmem>>, %arg5: memref<256x768xf32, #tpu.memory_space<vmem>>) attributes {dimension_semantics = [#tpu.dimension_semantics<arbitrary>], iteration_bounds = array<i64: 40>, scalar_prefetch = 1 : i64, scratch_operands = 0 : i64, tpu.core_type = #tpu.core_type<tc>, window_params = [{transform_indices = @transform_0, window_bounds = array<i64: 256, 384>}, {pipeline_mode = #tpu.pipeline_mode<synchronous>, transform_indices = @transform_1, window_bounds = array<i64: 8, 768, 768>}, {pipeline_mode = #tpu.pipeline_mode<synchronous>, transform_indices = @transform_2, window_bounds = array<i64: 8, 1, 768>}, {transform_indices = @transform_3, window_bounds = array<i64: 256, 768>}]} {
    %get3A = arith.index_cast %arg0 : i32 to index
    %get3A_0 = memref.load %arg1[%get3A] : memref<40xi32, #tpu.memory_space<smem>>
    %get3A_1 = arith.constant 0 : index
    %get3A_2 = arith.constant 0 : index
    %get3A_3 = vector.load %arg2[%get3A_1, %get3A_2] : memref<256x384xi32, #tpu.memory_space<vmem>>, vector<256x384xi32>
    %shift_left3A = arith.constant 16 : i32
    %shift_left3A_4 = vector.broadcast %shift_left3A : i32 to vector<256x384xi32>
    %shift_left3A_5 = arith.shli %get3A_3, %shift_left3A_4 : vector<256x384xi32>
    %bitcast_convert_type3A = tpu.bitcast %shift_left3A_5 : vector<256x384xi32> -> vector<256x384xf32>
    %and3A = arith.constant -65536 : i32
    %and3A_6 = vector.broadcast %and3A : i32 to vector<256x384xi32>
    %and3A_7 = arith.andi %get3A_3, %and3A_6 : vector<256x384xi32>
    %bitcast_convert_type3A_8 = tpu.bitcast %and3A_7 : vector<256x384xi32> -> vector<256x384xf32>
    %concatenate3A = tpu.concatenate %bitcast_convert_type3A, %bitcast_convert_type3A_8 in 1 : vector<256x384xf32>, vector<256x384xf32> -> vector<256x768xf32>
    %convert_element_type3A = arith.truncf %concatenate3A : vector<256x768xf32> to vector<256x768xbf16>
    %get3A_9 = arith.index_cast %get3A_0 : i32 to index
    %get3A_10 = arith.constant 0 : index
    %get3A_11 = arith.constant 0 : index
    %get3A_12 = vector.load %arg3[%get3A_9, %get3A_10, %get3A_11] : memref<8x768x768xbf16, #tpu.memory_space<vmem>>, vector<1x768x768xbf16>
    %get3A_13 = vector.shape_cast %get3A_12 : vector<1x768x768xbf16> to vector<768x768xbf16>
    %dot_general3A = arith.constant dense<0.000000e+00> : vector<256x768xf32>
    %dot_general3A_14 = tpu.matmul %convert_element_type3A, %get3A_13, %dot_general3A {dimension_numbers = #tpu.dot_dimension_numbers<[1], [0], [0], [1], [0, 0, 1, 1], [], []>, transpose_lhs_hint = false} : vector<256x768xbf16>, vector<768x768xbf16>, vector<256x768xf32> -> vector<256x768xf32>
    %get3A_15 = arith.index_cast %get3A_0 : i32 to index
    %get3A_16 = arith.constant 0 : index
    %get3A_17 = arith.constant 0 : index
    %get3A_18 = vector.load %arg4[%get3A_15, %get3A_16, %get3A_17] : memref<8x1x768xf32, #tpu.memory_space<vmem>>, vector<1x1x768xf32>
    %get3A_19 = vector.shape_cast %get3A_18 : vector<1x1x768xf32> to vector<1x768xf32>
    %add3A = vector.broadcast %get3A_19 : vector<1x768xf32> to vector<256x768xf32>
    %add3A_20 = arith.addf %dot_general3A_14, %add3A : vector<256x768xf32>
    %swap3A = arith.constant 0 : index
    %swap3A_21 = arith.constant 0 : index
    %swap3A_22 = vector.load %arg5[%swap3A, %swap3A_21] : memref<256x768xf32, #tpu.memory_space<vmem>>, vector<256x768xf32>
    tpu.vector_store %arg5[%swap3A, %swap3A_21], %add3A_20 {strides = array<i32>} : memref<256x768xf32, #tpu.memory_space<vmem>>, vector<256x768xf32>,
    return
  }
  func.func @transform_0(%arg0: i32, %arg1: memref<40xi32, #tpu.memory_space<smem>>) -> (i32, i32) {
    %c0_i32 = arith.constant 0 : i32
    %c0_i32_0 = arith.constant 0 : i32
    return %arg0, %c0_i32 : i32, i32
  }
  func.func @transform_1(%arg0: i32, %arg1: memref<40xi32, #tpu.memory_space<smem>>) -> (i32, i32, i32) {
    %c0_i32 = arith.constant 0 : i32
    %c0_i32_0 = arith.constant 0 : i32
    %c0_i32_1 = arith.constant 0 : i32
    %c0_i32_2 = arith.constant 0 : i32
    return %c0_i32, %c0_i32_0, %c0_i32_1 : i32, i32, i32
  }
  func.func @transform_2(%arg0: i32, %arg1: memref<40xi32, #tpu.memory_space<smem>>) -> (i32, i32, i32) {
    %c0_i32 = arith.constant 0 : i32
    %c0_i32_0 = arith.constant 0 : i32
    %c0_i32_1 = arith.constant 0 : i32
    %c0_i32_2 = arith.constant 0 : i32
    return %c0_i32, %c0_i32_0, %c0_i32_1 : i32, i32, i32
  }
  func.func @transform_3(%arg0: i32, %arg1: memref<40xi32, #tpu.memory_space<smem>>) -> (i32, i32) {
    %c0_i32 = arith.constant 0 : i32
    %c0_i32_0 = arith.constant 0 : i32
    return %arg0, %c0_i32 : i32, i32
  }
}

module attributes {stable_mosaic.version = 14 : i64} {
  func.func @_router_body(%arg0: memref<4096x768xf32, #tpu.memory_space<vmem>>, %arg1: memref<768x8xf32, #tpu.memory_space<vmem>>, %arg2: memref<8xf32, #tpu.memory_space<vmem>>, %arg3: memref<8x4096xi32, #tpu.memory_space<vmem>>, %arg4: memref<4096x32xf32, #tpu.memory_space<vmem>>, %arg5: memref<4096x384xi32, #tpu.memory_space<vmem>>) attributes {dimension_semantics = [], scalar_prefetch = 0 : i64, scratch_operands = 0 : i64, tpu.core_type = #tpu.core_type<tc>} {
    %get3A = arith.constant 0 : index
    %get3A_0 = arith.constant 0 : index
    %get3A_1 = vector.load %arg0[%get3A, %get3A_0] : memref<4096x768xf32, #tpu.memory_space<vmem>>, vector<4096x768xf32>
    %convert_element_type3A = arith.truncf %get3A_1 : vector<4096x768xf32> to vector<4096x768xbf16>
    %convert_element_type3A_2 = arith.extf %convert_element_type3A : vector<4096x768xbf16> to vector<4096x768xf32>
    %bitcast_convert_type3A = tpu.bitcast %convert_element_type3A_2 : vector<4096x768xf32> -> vector<4096x768xi32>
    %slice3A = vector.extract_strided_slice %bitcast_convert_type3A {offsets = [0, 0], sizes = [4096, 384], strides = [1, 1]} : vector<4096x768xi32> to vector<4096x384xi32>
    %shift_right_logical3A = arith.constant 16 : i32
    %shift_right_logical3A_3 = vector.broadcast %shift_right_logical3A : i32 to vector<4096x384xi32>
    %shift_right_logical3A_4 = arith.shrui %slice3A, %shift_right_logical3A_3 : vector<4096x384xi32>
    %slice3A_5 = vector.extract_strided_slice %bitcast_convert_type3A {offsets = [0, 384], sizes = [4096, 384], strides = [1, 1]} : vector<4096x768xi32> to vector<4096x384xi32>
    %and3A = arith.constant -65536 : i32
    %and3A_6 = vector.broadcast %and3A : i32 to vector<4096x384xi32>
    %and3A_7 = arith.andi %slice3A_5, %and3A_6 : vector<4096x384xi32>
    %or3A = arith.ori %shift_right_logical3A_4, %and3A_7 : vector<4096x384xi32>
    %swap3A = arith.constant 0 : index
    %swap3A_8 = arith.constant 0 : index
    %swap3A_9 = vector.load %arg5[%swap3A, %swap3A_8] : memref<4096x384xi32, #tpu.memory_space<vmem>>, vector<4096x384xi32>
    tpu.vector_store %arg5[%swap3A, %swap3A_8], %or3A {strides = array<i32>} : memref<4096x384xi32, #tpu.memory_space<vmem>>, vector<4096x384xi32>,
    %get3A_10 = arith.constant 0 : index
    %get3A_11 = arith.constant 0 : index
    %get3A_12 = vector.load %arg1[%get3A_10, %get3A_11] : memref<768x8xf32, #tpu.memory_space<vmem>>, vector<768x8xf32>
    %dot_general3A = arith.constant dense<0.000000e+00> : vector<4096x8xf32>
    %dot_general3A_13 = tpu.matmul %get3A_1, %get3A_12, %dot_general3A {dimension_numbers = #tpu.dot_dimension_numbers<[1], [0], [0], [1], [0, 0, 1, 1], [], []>, transpose_lhs_hint = false} : vector<4096x768xf32>, vector<768x8xf32>, vector<4096x8xf32> -> vector<4096x8xf32>
    %get3A_14 = arith.constant 0 : index
    %get3A_15 = vector.load %arg2[%get3A_14] : memref<8xf32, #tpu.memory_space<vmem>>, vector<8xf32>
    %broadcast_in_dim3A = vector.shape_cast %get3A_15 : vector<8xf32> to vector<1x8xf32>
    %add3A = vector.broadcast %broadcast_in_dim3A : vector<1x8xf32> to vector<4096x8xf32>
    %add3A_16 = arith.addf %dot_general3A_13, %add3A : vector<4096x8xf32>
    %reduce_max3A = arith.constant dense<0xFF800000> : vector<4096xf32>
    %reduce_max3A_17 = vector.multi_reduction <maximumf>, %add3A_16, %reduce_max3A [1] : vector<4096x8xf32> to vector<4096xf32>
    %broadcast_in_dim3A_18 = vector.shape_cast %reduce_max3A_17 : vector<4096xf32> to vector<4096x1xf32>
    %sub3A = vector.broadcast %broadcast_in_dim3A_18 : vector<4096x1xf32> to vector<4096x8xf32>
    %sub3A_19 = arith.subf %add3A_16, %sub3A : vector<4096x8xf32>
    %exp3A = math.exp %sub3A_19 : vector<4096x8xf32>
    %reduce_sum3A = arith.constant dense<0.000000e+00> : vector<4096xf32>
    %reduce_sum3A_20 = vector.multi_reduction <add>, %exp3A, %reduce_sum3A [1] : vector<4096x8xf32> to vector<4096xf32>
    %broadcast_in_dim3A_21 = vector.shape_cast %reduce_sum3A_20 : vector<4096xf32> to vector<4096x1xf32>
    %div3A = vector.broadcast %broadcast_in_dim3A_21 : vector<4096x1xf32> to vector<4096x8xf32>
    %div3A_22 = arith.divf %exp3A, %div3A : vector<4096x8xf32>
    %iota3A = tpu.iota {dimensions = array<i32: 1>} : vector<4096x8xi32>
    %reduce_max3A_23 = arith.constant dense<0xFF800000> : vector<4096xf32>
    %reduce_max3A_24 = vector.multi_reduction <maximumf>, %div3A_22, %reduce_max3A_23 [1] : vector<4096x8xf32> to vector<4096xf32>
    %broadcast_in_dim3A_25 = vector.shape_cast %reduce_max3A_24 : vector<4096xf32> to vector<4096x1xf32>
    %eq3A = vector.broadcast %broadcast_in_dim3A_25 : vector<4096x1xf32> to vector<4096x8xf32>
    %eq3A_26 = arith.cmpf oeq, %div3A_22, %eq3A : vector<4096x8xf32>
    %jit3A = arith.constant 8 : i32
    %broadcast_in_dim3A_27 = vector.broadcast %jit3A : i32 to vector<4096x8xi32>
    %select_n3A = arith.select %eq3A_26, %iota3A, %broadcast_in_dim3A_27 : vector<4096x8xi1>, vector<4096x8xi32>
    %reduce_min3A = arith.constant dense<2147483647> : vector<4096xi32>
    %reduce_min3A_28 = vector.multi_reduction <minsi>, %select_n3A, %reduce_min3A [1] : vector<4096x8xi32> to vector<4096xi32>
    %broadcast_in_dim3A_29 = vector.shape_cast %reduce_min3A_28 : vector<4096xi32> to vector<4096x1xi32>
    %eq3A_30 = vector.broadcast %broadcast_in_dim3A_29 : vector<4096x1xi32> to vector<4096x8xi32>
    %eq3A_31 = arith.cmpi eq, %iota3A, %eq3A_30 : vector<4096x8xi32>
    %jit3A_32 = arith.constant -1.000000e+00 : f32
    %broadcast_in_dim3A_33 = vector.broadcast %jit3A_32 : f32 to vector<4096x8xf32>
    %select_n3A_34 = arith.select %eq3A_31, %broadcast_in_dim3A_33, %div3A_22 : vector<4096x8xi1>, vector<4096x8xf32>
    %reduce_max3A_35 = arith.constant dense<0xFF800000> : vector<4096xf32>
    %reduce_max3A_36 = vector.multi_reduction <maximumf>, %select_n3A_34, %reduce_max3A_35 [1] : vector<4096x8xf32> to vector<4096xf32>
    %broadcast_in_dim3A_37 = vector.shape_cast %reduce_max3A_36 : vector<4096xf32> to vector<4096x1xf32>
    %eq3A_38 = vector.broadcast %broadcast_in_dim3A_37 : vector<4096x1xf32> to vector<4096x8xf32>
    %eq3A_39 = arith.cmpf oeq, %select_n3A_34, %eq3A_38 : vector<4096x8xf32>
    %jit3A_40 = arith.constant 8 : i32
    %broadcast_in_dim3A_41 = vector.broadcast %jit3A_40 : i32 to vector<4096x8xi32>
    %select_n3A_42 = arith.select %eq3A_39, %iota3A, %broadcast_in_dim3A_41 : vector<4096x8xi1>, vector<4096x8xi32>
    %reduce_min3A_43 = arith.constant dense<2147483647> : vector<4096xi32>
    %reduce_min3A_44 = vector.multi_reduction <minsi>, %select_n3A_42, %reduce_min3A_43 [1] : vector<4096x8xi32> to vector<4096xi32>
    %broadcast_in_dim3A_45 = vector.shape_cast %reduce_min3A_44 : vector<4096xi32> to vector<4096x1xi32>
    %eq3A_46 = vector.broadcast %broadcast_in_dim3A_45 : vector<4096x1xi32> to vector<4096x8xi32>
    %eq3A_47 = arith.cmpi eq, %iota3A, %eq3A_46 : vector<4096x8xi32>
    %broadcast_in_dim3A_48 = vector.shape_cast %broadcast_in_dim3A_25 : vector<4096x1xf32> to vector<4096x1xf32>
    %broadcast_in_dim3A_49 = vector.broadcast %broadcast_in_dim3A_48 : vector<4096x1xf32> to vector<4096x16xf32>
    %broadcast_in_dim3A_50 = vector.shape_cast %broadcast_in_dim3A_37 : vector<4096x1xf32> to vector<4096x1xf32>
    %broadcast_in_dim3A_51 = vector.broadcast %broadcast_in_dim3A_50 : vector<4096x1xf32> to vector<4096x16xf32>
    %concatenate3A = tpu.concatenate %broadcast_in_dim3A_49, %broadcast_in_dim3A_51 in 1 : vector<4096x16xf32>, vector<4096x16xf32> -> vector<4096x32xf32>
    %swap3A_52 = arith.constant 0 : index
    %swap3A_53 = arith.constant 0 : index
    %swap3A_54 = vector.load %arg4[%swap3A_52, %swap3A_53] : memref<4096x32xf32, #tpu.memory_space<vmem>>, vector<4096x32xf32>
    tpu.vector_store %arg4[%swap3A_52, %swap3A_53], %concatenate3A {strides = array<i32>} : memref<4096x32xf32, #tpu.memory_space<vmem>>, vector<4096x32xf32>,
    %convert_element_type3A_55 = arith.extui %eq3A_31 : vector<4096x8xi1> to vector<4096x8xi32>
    %convert_element_type3A_56 = arith.sitofp %convert_element_type3A_55 : vector<4096x8xi32> to vector<4096x8xf32>
    %transpose3A = tpu.transpose %convert_element_type3A_56, [1, 0] : vector<4096x8xf32> -> vector<8x4096xf32>
    %convert_element_type3A_57 = arith.extui %eq3A_47 : vector<4096x8xi1> to vector<4096x8xi32>
    %convert_element_type3A_58 = arith.sitofp %convert_element_type3A_57 : vector<4096x8xi32> to vector<4096x8xf32>
    %transpose3A_59 = tpu.transpose %convert_element_type3A_58, [1, 0] : vector<4096x8xf32> -> vector<8x4096xf32>
    %broadcast_in_dim3A_60 = arith.constant 0.000000e+00 : f32
    %broadcast_in_dim3A_61 = vector.broadcast %broadcast_in_dim3A_60 : f32 to vector<8x1xf32>
    %slice3A_62 = vector.extract_strided_slice %transpose3A {offsets = [0, 0], sizes = [8, 4095], strides = [1, 1]} : vector<8x4096xf32> to vector<8x4095xf32>
    %concatenate3A_63 = tpu.concatenate %broadcast_in_dim3A_61, %slice3A_62 in 1 : vector<8x1xf32>, vector<8x4095xf32> -> vector<8x4096xf32>
    %add3A_64 = arith.addf %transpose3A, %concatenate3A_63 : vector<8x4096xf32>
    %broadcast_in_dim3A_65 = arith.constant 0.000000e+00 : f32
    %broadcast_in_dim3A_66 = vector.broadcast %broadcast_in_dim3A_65 : f32 to vector<8x2xf32>
    %slice3A_67 = vector.extract_strided_slice %add3A_64 {offsets = [0, 0], sizes = [8, 4094], strides = [1, 1]} : vector<8x4096xf32> to vector<8x4094xf32>
    %concatenate3A_68 = tpu.concatenate %broadcast_in_dim3A_66, %slice3A_67 in 1 : vector<8x2xf32>, vector<8x4094xf32> -> vector<8x4096xf32>
    %add3A_69 = arith.addf %add3A_64, %concatenate3A_68 : vector<8x4096xf32>
    %broadcast_in_dim3A_70 = arith.constant 0.000000e+00 : f32
    %broadcast_in_dim3A_71 = vector.broadcast %broadcast_in_dim3A_70 : f32 to vector<8x4xf32>
    %slice3A_72 = vector.extract_strided_slice %add3A_69 {offsets = [0, 0], sizes = [8, 4092], strides = [1, 1]} : vector<8x4096xf32> to vector<8x4092xf32>
    %concatenate3A_73 = tpu.concatenate %broadcast_in_dim3A_71, %slice3A_72 in 1 : vector<8x4xf32>, vector<8x4092xf32> -> vector<8x4096xf32>
    %add3A_74 = arith.addf %add3A_69, %concatenate3A_73 : vector<8x4096xf32>
    %broadcast_in_dim3A_75 = arith.constant 0.000000e+00 : f32
    %broadcast_in_dim3A_76 = vector.broadcast %broadcast_in_dim3A_75 : f32 to vector<8x8xf32>
    %slice3A_77 = vector.extract_strided_slice %add3A_74 {offsets = [0, 0], sizes = [8, 4088], strides = [1, 1]} : vector<8x4096xf32> to vector<8x4088xf32>
    %concatenate3A_78 = tpu.concatenate %broadcast_in_dim3A_76, %slice3A_77 in 1 : vector<8x8xf32>, vector<8x4088xf32> -> vector<8x4096xf32>
    %add3A_79 = arith.addf %add3A_74, %concatenate3A_78 : vector<8x4096xf32>
    %broadcast_in_dim3A_80 = arith.constant 0.000000e+00 : f32
    %broadcast_in_dim3A_81 = vector.broadcast %broadcast_in_dim3A_80 : f32 to vector<8x16xf32>
    %slice3A_82 = vector.extract_strided_slice %add3A_79 {offsets = [0, 0], sizes = [8, 4080], strides = [1, 1]} : vector<8x4096xf32> to vector<8x4080xf32>
    %concatenate3A_83 = tpu.concatenate %broadcast_in_dim3A_81, %slice3A_82 in 1 : vector<8x16xf32>, vector<8x4080xf32> -> vector<8x4096xf32>
    %add3A_84 = arith.addf %add3A_79, %concatenate3A_83 : vector<8x4096xf32>
    %broadcast_in_dim3A_85 = arith.constant 0.000000e+00 : f32
    %broadcast_in_dim3A_86 = vector.broadcast %broadcast_in_dim3A_85 : f32 to vector<8x32xf32>
    %slice3A_87 = vector.extract_strided_slice %add3A_84 {offsets = [0, 0], sizes = [8, 4064], strides = [1, 1]} : vector<8x4096xf32> to vector<8x4064xf32>
    %concatenate3A_88 = tpu.concatenate %broadcast_in_dim3A_86, %slice3A_87 in 1 : vector<8x32xf32>, vector<8x4064xf32> -> vector<8x4096xf32>
    %add3A_89 = arith.addf %add3A_84, %concatenate3A_88 : vector<8x4096xf32>
    %broadcast_in_dim3A_90 = arith.constant 0.000000e+00 : f32
    %broadcast_in_dim3A_91 = vector.broadcast %broadcast_in_dim3A_90 : f32 to vector<8x64xf32>
    %slice3A_92 = vector.extract_strided_slice %add3A_89 {offsets = [0, 0], sizes = [8, 4032], strides = [1, 1]} : vector<8x4096xf32> to vector<8x4032xf32>
    %concatenate3A_93 = tpu.concatenate %broadcast_in_dim3A_91, %slice3A_92 in 1 : vector<8x64xf32>, vector<8x4032xf32> -> vector<8x4096xf32>
    %add3A_94 = arith.addf %add3A_89, %concatenate3A_93 : vector<8x4096xf32>
    %broadcast_in_dim3A_95 = arith.constant 0.000000e+00 : f32
    %broadcast_in_dim3A_96 = vector.broadcast %broadcast_in_dim3A_95 : f32 to vector<8x128xf32>
    %slice3A_97 = vector.extract_strided_slice %add3A_94 {offsets = [0, 0], sizes = [8, 3968], strides = [1, 1]} : vector<8x4096xf32> to vector<8x3968xf32>
    %concatenate3A_98 = tpu.concatenate %broadcast_in_dim3A_96, %slice3A_97 in 1 : vector<8x128xf32>, vector<8x3968xf32> -> vector<8x4096xf32>
    %add3A_99 = arith.addf %add3A_94, %concatenate3A_98 : vector<8x4096xf32>
    %broadcast_in_dim3A_100 = arith.constant 0.000000e+00 : f32
    %broadcast_in_dim3A_101 = vector.broadcast %broadcast_in_dim3A_100 : f32 to vector<8x256xf32>
    %slice3A_102 = vector.extract_strided_slice %add3A_99 {offsets = [0, 0], sizes = [8, 3840], strides = [1, 1]} : vector<8x4096xf32> to vector<8x3840xf32>
    %concatenate3A_103 = tpu.concatenate %broadcast_in_dim3A_101, %slice3A_102 in 1 : vector<8x256xf32>, vector<8x3840xf32> -> vector<8x4096xf32>
    %add3A_104 = arith.addf %add3A_99, %concatenate3A_103 : vector<8x4096xf32>
    %broadcast_in_dim3A_105 = arith.constant 0.000000e+00 : f32
    %broadcast_in_dim3A_106 = vector.broadcast %broadcast_in_dim3A_105 : f32 to vector<8x512xf32>
    %slice3A_107 = vector.extract_strided_slice %add3A_104 {offsets = [0, 0], sizes = [8, 3584], strides = [1, 1]} : vector<8x4096xf32> to vector<8x3584xf32>
    %concatenate3A_108 = tpu.concatenate %broadcast_in_dim3A_106, %slice3A_107 in 1 : vector<8x512xf32>, vector<8x3584xf32> -> vector<8x4096xf32>
    %add3A_109 = arith.addf %add3A_104, %concatenate3A_108 : vector<8x4096xf32>
    %broadcast_in_dim3A_110 = arith.constant 0.000000e+00 : f32
    %broadcast_in_dim3A_111 = vector.broadcast %broadcast_in_dim3A_110 : f32 to vector<8x1024xf32>
    %slice3A_112 = vector.extract_strided_slice %add3A_109 {offsets = [0, 0], sizes = [8, 3072], strides = [1, 1]} : vector<8x4096xf32> to vector<8x3072xf32>
    %concatenate3A_113 = tpu.concatenate %broadcast_in_dim3A_111, %slice3A_112 in 1 : vector<8x1024xf32>, vector<8x3072xf32> -> vector<8x4096xf32>
    %add3A_114 = arith.addf %add3A_109, %concatenate3A_113 : vector<8x4096xf32>
    %broadcast_in_dim3A_115 = arith.constant 0.000000e+00 : f32
    %broadcast_in_dim3A_116 = vector.broadcast %broadcast_in_dim3A_115 : f32 to vector<8x2048xf32>
    %slice3A_117 = vector.extract_strided_slice %add3A_114 {offsets = [0, 0], sizes = [8, 2048], strides = [1, 1]} : vector<8x4096xf32> to vector<8x2048xf32>
    %concatenate3A_118 = tpu.concatenate %broadcast_in_dim3A_116, %slice3A_117 in 1 : vector<8x2048xf32>, vector<8x2048xf32> -> vector<8x4096xf32>
    %add3A_119 = arith.addf %add3A_114, %concatenate3A_118 : vector<8x4096xf32>
    %sub3A_120 = arith.subf %add3A_119, %transpose3A : vector<8x4096xf32>
    %slice3A_121 = vector.extract_strided_slice %add3A_119 {offsets = [0, 4095], sizes = [8, 1], strides = [1, 1]} : vector<8x4096xf32> to vector<8x1xf32>
    %broadcast_in_dim3A_122 = arith.constant 0.000000e+00 : f32
    %broadcast_in_dim3A_123 = vector.broadcast %broadcast_in_dim3A_122 : f32 to vector<8x1xf32>
    %slice3A_124 = vector.extract_strided_slice %transpose3A_59 {offsets = [0, 0], sizes = [8, 4095], strides = [1, 1]} : vector<8x4096xf32> to vector<8x4095xf32>
    %concatenate3A_125 = tpu.concatenate %broadcast_in_dim3A_123, %slice3A_124 in 1 : vector<8x1xf32>, vector<8x4095xf32> -> vector<8x4096xf32>
    %add3A_126 = arith.addf %transpose3A_59, %concatenate3A_125 : vector<8x4096xf32>
    %broadcast_in_dim3A_127 = arith.constant 0.000000e+00 : f32
    %broadcast_in_dim3A_128 = vector.broadcast %broadcast_in_dim3A_127 : f32 to vector<8x2xf32>
    %slice3A_129 = vector.extract_strided_slice %add3A_126 {offsets = [0, 0], sizes = [8, 4094], strides = [1, 1]} : vector<8x4096xf32> to vector<8x4094xf32>
    %concatenate3A_130 = tpu.concatenate %broadcast_in_dim3A_128, %slice3A_129 in 1 : vector<8x2xf32>, vector<8x4094xf32> -> vector<8x4096xf32>
    %add3A_131 = arith.addf %add3A_126, %concatenate3A_130 : vector<8x4096xf32>
    %broadcast_in_dim3A_132 = arith.constant 0.000000e+00 : f32
    %broadcast_in_dim3A_133 = vector.broadcast %broadcast_in_dim3A_132 : f32 to vector<8x4xf32>
    %slice3A_134 = vector.extract_strided_slice %add3A_131 {offsets = [0, 0], sizes = [8, 4092], strides = [1, 1]} : vector<8x4096xf32> to vector<8x4092xf32>
    %concatenate3A_135 = tpu.concatenate %broadcast_in_dim3A_133, %slice3A_134 in 1 : vector<8x4xf32>, vector<8x4092xf32> -> vector<8x4096xf32>
    %add3A_136 = arith.addf %add3A_131, %concatenate3A_135 : vector<8x4096xf32>
    %broadcast_in_dim3A_137 = arith.constant 0.000000e+00 : f32
    %broadcast_in_dim3A_138 = vector.broadcast %broadcast_in_dim3A_137 : f32 to vector<8x8xf32>
    %slice3A_139 = vector.extract_strided_slice %add3A_136 {offsets = [0, 0], sizes = [8, 4088], strides = [1, 1]} : vector<8x4096xf32> to vector<8x4088xf32>
    %concatenate3A_140 = tpu.concatenate %broadcast_in_dim3A_138, %slice3A_139 in 1 : vector<8x8xf32>, vector<8x4088xf32> -> vector<8x4096xf32>
    %add3A_141 = arith.addf %add3A_136, %concatenate3A_140 : vector<8x4096xf32>
    %broadcast_in_dim3A_142 = arith.constant 0.000000e+00 : f32
    %broadcast_in_dim3A_143 = vector.broadcast %broadcast_in_dim3A_142 : f32 to vector<8x16xf32>
    %slice3A_144 = vector.extract_strided_slice %add3A_141 {offsets = [0, 0], sizes = [8, 4080], strides = [1, 1]} : vector<8x4096xf32> to vector<8x4080xf32>
    %concatenate3A_145 = tpu.concatenate %broadcast_in_dim3A_143, %slice3A_144 in 1 : vector<8x16xf32>, vector<8x4080xf32> -> vector<8x4096xf32>
    %add3A_146 = arith.addf %add3A_141, %concatenate3A_145 : vector<8x4096xf32>
    %broadcast_in_dim3A_147 = arith.constant 0.000000e+00 : f32
    %broadcast_in_dim3A_148 = vector.broadcast %broadcast_in_dim3A_147 : f32 to vector<8x32xf32>
    %slice3A_149 = vector.extract_strided_slice %add3A_146 {offsets = [0, 0], sizes = [8, 4064], strides = [1, 1]} : vector<8x4096xf32> to vector<8x4064xf32>
    %concatenate3A_150 = tpu.concatenate %broadcast_in_dim3A_148, %slice3A_149 in 1 : vector<8x32xf32>, vector<8x4064xf32> -> vector<8x4096xf32>
    %add3A_151 = arith.addf %add3A_146, %concatenate3A_150 : vector<8x4096xf32>
    %broadcast_in_dim3A_152 = arith.constant 0.000000e+00 : f32
    %broadcast_in_dim3A_153 = vector.broadcast %broadcast_in_dim3A_152 : f32 to vector<8x64xf32>
    %slice3A_154 = vector.extract_strided_slice %add3A_151 {offsets = [0, 0], sizes = [8, 4032], strides = [1, 1]} : vector<8x4096xf32> to vector<8x4032xf32>
    %concatenate3A_155 = tpu.concatenate %broadcast_in_dim3A_153, %slice3A_154 in 1 : vector<8x64xf32>, vector<8x4032xf32> -> vector<8x4096xf32>
    %add3A_156 = arith.addf %add3A_151, %concatenate3A_155 : vector<8x4096xf32>
    %broadcast_in_dim3A_157 = arith.constant 0.000000e+00 : f32
    %broadcast_in_dim3A_158 = vector.broadcast %broadcast_in_dim3A_157 : f32 to vector<8x128xf32>
    %slice3A_159 = vector.extract_strided_slice %add3A_156 {offsets = [0, 0], sizes = [8, 3968], strides = [1, 1]} : vector<8x4096xf32> to vector<8x3968xf32>
    %concatenate3A_160 = tpu.concatenate %broadcast_in_dim3A_158, %slice3A_159 in 1 : vector<8x128xf32>, vector<8x3968xf32> -> vector<8x4096xf32>
    %add3A_161 = arith.addf %add3A_156, %concatenate3A_160 : vector<8x4096xf32>
    %broadcast_in_dim3A_162 = arith.constant 0.000000e+00 : f32
    %broadcast_in_dim3A_163 = vector.broadcast %broadcast_in_dim3A_162 : f32 to vector<8x256xf32>
    %slice3A_164 = vector.extract_strided_slice %add3A_161 {offsets = [0, 0], sizes = [8, 3840], strides = [1, 1]} : vector<8x4096xf32> to vector<8x3840xf32>
    %concatenate3A_165 = tpu.concatenate %broadcast_in_dim3A_163, %slice3A_164 in 1 : vector<8x256xf32>, vector<8x3840xf32> -> vector<8x4096xf32>
    %add3A_166 = arith.addf %add3A_161, %concatenate3A_165 : vector<8x4096xf32>
    %broadcast_in_dim3A_167 = arith.constant 0.000000e+00 : f32
    %broadcast_in_dim3A_168 = vector.broadcast %broadcast_in_dim3A_167 : f32 to vector<8x512xf32>
    %slice3A_169 = vector.extract_strided_slice %add3A_166 {offsets = [0, 0], sizes = [8, 3584], strides = [1, 1]} : vector<8x4096xf32> to vector<8x3584xf32>
    %concatenate3A_170 = tpu.concatenate %broadcast_in_dim3A_168, %slice3A_169 in 1 : vector<8x512xf32>, vector<8x3584xf32> -> vector<8x4096xf32>
    %add3A_171 = arith.addf %add3A_166, %concatenate3A_170 : vector<8x4096xf32>
    %broadcast_in_dim3A_172 = arith.constant 0.000000e+00 : f32
    %broadcast_in_dim3A_173 = vector.broadcast %broadcast_in_dim3A_172 : f32 to vector<8x1024xf32>
    %slice3A_174 = vector.extract_strided_slice %add3A_171 {offsets = [0, 0], sizes = [8, 3072], strides = [1, 1]} : vector<8x4096xf32> to vector<8x3072xf32>
    %concatenate3A_175 = tpu.concatenate %broadcast_in_dim3A_173, %slice3A_174 in 1 : vector<8x1024xf32>, vector<8x3072xf32> -> vector<8x4096xf32>
    %add3A_176 = arith.addf %add3A_171, %concatenate3A_175 : vector<8x4096xf32>
    %broadcast_in_dim3A_177 = arith.constant 0.000000e+00 : f32
    %broadcast_in_dim3A_178 = vector.broadcast %broadcast_in_dim3A_177 : f32 to vector<8x2048xf32>
    %slice3A_179 = vector.extract_strided_slice %add3A_176 {offsets = [0, 0], sizes = [8, 2048], strides = [1, 1]} : vector<8x4096xf32> to vector<8x2048xf32>
    %concatenate3A_180 = tpu.concatenate %broadcast_in_dim3A_178, %slice3A_179 in 1 : vector<8x2048xf32>, vector<8x2048xf32> -> vector<8x4096xf32>
    %add3A_181 = arith.addf %add3A_176, %concatenate3A_180 : vector<8x4096xf32>
    %sub3A_182 = arith.subf %add3A_181, %transpose3A_59 : vector<8x4096xf32>
    %slice3A_183 = vector.extract_strided_slice %add3A_181 {offsets = [0, 4095], sizes = [8, 1], strides = [1, 1]} : vector<8x4096xf32> to vector<8x1xf32>
    %add3A_184 = arith.addf %slice3A_121, %slice3A_183 : vector<8x1xf32>
    %add3A_185 = arith.constant 2.550000e+02 : f32
    %add3A_186 = vector.broadcast %add3A_185 : f32 to vector<8x1xf32>
    %add3A_187 = arith.addf %add3A_184, %add3A_186 : vector<8x1xf32>
    %div3A_188 = arith.constant 2.560000e+02 : f32
    %div3A_189 = vector.broadcast %div3A_188 : f32 to vector<8x1xf32>
    %div3A_190 = arith.divf %add3A_187, %div3A_189 : vector<8x1xf32>
    %floor3A = math.floor %div3A_190 : vector<8x1xf32>
    %mul3A = arith.constant 2.560000e+02 : f32
    %mul3A_191 = vector.broadcast %mul3A : f32 to vector<8x1xf32>
    %mul3A_192 = arith.mulf %floor3A, %mul3A_191 : vector<8x1xf32>
    %broadcast_in_dim3A_193 = arith.constant 0.000000e+00 : f32
    %broadcast_in_dim3A_194 = vector.broadcast %broadcast_in_dim3A_193 : f32 to vector<1x1xf32>
    %slice3A_195 = vector.extract_strided_slice %mul3A_192 {offsets = [0, 0], sizes = [7, 1], strides = [1, 1]} : vector<8x1xf32> to vector<7x1xf32>
    %concatenate3A_196 = tpu.concatenate %broadcast_in_dim3A_194, %slice3A_195 in 0 : vector<1x1xf32>, vector<7x1xf32> -> vector<8x1xf32>
    %add3A_197 = arith.addf %mul3A_192, %concatenate3A_196 : vector<8x1xf32>
    %broadcast_in_dim3A_198 = arith.constant 0.000000e+00 : f32
    %broadcast_in_dim3A_199 = vector.broadcast %broadcast_in_dim3A_198 : f32 to vector<2x1xf32>
    %slice3A_200 = vector.extract_strided_slice %add3A_197 {offsets = [0, 0], sizes = [6, 1], strides = [1, 1]} : vector<8x1xf32> to vector<6x1xf32>
    %concatenate3A_201 = tpu.concatenate %broadcast_in_dim3A_199, %slice3A_200 in 0 : vector<2x1xf32>, vector<6x1xf32> -> vector<8x1xf32>
    %add3A_202 = arith.addf %add3A_197, %concatenate3A_201 : vector<8x1xf32>
    %broadcast_in_dim3A_203 = arith.constant 0.000000e+00 : f32
    %broadcast_in_dim3A_204 = vector.broadcast %broadcast_in_dim3A_203 : f32 to vector<4x1xf32>
    %slice3A_205 = vector.extract_strided_slice %add3A_202 {offsets = [0, 0], sizes = [4, 1], strides = [1, 1]} : vector<8x1xf32> to vector<4x1xf32>
    %concatenate3A_206 = tpu.concatenate %broadcast_in_dim3A_204, %slice3A_205 in 0 : vector<4x1xf32>, vector<4x1xf32> -> vector<8x1xf32>
    %add3A_207 = arith.addf %add3A_202, %concatenate3A_206 : vector<8x1xf32>
    %sub3A_208 = arith.subf %add3A_207, %mul3A_192 : vector<8x1xf32>
    %add3A_209 = vector.broadcast %sub3A_208 : vector<8x1xf32> to vector<8x4096xf32>
    %add3A_210 = arith.addf %add3A_209, %sub3A_120 : vector<8x4096xf32>
    %mul3A_211 = arith.mulf %transpose3A, %add3A_210 : vector<8x4096xf32>
    %reduce_sum3A_212 = arith.constant dense<0.000000e+00> : vector<4096xf32>
    %reduce_sum3A_213 = vector.multi_reduction <add>, %mul3A_211, %reduce_sum3A_212 [0] : vector<8x4096xf32> to vector<4096xf32>
    %broadcast_in_dim3A_214 = vector.shape_cast %reduce_sum3A_213 : vector<4096xf32> to vector<1x4096xf32>
    %add3A_215 = arith.addf %sub3A_208, %slice3A_121 : vector<8x1xf32>
    %add3A_216 = vector.broadcast %add3A_215 : vector<8x1xf32> to vector<8x4096xf32>
    %add3A_217 = arith.addf %add3A_216, %sub3A_182 : vector<8x4096xf32>
    %mul3A_218 = arith.mulf %transpose3A_59, %add3A_217 : vector<8x4096xf32>
    %reduce_sum3A_219 = arith.constant dense<0.000000e+00> : vector<4096xf32>
    %reduce_sum3A_220 = vector.multi_reduction <add>, %mul3A_218, %reduce_sum3A_219 [0] : vector<8x4096xf32> to vector<4096xf32>
    %broadcast_in_dim3A_221 = vector.shape_cast %reduce_sum3A_220 : vector<4096xf32> to vector<1x4096xf32>
    %div3A_222 = arith.constant 2.560000e+02 : f32
    %div3A_223 = vector.broadcast %div3A_222 : f32 to vector<8x1xf32>
    %div3A_224 = arith.divf %sub3A_208, %div3A_223 : vector<8x1xf32>
    %iota3A_225 = tpu.iota {dimensions = array<i32: 1>} : vector<8x64xi32>
    %convert_element_type3A_226 = arith.sitofp %iota3A_225 : vector<8x64xi32> to vector<8x64xf32>
    %ge3A = vector.broadcast %div3A_224 : vector<8x1xf32> to vector<8x64xf32>
    %ge3A_227 = arith.cmpf oge, %convert_element_type3A_226, %ge3A : vector<8x64xf32>
    %convert_element_type3A_228 = arith.extui %ge3A_227 : vector<8x64xi1> to vector<8x64xi32>
    %convert_element_type3A_229 = arith.sitofp %convert_element_type3A_228 : vector<8x64xi32> to vector<8x64xf32>
    %reduce_sum3A_230 = arith.constant dense<0.000000e+00> : vector<64xf32>
    %reduce_sum3A_231 = vector.multi_reduction <add>, %convert_element_type3A_229, %reduce_sum3A_230 [0] : vector<8x64xf32> to vector<64xf32>
    %broadcast_in_dim3A_232 = vector.shape_cast %reduce_sum3A_231 : vector<64xf32> to vector<1x64xf32>
    %sub3A_233 = arith.constant 1.000000e+00 : f32
    %sub3A_234 = vector.broadcast %sub3A_233 : f32 to vector<1x64xf32>
    %sub3A_235 = arith.subf %broadcast_in_dim3A_232, %sub3A_234 : vector<1x64xf32>
    %broadcast_in_dim3A_236 = arith.constant 0.000000e+00 : f32
    %broadcast_in_dim3A_237 = vector.broadcast %broadcast_in_dim3A_236 : f32 to vector<1x4032xf32>
    %concatenate3A_238 = tpu.concatenate %sub3A_235, %broadcast_in_dim3A_237 in 1 : vector<1x64xf32>, vector<1x4032xf32> -> vector<1x4096xf32>
    %broadcast_in_dim3A_239 = arith.constant 0.000000e+00 : f32
    %broadcast_in_dim3A_240 = vector.broadcast %broadcast_in_dim3A_239 : f32 to vector<5x4096xf32>
    %concatenate3A_241 = tpu.concatenate %broadcast_in_dim3A_214, %broadcast_in_dim3A_221, %concatenate3A_238, %broadcast_in_dim3A_240 in 0 : vector<1x4096xf32>, vector<1x4096xf32>, vector<1x4096xf32>, vector<5x4096xf32> -> vector<8x4096xf32>
    %convert_element_type3A_242 = arith.fptosi %concatenate3A_241 : vector<8x4096xf32> to vector<8x4096xi32>
    %swap3A_243 = arith.constant 0 : index
    %swap3A_244 = arith.constant 0 : index
    %swap3A_245 = vector.load %arg3[%swap3A_243, %swap3A_244] : memref<8x4096xi32, #tpu.memory_space<vmem>>, vector<8x4096xi32>
    tpu.vector_store %arg3[%swap3A_243, %swap3A_244], %convert_element_type3A_242 {strides = array<i32>} : memref<8x4096xi32, #tpu.memory_space<vmem>>, vector<8x4096xi32>,
    return
  }
}

</mosaic_0001>

<sc_bundles>
// kernel: kernel.6.cloned.1.call-start
scs
__scs_entry_jumppad:
0x0: {  	(pc) =	sbr.rel $0x88, $3  }
0x1: {  	(tag) =	ssettag $0x0;
	lr =	simm.s32 $0x1  }
0x2: {  	[smem:$0x3F9C] =	sst lr;
	_ =	strace $0xD0000000  }
0x3: {  	_ = 	snop  }
0x4: {  	_ = 	snop  }
0x5: {  	_ = 	snop  }
0x6: {  	_ = 	snop  }
0x7: {  	_ = 	snop  }
__scs_overlays_trampoline_lowered:
0x8: {  	[smem:$0x3FAB] =	sst s0  }
0x9: {  	[smem:$0x3FAC] =	sst s1  }
0xa: {  	[smem:$0x3FAD] =	sst s2  }
0xb: {  	[smem:$0x3FAE] =	sst s3  }
0xc: {  	[smem:$0x3FAF] =	sst s4  }
0xd: {  	[smem:$0x3FB0] =	sst s5  }
0xe: {  	[smem:$0x3FB1] =	sst s6  }
0xf: {  	[smem:$0x3FB2] =	sst s7  }
0x10: {  	[smem:$0x3FB3] =	sst s8  }
0x11: {  	[smem:$0x3FB4] =	sst s9;
	s0 =	simm.s32 @!p0 $0x0  }
0x12: {  	s1 =	sld [smem:$0x3F9A];
	s0 =	simm.s32 @p0 $0x1  }
0x13: {  	[smem:$0x3FB5] =	sst s0;
	s0 =	simm.s32 @!p1 $0x0  }
0x14: {  	s2 =	sld [smem:$0x3F99];
	s0 =	simm.s32 @p1 $0x1  }
0x15: {  	[smem:$0x3FB6] =	sst s0;
	s0 =	simm.s32 @!p2 $0x0  }
0x16: {  	s3 =	sld [smem:$0x3FDB];
	s0 =	simm.s32 @p2 $0x1  }
0x17: {  	s4 =	simm.s32 $0x1BF5;
	[smem:$0x3FB8] =	sst s0  }
0x18: {  	s0 =	sld [smem:$0x3F9B];
	_ =	swait.ge [sflag:s4], $0x0  }
0x19: {  	s7 =	sld [smem:$0x3F9C]  }
0x1a: {  	s8 =	sadd.s32 $0xFFFFE003, lr  }
0x1b: {  	s9 =	sadd.s32 $0xFFFFFEF7, lr;
	s5 =	simm.s32 $0xFFFFFFFF;
	p2 =	slt.u32 s8, $0xFFFFF086  }
0x1c: {  	p1 =	slt.u32 s9, $0xF7A;
	s5 =	simm.s32 @!p2 $0x0  }
0x1d: {  	s5 =	simm.s32 @p1 $0x1;
	p0 =	seq.s32 s7, s2  }
0x1e: {  	s7 =	smul.u32 @!p0 $0xF7A, s2;
	p2 =	seq.s32 @!p0 s5, $0x0  }
0x1f: {  	s9 =	smul.u32 $0xF7A, s1;
	s8 =	simm.s32 @!p0 $0x1BF5;
	p2 =	por !p2, p0  }
0x20: {  	[sflag:s8] =	ssyncset.s32 @!p0 $0xFFFFF086;
	s6 =	sadd.s32 @!p0 s3, s7;
	s7 =	simm.s32 @!p0 $0x108  }
0x21: {  	s3 =	sadd.s32 s3, s9;
	s6 =	sadd.s32 @!p0 $0x88, s6;
	s7 =	simm.s32 @p2 $0x1082  }
0x22: {  	[simem:s7], [sflag:s8] =	dma.local @!p0 [hbm:s6], $0xF7A  }
0x23: {  	s9 =	sor.u32 $0xD0000000, s2;
	s6 =	simm.s32 $0x108;
	_ =	swait.ge @!p0 [sflag:s8], $0x0  }
0x24: {  	s3 =	sadd.s32 $0x88, s3;
	s6 =	simm.s32 @!p1 $0x1082;
	[sflag:s4] =	ssyncset.s32 $0xFFFFF086  }
0x25: {  	[simem:s6], [sflag:s4] =	dma.local [hbm:s3], $0xF7A  }
0x26: {  	[smem:$0x3F9C] =	sst s1;
	(tag) =	ssettag s2;
	_ =	strace s9  }
0x27: {  	s1 =	sld [smem:$0x3FAC]  }
0x28: {  	s2 =	sld [smem:$0x3FAD]  }
0x29: {  	s4 =	sld [smem:$0x3FAF]  }
0x2a: {  	p0 =	seq.s32 s5, $0x0;
	s5 =	sld [smem:$0x3FB0]  }
0x2b: {  	s6 =	sld [smem:$0x3FB1]  }
0x2c: {  	s7 =	sld [smem:$0x3FB2]  }
0x2d: {  	s3 =	simm.s32 $0x108;
	s8 =	sld [smem:$0x3FB3]  }
0x2e: {  	s3 =	simm.s32 @!p0 $0x1082;
	s9 =	sld [smem:$0x3FB4]  }
0x2f: {  	lr =	sadd.s32 s0, s3;
	s0 =	sld [smem:$0x3FAB]  }
0x30: {  	s3 =	sld [smem:$0x3FAE]  }
0x31: {  	[smem:$0x3FB7] =	sst s10  }
0x32: {  	s10 =	sld [smem:$0x3FB5];
	_ =	sdelay $0x3  }
0x33: {  	p0 =	seq.s32 s10, $0x1;
	s10 =	sld [smem:$0x3FB7];
	_ =	sdelay $0x3  }
0x34: {  	[smem:$0x3FB7] =	sst s10  }
0x35: {  	s10 =	sld [smem:$0x3FB6];
	_ =	sdelay $0x3  }
0x36: {  	p1 =	seq.s32 s10, $0x1;
	s10 =	sld [smem:$0x3FB7];
	_ =	sdelay $0x3  }
0x37: {  	[smem:$0x3FB7] =	sst s10  }
0x38: {  	s10 =	sld [smem:$0x3FB8]  }
0x39: {  	_ = 	snop;
	(pc) =	sbr.ind lr, $3  }
0x3a: {  	_ = 	snop  }
0x3b: {  	_ = 	snop  }
0x3c: {  	p2 =	seq.s32 s10, $0x1;
	s10 =	sld [smem:$0x3FB7]  }
0x3d: {  	_ =	shalt  }
0x3e: {  	_ =	shalt  }
0x3f: {  	_ =	shalt  }
0x40: {  	_ =	shalt  }
0x41: {  	_ =	shalt  }
0x42: {  	_ =	shalt  }
0x43: {  	_ =	shalt  }
0x44: {  	_ =	shalt  }
0x45: {  	_ =	shalt  }
0x46: {  	_ =	shalt  }
0x47: {  	_ =	shalt  }
0x48: {  	_ =	shalt  }
0x49: {  	_ =	shalt  }
0x4a: {  	_ =	shalt  }
0x4b: {  	_ =	shalt  }
0x4c: {  	_ =	shalt  }
0x4d: {  	_ =	shalt  }
0x4e: {  	_ =	shalt  }
0x4f: {  	_ =	shalt  }
0x50: {  	_ =	shalt  }
0x51: {  	_ =	shalt  }
0x52: {  	_ =	shalt  }
0x53: {  	_ =	shalt  }
0x54: {  	_ =	shalt  }
0x55: {  	_ =	shalt  }
0x56: {  	_ =	shalt  }
0x57: {  	_ =	shalt  }
0x58: {  	_ =	shalt  }
0x59: {  	_ =	shalt  }
0x5a: {  	_ =	shalt  }
0x5b: {  	_ =	shalt  }
0x5c: {  	_ =	shalt  }
0x5d: {  	_ =	shalt  }
0x5e: {  	_ =	shalt  }
0x5f: {  	_ =	shalt  }
0x60: {  	_ =	shalt  }
0x61: {  	_ =	shalt  }
0x62: {  	_ =	shalt  }
0x63: {  	_ =	shalt  }
0x64: {  	_ =	shalt  }
0x65: {  	_ =	shalt  }
0x66: {  	_ =	shalt  }
0x67: {  	_ =	shalt  }
0x68: {  	_ =	shalt  }
0x69: {  	_ =	shalt  }
0x6a: {  	_ =	shalt  }
0x6b: {  	_ =	shalt  }
0x6c: {  	_ =	shalt  }
0x6d: {  	_ =	shalt  }
0x6e: {  	_ =	shalt  }
0x6f: {  	_ =	shalt  }
0x70: {  	_ =	shalt  }
0x71: {  	_ =	shalt  }
0x72: {  	_ =	shalt  }
0x73: {  	_ =	shalt  }
0x74: {  	_ =	shalt  }
0x75: {  	_ =	shalt  }
0x76: {  	_ =	shalt  }
0x77: {  	_ =	shalt  }
0x78: {  	_ =	shalt  }
0x79: {  	_ =	shalt  }
0x7a: {  	_ =	shalt  }
0x7b: {  	_ =	shalt  }
0x7c: {  	_ =	shalt  }
0x7d: {  	_ =	shalt  }
0x7e: {  	_ =	shalt  }
0x7f: {  	_ =	shalt  }
0x80: {  	_ =	shalt  }
0x81: {  	_ =	shalt  }
0x82: {  	_ =	shalt  }
0x83: {  	_ =	shalt  }
0x84: {  	_ =	shalt  }
0x85: {  	_ =	shalt  }
0x86: {  	_ =	shalt  }
0x87: {  	_ =	shalt  }
.Lfunc_end0:
.L_simem_size_0:
called_computation_lowered:
.L_overlay_start_0:
0x88: {  	s2 =	sld [smem:$0x3FD9]  }
0x89: {  	s3 =	sld [smem:$0x3FFE];
	_ =	sdelay $0x1  }
0x8a: {  	s1 =	srdreg.scid  }
0x8b: {  	s0 =	sand.u32 $0x1, s1  }
0x8c: {  	s17 =	sshll.u32 s0, $0xA;
	s2 =	sadd.s32 s3, s2  }
0x8d: {  	s2 =	sadd.s32 s2, s17  }
0x8e: {  	[smem:$0x3FC3] =	sst s2  }
0x8f: {  	_ = 	snop  }
0x90: {  	s2 =	sld [smem:$0x3FD0];
	(tm) =	ssettm $0x1  }
0x91: {  	s18 =	sld [smem:$0x3FFB];
	_ =	sdelay $0x3  }
0x92: {  	_ =	strace s18  }
0x93: {  	s3 =	sld [smem:$0x3FFC];
	_ =	sdelay $0x3  }
0x94: {  	_ =	strace s3  }
0x95: {  	s3 =	sld [smem:$0x3FFD];
	_ =	sdelay $0x3  }
0x96: {  	_ =	strace s3  }
0x97: {  	_ =	strace $0x8FFFFFFF  }
0x98: {  	s19 =	sld [smem:$0x3FDB];
	_ =	sdelay $0x1  }
0x99: {  	s4 =	simm.s32 $_scs_section_size  }
0x9a: {  	s5 =	simm.s32 $_size__tile_overlayer_lowered;
	s6 =	simm.s32 $_tile_overlayer_lowered  }
0x9b: {  	s22 =	simm.s32 $0x1BFF;
	s21 =	sshll.u32 s6, $0x1;
	s3 =	sadd.s32 s4, s19  }
0x9c: {  	s7 =	simm.s32 $0x0;
	s20 =	sshll.u32 s5, $0x1;
	s5 =	sadd.s32 s21, s3  }
0x9d: {  	[timem:s7], [sflag:s22] =	dma.local [hbm:s5], s20  }
0x9e: {  	_ =	swait.ge [sflag:s22], s20  }
0x9f: {  	s4 =	ssub.s32 $0x0, s20;
	[sflag:s22] =	ssyncset.done $0x0  }
0xa0: {  	[sflag:s22] =	ssyncadd.s32 s4;
	_ =	sdelay $0x1  }
0xa1: {  	s23 =	simm.s32 $0x1B8B  }
0xa2: {  	_ =	swait.ge [sflag:s23], $0x1  }
0xa3: {  	[sflag:s23] =	ssyncset.done $0x0  }
0xa4: {  	s25 =	simm.s32 $0x1B8E;
	s24 =	sld [smem:$0x3FFE];
	[sflag:s23] =	ssyncadd.s32 $0xFFFFFFFF  }
0xa5: {  	s26 =	simm.s32 $execute0_lowered;
	[smem:$0x3FD2] =	sst s25  }
0xa6: {  	s5 =	sshll.u32 s26, $0x1;
	_ =	strace $0x80000046;
	[dreg:$0x1] =	wrdreg $0xFFFFFFFF  }
0xa7: {  	s28 =	simm.s32 $_size_execute0_lowered;
	s3 =	sadd.s32 s3, s5;
	[dreg:$0x0] =	wrdreg $0x0  }
0xa8: {  	s5 =	sshll.u32 s28, $0x1;
	[dreg:$0x2] =	wrdreg s3  }
0xa9: {  	[dreg:$0x3] =	wrdreg s5  }
0xaa: {  	[dreg:$0x4] =	wrdreg $0xC0  }
0xab: {  	_ =	task [dreg:s7], $0x5FFFF  }
0xac: {  	[dreg:$0x1] =	wrdreg $0xFFFFFFFF  }
0xad: {  	[dreg:$0x0] =	wrdreg $0x60  }
0xae: {  	[dreg:$0x2] =	wrdreg s2  }
0xaf: {  	[dreg:$0x3] =	wrdreg s24  }
0xb0: {  	[dreg:$0x4] =	wrdreg $0x9  }
0xb1: {  	_ =	task.clear_ibuf [dreg:s7], $0x5FFFF;
	_ =	strace $0x90000046  }
0xb2: {  	s29 =	simm.s32 $0x9;
	_ =	strace $0x80000048  }
0xb3: {  	_ =	swait.ge [sflag:s29], $0x1  }
0xb4: {  	[sflag:s29] =	ssyncadd.s32 $0xFFFFFFFF  }
0xb5: {  	_ =	strace $0x90000048  }
0xb6: {  	_ =	sfence  }
0xb7: {  	s30 =	sld [smem:$0x0];
	_ =	sdelay $0x2  }
0xb8: {  	s31 =	sshll.u32 s1, $0xD;
	s1 =	sshrl.u32 s1, $0x2  }
0xb9: {  	s3 =	sand.u32 $0x4000, s31;
	s1 =	sadd.s32 s1, s30  }
0xba: {  	s0 =	sor.u32 s3, s0;
	s1 =	sshll.u32 s1, $0x11  }
0xbb: {  	s0 =	sor.u32 s1, s0  }
0xbc: {  	s0 =	sadd.s32 $0x8F2B, s0  }
0xbd: {  	[sflag:s0] =	ssyncadd.remote.s32 $0x1  }
0xbe: {  	_ =	sfence.sel $0xFFFF  }
0xbf: {  	[dreg:$0x0] =	wrdreg $0xFFFFFFFF;
	(pc) =	sbr.abs _section_cstart, $3  }
0xc0: {  	[dreg:$0x1] =	wrdreg $0xFFFFFFFF  }
0xc1: {  	_ =	task.clear_ibuf [dreg:s7], $0x2FFFF;
	_ =	strace $0x9FFFFFFF  }
0xc2: {  	(tm) =	ssettm $0x7FFFFFFF  }
0xc3: {  	_ =	shalt  }
tec
execute0_lowered:
.L_overlay_start_1:
0x0: {  	(tag) =	ssettag $0x1  }
0x1: {  	s0 =	srdreg.scid;
	s1 =	rddreg [dreg:$0x0]  }
0x2: {  	s2 =	stileid.u32;
	s4 =	rddreg [dreg:$0x1];
	s25 =	simm.s32 $0xC000  }
0x3: {  	s26 =	simm.s32 $0xC080;
	s16 =	simm.s32 $0x1400;
	s17 =	simm.s32 $0x1800  }
0x4: {  	s18 =	simm.s32 $0x2000;
	s19 =	simm.s32 $0x2400;
	s20 =	simm.s32 $0x2C00  }
0x5: {  	s21 =	simm.s32 $0x3000;
	s28 =	simm.s32 $0x5400;
	s29 =	simm.s32 $0x5C00  }
0x6: {  	s30 =	simm.s32 $0x6000;
	s31 =	simm.s32 $0x6800;
	s7 =	simm.s32 $0x7800  }
0x7: {  	s8 =	simm.s32 $0x8000;
	s9 =	simm.s32 $0x8400;
	s10 =	simm.s32 $0x8C00  }
0x8: {  	s11 =	simm.s32 $0x9000;
	s12 =	simm.s32 $0x9800;
	s13 =	simm.s32 $0x9C00  }
0x9: {  	s0 =	sand.u32 $0x1, s0;
	s3 =	sshll.u32 s2, $0x5;
	s2 =	simm.s32 $0x0  }
0xa: {  	s5 =	sshll.u32 s0, $0x4;
	[smem:$0x7FF] =	sst s2;
	s0 =	ssub.s32 $0x2, s0  }
0xb: {  	s3 =	sor.u32 s5, s3;
	_ =	strace $0x80000047;
	[dreg:$0x6] =	wrdreg s25  }
0xc: {  	s23 =	sshrl.u32 s0, $0x1;
	[dreg:$0x7] =	wrdreg s26;
	s25 =	simm.s32 $0x4800  }
0xd: {  	s26 =	simm.s32 $0x5000;
	s5 =	smul.u32 $0x180, s3;
	s6 =	sadd.s32 s3, s4  }
0xe: {  	s3 =	sadd.s32 $0x12E00, s4;
	s0 =	ssub.s32 s0, s23;
	s4 =	sadd.s32 $0x12F00, s4  }
0xf: {  	s23 =	simm.s32 $0x3C00;
	s22 =	sadd.s32 $0x12C00, s6;
	s24 =	sadd.s32 $0x12A00, s6  }
0x10: {  	v2 =	vlaneseq.u32;
	s6 =	simm.s32 $0x3;
	s1 =	sadd.s32 s1, s5;
	[dreg:$0x4] =	wrdreg s22  }
0x11: {  	vm0 =	vmmov $0xffff;
	vm1 =	vmmov $0xff;
	v1 =	vshrl.u32 v2, $0x3;
	[dreg:$0x5] =	wrdreg s24;
	s5 =	smax.u32 s0, $0x1;
	s22 =	simm.s32 $0x3800  }
0x12: {  	v0 =	vand.u32 $0x7, v2;
	v2 =	vor.u32 $0x8, v2;
	v1 =	vmul.u32 $0x8, v1;
	s24 =	simm.s32 $0x4400;
	[dreg:$0x3] =	wrdreg s1;
	s1 =	simm.s32 $0x6C00  }
.LBB2_1:
0x13: {  	s14 =	rddreg [dreg:$0x3]  }
0x14: {  	[tilespmem:s2], [sflag:$0x3] =	stream.linear.gather [hbm4b:s14+s2], $0xC000, $0x38;
	[tilespmem:$0xC100] =	vst v63  }
0x15: {  	_ =	swait.ge [sflag:s6], $0xC000  }
0x16: {  	s0 =	rddreg [dreg:$0x4];
	[sflag:s6] =	ssyncset.done $0x0  }
0x17: {  	s15 =	rddreg [dreg:$0x6];
	[sflag:s6] =	ssyncadd.s32 $0xFFFF4000  }
0x18: {  	[tilespmem:s15], [sflag:$0x3] =	stream.linear.gather [hbm4b:s0+s2], $0x80, $0x38;
	[tilespmem:$0xC100] =	vst v63  }
0x19: {  	_ =	swait.ge [sflag:s6], $0x80  }
0x1a: {  	s15 =	rddreg [dreg:$0x5];
	[sflag:s6] =	ssyncset.done $0x0  }
0x1b: {  	s0 =	rddreg [dreg:$0x7];
	[sflag:s6] =	ssyncadd.s32 $0xFFFFFF80  }
0x1c: {  	[tilespmem:s0], [sflag:$0x3] =	stream.linear.gather [hbm4b:s15+s2], $0x80, $0x38;
	[tilespmem:$0xC100] =	vst v63  }
0x1d: {  	_ =	swait.ge [sflag:s6], $0x80  }
0x1e: {  	[sflag:s6] =	ssyncset.done $0x0  }
0x1f: {  	[sflag:s6] =	ssyncadd.s32 $0xFFFFFF80  }
0x20: {  	v3 =	vld [tilespmem:$0xC000];
	_ =	sdelay $0x4  }
0x21: {  	v4 =	vshrl.u32 v3, $0x3  }
0x22: {  	v4 =	vmul.u32 $0x18, v4  }
0x23: {  	v3 =	vand.u32 $0x7, v3  }
0x24: {  	v3 =	vor.u32 v3, v4  }
0x25: {  	v4 =	vperm.xlane v3, v0;
	_ =	sdelay $0x1  }
0x26: {  	v4 =	vadd.s32 v1, v4;
	_ =	sdelay $0x1  }
0x27: {  	v3 =	vperm.xlane v3, v2;
	_ =	sdelay $0x1  }
0x28: {  	v3 =	vadd.s32 v1, v3  }
0x29: {  	[hbm4b:s3+s2] =	stream.indirect_vreg.scatter [tilespmem:s2], [sflag:$0x1], $0x80, v4, vm0, $0xb8;
	[tilespmem:$0xC100] =	vst v63  }
0x2a: {  	s14 =	simm.s32 $0x800  }
0x2b: {  	[hbm4b:s4+s2] =	stream.indirect_vreg.scatter [tilespmem:s14], [sflag:$0x1], $0x80, v4, vm1, $0xb8;
	[tilespmem:$0xC100] =	vst v63  }
0x2c: {  	s15 =	simm.s32 $0xC00  }
0x2d: {  	[hbm4b:s3+s2] =	stream.indirect_vreg.scatter [tilespmem:s15], [sflag:$0x1], $0x80, v3, vm0, $0xb8;
	[tilespmem:$0xC100] =	vst v63  }
0x2e: {  	_ = 	snop  }
0x2f: {  	[hbm4b:s4+s2] =	stream.indirect_vreg.scatter [tilespmem:s16], [sflag:$0x1], $0x80, v3, vm1, $0xb8;
	[tilespmem:$0xC100] =	vst v63  }
0x30: {  	v3 =	vld [tilespmem:$0xC010];
	_ =	sdelay $0x4  }
0x31: {  	v49 =	vshrl.u32 v3, $0x3  }
0x32: {  	v4 =	vmul.u32 $0x18, v49  }
0x33: {  	v3 =	vand.u32 $0x7, v3  }
0x34: {  	v3 =	vor.u32 v3, v4  }
0x35: {  	v4 =	vperm.xlane v3, v0;
	_ =	sdelay $0x1  }
0x36: {  	v4 =	vadd.s32 v1, v4;
	_ =	sdelay $0x1  }
0x37: {  	v3 =	vperm.xlane v3, v2;
	_ =	sdelay $0x1  }
0x38: {  	v3 =	vadd.s32 v1, v3  }
0x39: {  	[hbm4b:s3+s2] =	stream.indirect_vreg.scatter [tilespmem:s17], [sflag:$0x1], $0x80, v4, vm0, $0xb8;
	[tilespmem:$0xC100] =	vst v63  }
0x3a: {  	_ = 	snop  }
0x3b: {  	[hbm4b:s4+s2] =	stream.indirect_vreg.scatter [tilespmem:s18], [sflag:$0x1], $0x80, v4, vm1, $0xb8;
	[tilespmem:$0xC100] =	vst v63  }
0x3c: {  	_ = 	snop  }
0x3d: {  	[hbm4b:s3+s2] =	stream.indirect_vreg.scatter [tilespmem:s19], [sflag:$0x1], $0x80, v3, vm0, $0xb8;
	[tilespmem:$0xC100] =	vst v63  }
0x3e: {  	_ = 	snop  }
0x3f: {  	[hbm4b:s4+s2] =	stream.indirect_vreg.scatter [tilespmem:s20], [sflag:$0x1], $0x80, v3, vm1, $0xb8;
	[tilespmem:$0xC100] =	vst v63  }
0x40: {  	v3 =	vld [tilespmem:$0xC020];
	_ =	sdelay $0x4  }
0x41: {  	v50 =	vshrl.u32 v3, $0x3  }
0x42: {  	v4 =	vmul.u32 $0x18, v50  }
0x43: {  	v3 =	vand.u32 $0x7, v3  }
0x44: {  	v3 =	vor.u32 v3, v4  }
0x45: {  	v4 =	vperm.xlane v3, v0;
	_ =	sdelay $0x1  }
0x46: {  	v4 =	vadd.s32 v1, v4;
	_ =	sdelay $0x1  }
0x47: {  	v3 =	vperm.xlane v3, v2;
	_ =	sdelay $0x1  }
0x48: {  	v3 =	vadd.s32 v1, v3  }
0x49: {  	[hbm4b:s3+s2] =	stream.indirect_vreg.scatter [tilespmem:s21], [sflag:$0x1], $0x80, v4, vm0, $0xb8;
	[tilespmem:$0xC100] =	vst v63  }
0x4a: {  	_ = 	snop  }
0x4b: {  	[hbm4b:s4+s2] =	stream.indirect_vreg.scatter [tilespmem:s22], [sflag:$0x1], $0x80, v4, vm1, $0xb8;
	[tilespmem:$0xC100] =	vst v63  }
0x4c: {  	_ = 	snop  }
0x4d: {  	[hbm4b:s3+s2] =	stream.indirect_vreg.scatter [tilespmem:s23], [sflag:$0x1], $0x80, v3, vm0, $0xb8;
	[tilespmem:$0xC100] =	vst v63  }
0x4e: {  	_ = 	snop  }
0x4f: {  	[hbm4b:s4+s2] =	stream.indirect_vreg.scatter [tilespmem:s24], [sflag:$0x1], $0x80, v3, vm1, $0xb8;
	[tilespmem:$0xC100] =	vst v63  }
0x50: {  	v3 =	vld [tilespmem:$0xC030];
	_ =	sdelay $0x4  }
0x51: {  	v51 =	vshrl.u32 v3, $0x3  }
0x52: {  	v4 =	vmul.u32 $0x18, v51  }
0x53: {  	v3 =	vand.u32 $0x7, v3  }
0x54: {  	v3 =	vor.u32 v3, v4  }
0x55: {  	v4 =	vperm.xlane v3, v0;
	_ =	sdelay $0x1  }
0x56: {  	v4 =	vadd.s32 v1, v4;
	_ =	sdelay $0x1  }
0x57: {  	v3 =	vperm.xlane v3, v2;
	_ =	sdelay $0x1  }
0x58: {  	v3 =	vadd.s32 v1, v3  }
0x59: {  	[hbm4b:s3+s2] =	stream.indirect_vreg.scatter [tilespmem:s25], [sflag:$0x1], $0x80, v4, vm0, $0xb8;
	[tilespmem:$0xC100] =	vst v63  }
0x5a: {  	_ = 	snop  }
0x5b: {  	[hbm4b:s4+s2] =	stream.indirect_vreg.scatter [tilespmem:s26], [sflag:$0x1], $0x80, v4, vm1, $0xb8;
	[tilespmem:$0xC100] =	vst v63  }
0x5c: {  	_ = 	snop  }
0x5d: {  	[hbm4b:s3+s2] =	stream.indirect_vreg.scatter [tilespmem:s28], [sflag:$0x1], $0x80, v3, vm0, $0xb8;
	[tilespmem:$0xC100] =	vst v63  }
0x5e: {  	_ = 	snop  }
0x5f: {  	[hbm4b:s4+s2] =	stream.indirect_vreg.scatter [tilespmem:s29], [sflag:$0x1], $0x80, v3, vm1, $0xb8;
	[tilespmem:$0xC100] =	vst v63  }
0x60: {  	v3 =	vld [tilespmem:$0xC040];
	_ =	sdelay $0x4  }
0x61: {  	v52 =	vshrl.u32 v3, $0x3  }
0x62: {  	v4 =	vmul.u32 $0x18, v52  }
0x63: {  	v3 =	vand.u32 $0x7, v3  }
0x64: {  	v3 =	vor.u32 v3, v4  }
0x65: {  	v4 =	vperm.xlane v3, v0;
	_ =	sdelay $0x1  }
0x66: {  	v4 =	vadd.s32 v1, v4;
	_ =	sdelay $0x1  }
0x67: {  	v3 =	vperm.xlane v3, v2;
	_ =	sdelay $0x1  }
0x68: {  	v3 =	vadd.s32 v1, v3  }
0x69: {  	[hbm4b:s3+s2] =	stream.indirect_vreg.scatter [tilespmem:s30], [sflag:$0x1], $0x80, v4, vm0, $0xb8;
	[tilespmem:$0xC100] =	vst v63  }
0x6a: {  	_ = 	snop  }
0x6b: {  	[hbm4b:s4+s2] =	stream.indirect_vreg.scatter [tilespmem:s31], [sflag:$0x1], $0x80, v4, vm1, $0xb8;
	[tilespmem:$0xC100] =	vst v63  }
0x6c: {  	_ = 	snop  }
0x6d: {  	[hbm4b:s3+s2] =	stream.indirect_vreg.scatter [tilespmem:s1], [sflag:$0x1], $0x80, v3, vm0, $0xb8;
	[tilespmem:$0xC100] =	vst v63  }
0x6e: {  	s0 =	simm.s32 $0x7400  }
0x6f: {  	[hbm4b:s4+s2] =	stream.indirect_vreg.scatter [tilespmem:s0], [sflag:$0x1], $0x80, v3, vm1, $0xb8;
	[tilespmem:$0xC100] =	vst v63  }
0x70: {  	v3 =	vld [tilespmem:$0xC050];
	_ =	sdelay $0x4  }
0x71: {  	v53 =	vshrl.u32 v3, $0x3  }
0x72: {  	v4 =	vmul.u32 $0x18, v53  }
0x73: {  	v3 =	vand.u32 $0x7, v3  }
0x74: {  	v3 =	vor.u32 v3, v4  }
0x75: {  	v4 =	vperm.xlane v3, v0;
	_ =	sdelay $0x1  }
0x76: {  	v4 =	vadd.s32 v1, v4;
	_ =	sdelay $0x1  }
0x77: {  	v3 =	vperm.xlane v3, v2;
	_ =	sdelay $0x1  }
0x78: {  	v3 =	vadd.s32 v1, v3  }
0x79: {  	[hbm4b:s3+s2] =	stream.indirect_vreg.scatter [tilespmem:s7], [sflag:$0x1], $0x80, v4, vm0, $0xb8;
	[tilespmem:$0xC100] =	vst v63  }
0x7a: {  	_ = 	snop  }
0x7b: {  	[hbm4b:s4+s2] =	stream.indirect_vreg.scatter [tilespmem:s8], [sflag:$0x1], $0x80, v4, vm1, $0xb8;
	[tilespmem:$0xC100] =	vst v63  }
0x7c: {  	_ = 	snop  }
0x7d: {  	[hbm4b:s3+s2] =	stream.indirect_vreg.scatter [tilespmem:s9], [sflag:$0x1], $0x80, v3, vm0, $0xb8;
	[tilespmem:$0xC100] =	vst v63  }
0x7e: {  	_ = 	snop  }
0x7f: {  	[hbm4b:s4+s2] =	stream.indirect_vreg.scatter [tilespmem:s10], [sflag:$0x1], $0x80, v3, vm1, $0xb8;
	[tilespmem:$0xC100] =	vst v63  }
0x80: {  	v3 =	vld [tilespmem:$0xC060];
	_ =	sdelay $0x4  }
0x81: {  	v54 =	vshrl.u32 v3, $0x3  }
0x82: {  	v4 =	vmul.u32 $0x18, v54  }
0x83: {  	v3 =	vand.u32 $0x7, v3  }
0x84: {  	v3 =	vor.u32 v3, v4  }
0x85: {  	v4 =	vperm.xlane v3, v0;
	_ =	sdelay $0x1  }
0x86: {  	v4 =	vadd.s32 v1, v4;
	_ =	sdelay $0x1  }
0x87: {  	v3 =	vperm.xlane v3, v2;
	_ =	sdelay $0x1  }
0x88: {  	v3 =	vadd.s32 v1, v3  }
0x89: {  	[hbm4b:s3+s2] =	stream.indirect_vreg.scatter [tilespmem:s11], [sflag:$0x1], $0x80, v4, vm0, $0xb8;
	[tilespmem:$0xC100] =	vst v63  }
0x8a: {  	_ = 	snop  }
0x8b: {  	[hbm4b:s4+s2] =	stream.indirect_vreg.scatter [tilespmem:s12], [sflag:$0x1], $0x80, v4, vm1, $0xb8;
	[tilespmem:$0xC100] =	vst v63  }
0x8c: {  	_ = 	snop  }
0x8d: {  	[hbm4b:s3+s2] =	stream.indirect_vreg.scatter [tilespmem:s13], [sflag:$0x1], $0x80, v3, vm0, $0xb8;
	[tilespmem:$0xC100] =	vst v63  }
0x8e: {  	s0 =	simm.s32 $0xA400  }
0x8f: {  	[hbm4b:s4+s2] =	stream.indirect_vreg.scatter [tilespmem:s0], [sflag:$0x1], $0x80, v3, vm1, $0xb8;
	[tilespmem:$0xC100] =	vst v63  }
0x90: {  	v3 =	vld [tilespmem:$0xC070];
	_ =	sdelay $0x4  }
0x91: {  	v55 =	vshrl.u32 v3, $0x3  }
0x92: {  	v4 =	vmul.u32 $0x18, v55  }
0x93: {  	v3 =	vand.u32 $0x7, v3  }
0x94: {  	v3 =	vor.u32 v3, v4  }
0x95: {  	v4 =	vperm.xlane v3, v0;
	_ =	sdelay $0x1  }
0x96: {  	v4 =	vadd.s32 v1, v4;
	_ =	sdelay $0x1  }
0x97: {  	v3 =	vperm.xlane v3, v2;
	_ =	sdelay $0x1  }
0x98: {  	s0 =	simm.s32 $0xA800;
	v3 =	vadd.s32 v1, v3  }
0x99: {  	[hbm4b:s3+s2] =	stream.indirect_vreg.scatter [tilespmem:s0], [sflag:$0x1], $0x80, v4, vm0, $0xb8;
	[tilespmem:$0xC100] =	vst v63  }
0x9a: {  	s0 =	simm.s32 $0xB000  }
0x9b: {  	[hbm4b:s4+s2] =	stream.indirect_vreg.scatter [tilespmem:s0], [sflag:$0x1], $0x80, v4, vm1, $0xb8;
	[tilespmem:$0xC100] =	vst v63  }
0x9c: {  	s0 =	simm.s32 $0xB400  }
0x9d: {  	[hbm4b:s3+s2] =	stream.indirect_vreg.scatter [tilespmem:s0], [sflag:$0x1], $0x80, v3, vm0, $0xb8;
	[tilespmem:$0xC100] =	vst v63  }
0x9e: {  	s0 =	simm.s32 $0xBC00  }
0x9f: {  	[hbm4b:s4+s2] =	stream.indirect_vreg.scatter [tilespmem:s0], [sflag:$0x1], $0x80, v3, vm1, $0xb8;
	[tilespmem:$0xC100] =	vst v63  }
0xa0: {  	v3 =	vld [tilespmem:$0xC080];
	_ =	sdelay $0x4  }
0xa1: {  	v56 =	vshrl.u32 v3, $0x3  }
0xa2: {  	v4 =	vmul.u32 $0x18, v56  }
0xa3: {  	v3 =	vand.u32 $0x7, v3  }
0xa4: {  	v3 =	vor.u32 v3, v4  }
0xa5: {  	v4 =	vperm.xlane v3, v0;
	_ =	sdelay $0x1  }
0xa6: {  	v4 =	vadd.s32 v1, v4;
	_ =	sdelay $0x1  }
0xa7: {  	v3 =	vperm.xlane v3, v2;
	_ =	sdelay $0x1  }
0xa8: {  	v3 =	vadd.s32 v1, v3  }
0xa9: {  	[hbm4b:s3+s2] =	stream.indirect_vreg.scatter [tilespmem:s2], [sflag:$0x2], $0x80, v4, vm0, $0xb8;
	[tilespmem:$0xC100] =	vst v63  }
0xaa: {  	_ = 	snop  }
0xab: {  	[hbm4b:s4+s2] =	stream.indirect_vreg.scatter [tilespmem:s14], [sflag:$0x2], $0x80, v4, vm1, $0xb8;
	[tilespmem:$0xC100] =	vst v63  }
0xac: {  	_ = 	snop  }
0xad: {  	[hbm4b:s3+s2] =	stream.indirect_vreg.scatter [tilespmem:s15], [sflag:$0x2], $0x80, v3, vm0, $0xb8;
	[tilespmem:$0xC100] =	vst v63  }
0xae: {  	_ = 	snop  }
0xaf: {  	[hbm4b:s4+s2] =	stream.indirect_vreg.scatter [tilespmem:s16], [sflag:$0x2], $0x80, v3, vm1, $0xb8;
	[tilespmem:$0xC100] =	vst v63  }
0xb0: {  	v3 =	vld [tilespmem:$0xC090];
	_ =	sdelay $0x4  }
0xb1: {  	v57 =	vshrl.u32 v3, $0x3  }
0xb2: {  	v4 =	vmul.u32 $0x18, v57  }
0xb3: {  	v3 =	vand.u32 $0x7, v3  }
0xb4: {  	v3 =	vor.u32 v3, v4  }
0xb5: {  	v4 =	vperm.xlane v3, v0;
	_ =	sdelay $0x1  }
0xb6: {  	v4 =	vadd.s32 v1, v4;
	_ =	sdelay $0x1  }
0xb7: {  	v3 =	vperm.xlane v3, v2;
	_ =	sdelay $0x1  }
0xb8: {  	v3 =	vadd.s32 v1, v3  }
0xb9: {  	[hbm4b:s3+s2] =	stream.indirect_vreg.scatter [tilespmem:s17], [sflag:$0x2], $0x80, v4, vm0, $0xb8;
	[tilespmem:$0xC100] =	vst v63  }
0xba: {  	_ = 	snop  }
0xbb: {  	[hbm4b:s4+s2] =	stream.indirect_vreg.scatter [tilespmem:s18], [sflag:$0x2], $0x80, v4, vm1, $0xb8;
	[tilespmem:$0xC100] =	vst v63  }
0xbc: {  	_ = 	snop  }
0xbd: {  	[hbm4b:s3+s2] =	stream.indirect_vreg.scatter [tilespmem:s19], [sflag:$0x2], $0x80, v3, vm0, $0xb8;
	[tilespmem:$0xC100] =	vst v63  }
0xbe: {  	_ = 	snop  }
0xbf: {  	[hbm4b:s4+s2] =	stream.indirect_vreg.scatter [tilespmem:s20], [sflag:$0x2], $0x80, v3, vm1, $0xb8;
	[tilespmem:$0xC100] =	vst v63  }
0xc0: {  	v3 =	vld [tilespmem:$0xC0A0];
	_ =	sdelay $0x4  }
0xc1: {  	v58 =	vshrl.u32 v3, $0x3  }
0xc2: {  	v4 =	vmul.u32 $0x18, v58  }
0xc3: {  	v3 =	vand.u32 $0x7, v3  }
0xc4: {  	v3 =	vor.u32 v3, v4  }
0xc5: {  	v4 =	vperm.xlane v3, v0;
	_ =	sdelay $0x1  }
0xc6: {  	v4 =	vadd.s32 v1, v4;
	_ =	sdelay $0x1  }
0xc7: {  	v3 =	vperm.xlane v3, v2;
	_ =	sdelay $0x1  }
0xc8: {  	v3 =	vadd.s32 v1, v3  }
0xc9: {  	[hbm4b:s3+s2] =	stream.indirect_vreg.scatter [tilespmem:s21], [sflag:$0x2], $0x80, v4, vm0, $0xb8;
	[tilespmem:$0xC100] =	vst v63  }
0xca: {  	_ = 	snop  }
0xcb: {  	[hbm4b:s4+s2] =	stream.indirect_vreg.scatter [tilespmem:s22], [sflag:$0x2], $0x80, v4, vm1, $0xb8;
	[tilespmem:$0xC100] =	vst v63  }
0xcc: {  	_ = 	snop  }
0xcd: {  	[hbm4b:s3+s2] =	stream.indirect_vreg.scatter [tilespmem:s23], [sflag:$0x2], $0x80, v3, vm0, $0xb8;
	[tilespmem:$0xC100] =	vst v63  }
0xce: {  	_ = 	snop  }
0xcf: {  	[hbm4b:s4+s2] =	stream.indirect_vreg.scatter [tilespmem:s24], [sflag:$0x2], $0x80, v3, vm1, $0xb8;
	[tilespmem:$0xC100] =	vst v63  }
0xd0: {  	v3 =	vld [tilespmem:$0xC0B0];
	_ =	sdelay $0x4  }
0xd1: {  	v59 =	vshrl.u32 v3, $0x3  }
0xd2: {  	v4 =	vmul.u32 $0x18, v59  }
0xd3: {  	v3 =	vand.u32 $0x7, v3  }
0xd4: {  	v3 =	vor.u32 v3, v4  }
0xd5: {  	v4 =	vperm.xlane v3, v0;
	_ =	sdelay $0x1  }
0xd6: {  	v4 =	vadd.s32 v1, v4;
	_ =	sdelay $0x1  }
0xd7: {  	v3 =	vperm.xlane v3, v2;
	_ =	sdelay $0x1  }
0xd8: {  	v3 =	vadd.s32 v1, v3  }
0xd9: {  	[hbm4b:s3+s2] =	stream.indirect_vreg.scatter [tilespmem:s25], [sflag:$0x2], $0x80, v4, vm0, $0xb8;
	[tilespmem:$0xC100] =	vst v63  }
0xda: {  	_ = 	snop  }
0xdb: {  	[hbm4b:s4+s2] =	stream.indirect_vreg.scatter [tilespmem:s26], [sflag:$0x2], $0x80, v4, vm1, $0xb8;
	[tilespmem:$0xC100] =	vst v63  }
0xdc: {  	_ = 	snop  }
0xdd: {  	[hbm4b:s3+s2] =	stream.indirect_vreg.scatter [tilespmem:s28], [sflag:$0x2], $0x80, v3, vm0, $0xb8;
	[tilespmem:$0xC100] =	vst v63  }
0xde: {  	_ = 	snop  }
0xdf: {  	[hbm4b:s4+s2] =	stream.indirect_vreg.scatter [tilespmem:s29], [sflag:$0x2], $0x80, v3, vm1, $0xb8;
	[tilespmem:$0xC100] =	vst v63  }
0xe0: {  	v3 =	vld [tilespmem:$0xC0C0];
	_ =	sdelay $0x4  }
0xe1: {  	v60 =	vshrl.u32 v3, $0x3  }
0xe2: {  	v4 =	vmul.u32 $0x18, v60  }
0xe3: {  	v3 =	vand.u32 $0x7, v3  }
0xe4: {  	v3 =	vor.u32 v3, v4  }
0xe5: {  	v4 =	vperm.xlane v3, v0;
	_ =	sdelay $0x1  }
0xe6: {  	v4 =	vadd.s32 v1, v4;
	_ =	sdelay $0x1  }
0xe7: {  	v3 =	vperm.xlane v3, v2;
	_ =	sdelay $0x1  }
0xe8: {  	v3 =	vadd.s32 v1, v3  }
0xe9: {  	[hbm4b:s3+s2] =	stream.indirect_vreg.scatter [tilespmem:s30], [sflag:$0x2], $0x80, v4, vm0, $0xb8;
	[tilespmem:$0xC100] =	vst v63  }
0xea: {  	_ = 	snop  }
0xeb: {  	[hbm4b:s4+s2] =	stream.indirect_vreg.scatter [tilespmem:s31], [sflag:$0x2], $0x80, v4, vm1, $0xb8;
	[tilespmem:$0xC100] =	vst v63  }
0xec: {  	_ = 	snop  }
0xed: {  	[hbm4b:s3+s2] =	stream.indirect_vreg.scatter [tilespmem:s1], [sflag:$0x2], $0x80, v3, vm0, $0xb8;
	[tilespmem:$0xC100] =	vst v63  }
0xee: {  	s14 =	simm.s32 $0x7400  }
0xef: {  	[hbm4b:s4+s2] =	stream.indirect_vreg.scatter [tilespmem:s14], [sflag:$0x2], $0x80, v3, vm1, $0xb8;
	[tilespmem:$0xC100] =	vst v63  }
0xf0: {  	v3 =	vld [tilespmem:$0xC0D0];
	_ =	sdelay $0x4  }
0xf1: {  	v61 =	vshrl.u32 v3, $0x3  }
0xf2: {  	v4 =	vmul.u32 $0x18, v61  }
0xf3: {  	v3 =	vand.u32 $0x7, v3  }
0xf4: {  	v3 =	vor.u32 v3, v4  }
0xf5: {  	v4 =	vperm.xlane v3, v0;
	_ =	sdelay $0x1  }
0xf6: {  	v4 =	vadd.s32 v1, v4;
	_ =	sdelay $0x1  }
0xf7: {  	v3 =	vperm.xlane v3, v2;
	_ =	sdelay $0x1  }
0xf8: {  	v3 =	vadd.s32 v1, v3  }
0xf9: {  	[hbm4b:s3+s2] =	stream.indirect_vreg.scatter [tilespmem:s7], [sflag:$0x2], $0x80, v4, vm0, $0xb8;
	[tilespmem:$0xC100] =	vst v63  }
0xfa: {  	_ = 	snop  }
0xfb: {  	[hbm4b:s4+s2] =	stream.indirect_vreg.scatter [tilespmem:s8], [sflag:$0x2], $0x80, v4, vm1, $0xb8;
	[tilespmem:$0xC100] =	vst v63  }
0xfc: {  	_ = 	snop  }
0xfd: {  	[hbm4b:s3+s2] =	stream.indirect_vreg.scatter [tilespmem:s9], [sflag:$0x2], $0x80, v3, vm0, $0xb8;
	[tilespmem:$0xC100] =	vst v63  }
0xfe: {  	_ = 	snop  }
0xff: {  	[hbm4b:s4+s2] =	stream.indirect_vreg.scatter [tilespmem:s10], [sflag:$0x2], $0x80, v3, vm1, $0xb8;
	[tilespmem:$0xC100] =	vst v63  }
0x100: {  	v3 =	vld [tilespmem:$0xC0E0];
	_ =	sdelay $0x4  }
0x101: {  	v62 =	vshrl.u32 v3, $0x3  }
0x102: {  	v4 =	vmul.u32 $0x18, v62  }
0x103: {  	v3 =	vand.u32 $0x7, v3  }
0x104: {  	v3 =	vor.u32 v3, v4  }
0x105: {  	v4 =	vperm.xlane v3, v0;
	_ =	sdelay $0x1  }
0x106: {  	v4 =	vadd.s32 v1, v4;
	_ =	sdelay $0x1  }
0x107: {  	v3 =	vperm.xlane v3, v2;
	_ =	sdelay $0x1  }
0x108: {  	v3 =	vadd.s32 v1, v3  }
0x109: {  	[hbm4b:s3+s2] =	stream.indirect_vreg.scatter [tilespmem:s11], [sflag:$0x2], $0x80, v4, vm0, $0xb8;
	[tilespmem:$0xC100] =	vst v63  }
0x10a: {  	_ = 	snop  }
0x10b: {  	[hbm4b:s4+s2] =	stream.indirect_vreg.scatter [tilespmem:s12], [sflag:$0x2], $0x80, v4, vm1, $0xb8;
	[tilespmem:$0xC100] =	vst v63  }
0x10c: {  	_ = 	snop  }
0x10d: {  	[hbm4b:s3+s2] =	stream.indirect_vreg.scatter [tilespmem:s13], [sflag:$0x2], $0x80, v3, vm0, $0xb8;
	[tilespmem:$0xC100] =	vst v63  }
0x10e: {  	s15 =	simm.s32 $0xA400  }
0x10f: {  	[hbm4b:s4+s2] =	stream.indirect_vreg.scatter [tilespmem:s15], [sflag:$0x2], $0x80, v3, vm1, $0xb8;
	[tilespmem:$0xC100] =	vst v63  }
0x110: {  	v3 =	vld [tilespmem:$0xC0F0];
	_ =	sdelay $0x4  }
0x111: {  	v63 =	vshrl.u32 v3, $0x3  }
0x112: {  	v4 =	vmul.u32 $0x18, v63  }
0x113: {  	v3 =	vand.u32 $0x7, v3  }
0x114: {  	v3 =	vor.u32 v3, v4  }
0x115: {  	v4 =	vperm.xlane v3, v0;
	_ =	sdelay $0x1  }
0x116: {  	v4 =	vadd.s32 v1, v4;
	_ =	sdelay $0x1  }
0x117: {  	v3 =	vperm.xlane v3, v2;
	_ =	sdelay $0x1  }
0x118: {  	s14 =	simm.s32 $0xA800;
	v3 =	vadd.s32 v1, v3  }
0x119: {  	[hbm4b:s3+s2] =	stream.indirect_vreg.scatter [tilespmem:s14], [sflag:$0x2], $0x80, v4, vm0, $0xb8;
	[tilespmem:$0xC100] =	vst v63  }
0x11a: {  	s15 =	simm.s32 $0xB000  }
0x11b: {  	[hbm4b:s4+s2] =	stream.indirect_vreg.scatter [tilespmem:s15], [sflag:$0x2], $0x80, v4, vm1, $0xb8;
	[tilespmem:$0xC100] =	vst v63  }
0x11c: {  	s14 =	simm.s32 $0xB400  }
0x11d: {  	[hbm4b:s3+s2] =	stream.indirect_vreg.scatter [tilespmem:s14], [sflag:$0x2], $0x80, v3, vm0, $0xb8;
	[tilespmem:$0xC100] =	vst v63  }
0x11e: {  	s15 =	simm.s32 $0xBC00;
	s14 =	simm.s32 $0x1  }
0x11f: {  	[hbm4b:s4+s2] =	stream.indirect_vreg.scatter [tilespmem:s15], [sflag:$0x2], $0x80, v3, vm1, $0xb8;
	[tilespmem:$0xC100] =	vst v63  }
0x120: {  	p0 =	sne.s32 s5, $0x1;
	_ =	swait.ge [sflag:s14], $0xC000  }
.Ltmp0:
0x121: {  	[sflag:s14] =	ssyncset.done $0x0;
	(pc) =	sbr.rel @p0 .LBB2_1-.Ltmp0, $4  }
0x122: {  	s15 =	simm.s32 $0x2;
	[sflag:s14] =	ssyncadd.s32 $0xFFFF4000  }
0x123: {  	_ =	swait.ge [sflag:s15], $0xC000  }
0x124: {  	[sflag:s15] =	ssyncset.done $0x0  }
0x125: {  	s5 =	sadd.s32 $0xFFFFFFFF, s5;
	[sflag:s15] =	ssyncadd.s32 $0xFFFF4000  }
0x126: {  	_ =	sfence.sel $0x180000  }
0x127: {  	[bflag:$0x0] =	sbarrier.arrive $0xFFFF  }
0x128: {  	_ =	strace $0x90000047  }
0x129: {  	s0 =	stileid.u32;
	[bflag:$0x2] =	sbarrier.arrive $0xFFFF  }
0x12a: {  	p0 =	sne.s32 s0, $0x0;
	s0 =	rddreg [dreg:$0x2]  }
0x12b: {  	s0 =	sadd.s32 @!p0 $0x100000, s0  }
0x12c: {  	[sflag:s0] =	ssyncadd.tile.s32 @!p0 $0x1;
	_ =	shalt  }
.Lfunc_end2:
_tile_overlayer_lowered:
.L_overlay_start_2:
0x12d: {  	(tag) =	ssettag $0x2  }
0x12e: {  	s0 =	rddreg [dreg:$0x0];
	s2 =	stileid.u32  }
0x12f: {  	s1 =	rddreg [dreg:$0x1];
	p0 =	sne.s32 s2, $0x0  }
0x130: {  	s3 =	rddreg [dreg:$0x2];
	[bflag:$0x3] =	sbarrier.arrive $0xFFFF;
	s2 =	simm.s32 @!p0 $0x1C03  }
0x131: {  	[timem:s3], [sflag:s2] =	dma.local @!p0 [hbm:s0], s1  }
0x132: {  	s0 =	simm.s32 @!p0 $0x3  }
0x133: {  	_ =	swait.ge @!p0 [sflag:s0], s1  }
0x134: {  	s1 =	ssub.s32 @!p0 $0x0, s1;
	[sflag:s0] =	ssyncset.done @!p0 $0x0  }
0x135: {  	[sflag:s0] =	ssyncadd.s32 @!p0 s1  }
0x136: {  	[bflag:$0x3] =	sbarrier.arrive $0xFFFF  }
0x137: {  	_ =	shalt  }

// kernel: kernel.9.cloned.1.call-start
scs
__scs_entry_jumppad:
0x0: {  	(pc) =	sbr.rel $0x88, $3  }
0x1: {  	(tag) =	ssettag $0x0;
	lr =	simm.s32 $0x1  }
0x2: {  	[smem:$0x3F9C] =	sst lr;
	_ =	strace $0xD0000000  }
0x3: {  	_ = 	snop  }
0x4: {  	_ = 	snop  }
0x5: {  	_ = 	snop  }
0x6: {  	_ = 	snop  }
0x7: {  	_ = 	snop  }
__scs_overlays_trampoline_lowered:
0x8: {  	[smem:$0x3FAB] =	sst s0  }
0x9: {  	[smem:$0x3FAC] =	sst s1  }
0xa: {  	[smem:$0x3FAD] =	sst s2  }
0xb: {  	[smem:$0x3FAE] =	sst s3  }
0xc: {  	[smem:$0x3FAF] =	sst s4  }
0xd: {  	[smem:$0x3FB0] =	sst s5  }
0xe: {  	[smem:$0x3FB1] =	sst s6  }
0xf: {  	[smem:$0x3FB2] =	sst s7  }
0x10: {  	[smem:$0x3FB3] =	sst s8  }
0x11: {  	[smem:$0x3FB4] =	sst s9;
	s0 =	simm.s32 @!p0 $0x0  }
0x12: {  	s1 =	sld [smem:$0x3F9A];
	s0 =	simm.s32 @p0 $0x1  }
0x13: {  	[smem:$0x3FB5] =	sst s0;
	s0 =	simm.s32 @!p1 $0x0  }
0x14: {  	s2 =	sld [smem:$0x3F99];
	s0 =	simm.s32 @p1 $0x1  }
0x15: {  	[smem:$0x3FB6] =	sst s0;
	s0 =	simm.s32 @!p2 $0x0  }
0x16: {  	s3 =	sld [smem:$0x3FDB];
	s0 =	simm.s32 @p2 $0x1  }
0x17: {  	s4 =	simm.s32 $0x1BF5;
	[smem:$0x3FB8] =	sst s0  }
0x18: {  	s0 =	sld [smem:$0x3F9B];
	_ =	swait.ge [sflag:s4], $0x0  }
0x19: {  	s7 =	sld [smem:$0x3F9C]  }
0x1a: {  	s8 =	sadd.s32 $0xFFFFE003, lr  }
0x1b: {  	s9 =	sadd.s32 $0xFFFFFEF7, lr;
	s5 =	simm.s32 $0xFFFFFFFF;
	p2 =	slt.u32 s8, $0xFFFFF086  }
0x1c: {  	p1 =	slt.u32 s9, $0xF7A;
	s5 =	simm.s32 @!p2 $0x0  }
0x1d: {  	s5 =	simm.s32 @p1 $0x1;
	p0 =	seq.s32 s7, s2  }
0x1e: {  	s7 =	smul.u32 @!p0 $0xF7A, s2;
	p2 =	seq.s32 @!p0 s5, $0x0  }
0x1f: {  	s9 =	smul.u32 $0xF7A, s1;
	s8 =	simm.s32 @!p0 $0x1BF5;
	p2 =	por !p2, p0  }
0x20: {  	[sflag:s8] =	ssyncset.s32 @!p0 $0xFFFFF086;
	s6 =	sadd.s32 @!p0 s3, s7;
	s7 =	simm.s32 @!p0 $0x108  }
0x21: {  	s3 =	sadd.s32 s3, s9;
	s6 =	sadd.s32 @!p0 $0x88, s6;
	s7 =	simm.s32 @p2 $0x1082  }
0x22: {  	[simem:s7], [sflag:s8] =	dma.local @!p0 [hbm:s6], $0xF7A  }
0x23: {  	s9 =	sor.u32 $0xD0000000, s2;
	s6 =	simm.s32 $0x108;
	_ =	swait.ge @!p0 [sflag:s8], $0x0  }
0x24: {  	s3 =	sadd.s32 $0x88, s3;
	s6 =	simm.s32 @!p1 $0x1082;
	[sflag:s4] =	ssyncset.s32 $0xFFFFF086  }
0x25: {  	[simem:s6], [sflag:s4] =	dma.local [hbm:s3], $0xF7A  }
0x26: {  	[smem:$0x3F9C] =	sst s1;
	(tag) =	ssettag s2;
	_ =	strace s9  }
0x27: {  	s1 =	sld [smem:$0x3FAC]  }
0x28: {  	s2 =	sld [smem:$0x3FAD]  }
0x29: {  	s4 =	sld [smem:$0x3FAF]  }
0x2a: {  	p0 =	seq.s32 s5, $0x0;
	s5 =	sld [smem:$0x3FB0]  }
0x2b: {  	s6 =	sld [smem:$0x3FB1]  }
0x2c: {  	s7 =	sld [smem:$0x3FB2]  }
0x2d: {  	s3 =	simm.s32 $0x108;
	s8 =	sld [smem:$0x3FB3]  }
0x2e: {  	s3 =	simm.s32 @!p0 $0x1082;
	s9 =	sld [smem:$0x3FB4]  }
0x2f: {  	lr =	sadd.s32 s0, s3;
	s0 =	sld [smem:$0x3FAB]  }
0x30: {  	s3 =	sld [smem:$0x3FAE]  }
0x31: {  	[smem:$0x3FB7] =	sst s10  }
0x32: {  	s10 =	sld [smem:$0x3FB5];
	_ =	sdelay $0x3  }
0x33: {  	p0 =	seq.s32 s10, $0x1;
	s10 =	sld [smem:$0x3FB7];
	_ =	sdelay $0x3  }
0x34: {  	[smem:$0x3FB7] =	sst s10  }
0x35: {  	s10 =	sld [smem:$0x3FB6];
	_ =	sdelay $0x3  }
0x36: {  	p1 =	seq.s32 s10, $0x1;
	s10 =	sld [smem:$0x3FB7];
	_ =	sdelay $0x3  }
0x37: {  	[smem:$0x3FB7] =	sst s10  }
0x38: {  	s10 =	sld [smem:$0x3FB8]  }
0x39: {  	_ = 	snop;
	(pc) =	sbr.ind lr, $3  }
0x3a: {  	_ = 	snop  }
0x3b: {  	_ = 	snop  }
0x3c: {  	p2 =	seq.s32 s10, $0x1;
	s10 =	sld [smem:$0x3FB7]  }
0x3d: {  	_ =	shalt  }
0x3e: {  	_ =	shalt  }
0x3f: {  	_ =	shalt  }
0x40: {  	_ =	shalt  }
0x41: {  	_ =	shalt  }
0x42: {  	_ =	shalt  }
0x43: {  	_ =	shalt  }
0x44: {  	_ =	shalt  }
0x45: {  	_ =	shalt  }
0x46: {  	_ =	shalt  }
0x47: {  	_ =	shalt  }
0x48: {  	_ =	shalt  }
0x49: {  	_ =	shalt  }
0x4a: {  	_ =	shalt  }
0x4b: {  	_ =	shalt  }
0x4c: {  	_ =	shalt  }
0x4d: {  	_ =	shalt  }
0x4e: {  	_ =	shalt  }
0x4f: {  	_ =	shalt  }
0x50: {  	_ =	shalt  }
0x51: {  	_ =	shalt  }
0x52: {  	_ =	shalt  }
0x53: {  	_ =	shalt  }
0x54: {  	_ =	shalt  }
0x55: {  	_ =	shalt  }
0x56: {  	_ =	shalt  }
0x57: {  	_ =	shalt  }
0x58: {  	_ =	shalt  }
0x59: {  	_ =	shalt  }
0x5a: {  	_ =	shalt  }
0x5b: {  	_ =	shalt  }
0x5c: {  	_ =	shalt  }
0x5d: {  	_ =	shalt  }
0x5e: {  	_ =	shalt  }
0x5f: {  	_ =	shalt  }
0x60: {  	_ =	shalt  }
0x61: {  	_ =	shalt  }
0x62: {  	_ =	shalt  }
0x63: {  	_ =	shalt  }
0x64: {  	_ =	shalt  }
0x65: {  	_ =	shalt  }
0x66: {  	_ =	shalt  }
0x67: {  	_ =	shalt  }
0x68: {  	_ =	shalt  }
0x69: {  	_ =	shalt  }
0x6a: {  	_ =	shalt  }
0x6b: {  	_ =	shalt  }
0x6c: {  	_ =	shalt  }
0x6d: {  	_ =	shalt  }
0x6e: {  	_ =	shalt  }
0x6f: {  	_ =	shalt  }
0x70: {  	_ =	shalt  }
0x71: {  	_ =	shalt  }
0x72: {  	_ =	shalt  }
0x73: {  	_ =	shalt  }
0x74: {  	_ =	shalt  }
0x75: {  	_ =	shalt  }
0x76: {  	_ =	shalt  }
0x77: {  	_ =	shalt  }
0x78: {  	_ =	shalt  }
0x79: {  	_ =	shalt  }
0x7a: {  	_ =	shalt  }
0x7b: {  	_ =	shalt  }
0x7c: {  	_ =	shalt  }
0x7d: {  	_ =	shalt  }
0x7e: {  	_ =	shalt  }
0x7f: {  	_ =	shalt  }
0x80: {  	_ =	shalt  }
0x81: {  	_ =	shalt  }
0x82: {  	_ =	shalt  }
0x83: {  	_ =	shalt  }
0x84: {  	_ =	shalt  }
0x85: {  	_ =	shalt  }
0x86: {  	_ =	shalt  }
0x87: {  	_ =	shalt  }
.Lfunc_end0:
.L_simem_size_0:
called_computation.1_lowered:
.L_overlay_start_0:
0x88: {  	s2 =	sld [smem:$0x3FD9]  }
0x89: {  	s3 =	sld [smem:$0x3FFE];
	_ =	sdelay $0x1  }
0x8a: {  	s1 =	srdreg.scid  }
0x8b: {  	s0 =	sand.u32 $0x1, s1  }
0x8c: {  	s17 =	sshll.u32 s0, $0xA;
	s2 =	sadd.s32 s3, s2  }
0x8d: {  	s2 =	sadd.s32 s2, s17  }
0x8e: {  	[smem:$0x3FC3] =	sst s2  }
0x8f: {  	_ = 	snop  }
0x90: {  	s2 =	sld [smem:$0x3FD0];
	(tm) =	ssettm $0x1  }
0x91: {  	s18 =	sld [smem:$0x3FFB];
	_ =	sdelay $0x3  }
0x92: {  	_ =	strace s18  }
0x93: {  	s3 =	sld [smem:$0x3FFC];
	_ =	sdelay $0x3  }
0x94: {  	_ =	strace s3  }
0x95: {  	s3 =	sld [smem:$0x3FFD];
	_ =	sdelay $0x3  }
0x96: {  	_ =	strace s3  }
0x97: {  	_ =	strace $0x8FFFFFFF  }
0x98: {  	s19 =	sld [smem:$0x3FDB];
	_ =	sdelay $0x1  }
0x99: {  	s4 =	simm.s32 $_scs_section_size  }
0x9a: {  	s5 =	simm.s32 $_size__tile_overlayer_lowered;
	s6 =	simm.s32 $_tile_overlayer_lowered  }
0x9b: {  	s22 =	simm.s32 $0x1BFF;
	s21 =	sshll.u32 s6, $0x1;
	s3 =	sadd.s32 s4, s19  }
0x9c: {  	s7 =	simm.s32 $0x0;
	s20 =	sshll.u32 s5, $0x1;
	s5 =	sadd.s32 s21, s3  }
0x9d: {  	[timem:s7], [sflag:s22] =	dma.local [hbm:s5], s20  }
0x9e: {  	_ =	swait.ge [sflag:s22], s20  }
0x9f: {  	s4 =	ssub.s32 $0x0, s20;
	[sflag:s22] =	ssyncset.done $0x0  }
0xa0: {  	[sflag:s22] =	ssyncadd.s32 s4;
	_ =	sdelay $0x1  }
0xa1: {  	s23 =	simm.s32 $0x1B8B  }
0xa2: {  	_ =	swait.ge [sflag:s23], $0x1  }
0xa3: {  	[sflag:s23] =	ssyncset.done $0x0  }
0xa4: {  	s25 =	simm.s32 $0x1B8E;
	s24 =	sld [smem:$0x3FFE];
	[sflag:s23] =	ssyncadd.s32 $0xFFFFFFFF  }
0xa5: {  	s26 =	simm.s32 $execute0_lowered;
	[smem:$0x3FD2] =	sst s25  }
0xa6: {  	s5 =	sshll.u32 s26, $0x1;
	_ =	strace $0x80000049;
	[dreg:$0x1] =	wrdreg $0xFFFFFFFF  }
0xa7: {  	s28 =	simm.s32 $_size_execute0_lowered;
	s3 =	sadd.s32 s3, s5;
	[dreg:$0x0] =	wrdreg $0x0  }
0xa8: {  	s5 =	sshll.u32 s28, $0x1;
	[dreg:$0x2] =	wrdreg s3  }
0xa9: {  	[dreg:$0x3] =	wrdreg s5  }
0xaa: {  	[dreg:$0x4] =	wrdreg $0xC0  }
0xab: {  	_ =	task [dreg:s7], $0x5FFFF  }
0xac: {  	[dreg:$0x1] =	wrdreg $0xFFFFFFFF  }
0xad: {  	[dreg:$0x0] =	wrdreg $0x60  }
0xae: {  	[dreg:$0x2] =	wrdreg s24  }
0xaf: {  	[dreg:$0x3] =	wrdreg s2  }
0xb0: {  	[dreg:$0x4] =	wrdreg $0x9  }
0xb1: {  	_ =	task.clear_ibuf [dreg:s7], $0x5FFFF;
	_ =	strace $0x90000049  }
0xb2: {  	s29 =	simm.s32 $0x9;
	_ =	strace $0x8000004B  }
0xb3: {  	_ =	swait.ge [sflag:s29], $0x1  }
0xb4: {  	[sflag:s29] =	ssyncadd.s32 $0xFFFFFFFF  }
0xb5: {  	_ =	strace $0x9000004B  }
0xb6: {  	_ =	sfence  }
0xb7: {  	s30 =	sld [smem:$0x0];
	_ =	sdelay $0x2  }
0xb8: {  	s31 =	sshll.u32 s1, $0xD;
	s1 =	sshrl.u32 s1, $0x2  }
0xb9: {  	s3 =	sand.u32 $0x4000, s31;
	s1 =	sadd.s32 s1, s30  }
0xba: {  	s0 =	sor.u32 s3, s0;
	s1 =	sshll.u32 s1, $0x11  }
0xbb: {  	s0 =	sor.u32 s1, s0  }
0xbc: {  	s0 =	sadd.s32 $0x8F2B, s0  }
0xbd: {  	[sflag:s0] =	ssyncadd.remote.s32 $0x1  }
0xbe: {  	_ =	sfence.sel $0xFFFF  }
0xbf: {  	[dreg:$0x0] =	wrdreg $0xFFFFFFFF;
	(pc) =	sbr.abs _section_cstart, $3  }
0xc0: {  	[dreg:$0x1] =	wrdreg $0xFFFFFFFF  }
0xc1: {  	_ =	task.clear_ibuf [dreg:s7], $0x2FFFF;
	_ =	strace $0x9FFFFFFF  }
0xc2: {  	(tm) =	ssettm $0x7FFFFFFF  }
0xc3: {  	_ =	shalt  }
tec
execute0_lowered:
.L_overlay_start_1:
0x0: {  	(tag) =	ssettag $0x1  }
0x1: {  	s0 =	rddreg [dreg:$0x0];
	s1 =	simm.s32 $0x0;
	s26 =	srdreg.scid  }
0x2: {  	s7 =	stileid.u32;
	s12 =	simm.s32 $0x3;
	s15 =	simm.s32 $0x2100  }
0x3: {  	s29 =	simm.s32 $0x13900;
	s30 =	simm.s32 $0x14100;
	s31 =	simm.s32 $0x14900  }
0x4: {  	s11 =	simm.s32 $0x16100;
	s13 =	simm.s32 $0x17900;
	s14 =	simm.s32 $0x18100  }
0x5: {  	s16 =	simm.s32 $0x18900;
	s17 =	simm.s32 $0x19100;
	s18 =	simm.s32 $0x19900  }
0x6: {  	s19 =	simm.s32 $0x1;
	s20 =	simm.s32 $0x2;
	s22 =	simm.s32 $0x0  }
0x7: {  	[smem:$0x7FF] =	sst s1;
	s4 =	sadd.s32 $0x8AE00, s0;
	s5 =	sadd.s32 $0x12C00, s0  }
0x8: {  	s1 =	sand.u32 $0x1, s26;
	s6 =	sadd.s32 $0x12A00, s0;
	s8 =	sshll.u32 s7, $0x8  }
0x9: {  	s7 =	sadd.s32 $0x2A00, s0;
	s9 =	sadd.s32 $0x8AF00, s0;
	s2 =	ssub.s32 $0x2, s1  }
0xa: {  	s10 =	sadd.s32 $0x8B000, s0;
	s0 =	simm.s32 $0x15100;
	s3 =	sshrl.u32 s2, $0x1  }
0xb: {  	v2 =	vlaneseq.u32;
	_ =	strace $0x8000004A;
	s1 =	sshll.u32 s1, $0x7;
	s2 =	ssub.s32 s2, s3  }
0xc: {  	vm0 =	vmmov $0xffff;
	v1 =	vshrl.u32 v2, $0x3;
	s8 =	sor.u32 s1, s8;
	s1 =	simm.s32 $0x16900;
	s28 =	smax.u32 s2, $0x1  }
0xd: {  	v0 =	vand.u32 $0x7, v2;
	v2 =	vor.u32 $0x8, v2;
	v1 =	vmul.u32 $0x8, v1;
	s3 =	simm.s32 $0x15900;
	s2 =	simm.s32 $0x17100;
	[dreg:$0x3] =	wrdreg s28  }
.LBB2_1:
0xe: {  	[dreg:$0x4] =	wrdreg s22;
	p1 =	por $0x1, $0x1;
	s21 =	simm.s32 $0x0  }
.LBB2_2:
0xf: {  	s23 =	sor.u32 s8, s21  }
0x10: {  	s21 =	sshrl.u32 s23, $0x3  }
0x11: {  	s22 =	simm.s32 $0x0;
	s24 =	sadd.s32 s5, s21  }
0x12: {  	[tilespmem:s22], [sflag:$0x3] =	stream.linear.gather [hbm4b:s24+s22], $0x40, $0x38;
	[tilespmem:$0x1A100] =	vst v63  }
0x13: {  	_ =	swait.ge [sflag:s12], $0x40  }
0x14: {  	[sflag:s12] =	ssyncset.done $0x0  }
0x15: {  	s25 =	simm.s32 $0x80;
	s26 =	sadd.s32 s6, s21;
	[sflag:s12] =	ssyncadd.s32 $0xFFFFFFC0  }
0x16: {  	[tilespmem:s25], [sflag:$0x3] =	stream.linear.gather [hbm4b:s26+s22], $0x40, $0x38;
	[tilespmem:$0x1A100] =	vst v63  }
0x17: {  	_ =	swait.ge [sflag:s12], $0x40  }
0x18: {  	s23 =	sshll.u32 s23, $0x4;
	[sflag:s12] =	ssyncset.done $0x0  }
0x19: {  	s28 =	simm.s32 $0x100;
	s23 =	sadd.s32 s7, s23;
	[sflag:s12] =	ssyncadd.s32 $0xFFFFFFC0  }
0x1a: {  	[tilespmem:s28], [sflag:$0x3] =	stream.linear.gather [hbm4b:s23+s22], $0x2000, $0x38;
	[tilespmem:$0x1A100] =	vst v63  }
0x1b: {  	_ =	swait.ge [sflag:s12], $0x2000  }
0x1c: {  	[sflag:s12] =	ssyncset.done $0x0  }
0x1d: {  	[sflag:s12] =	ssyncadd.s32 $0xFFFFE000  }
0x1e: {  	v3 =	vld [tilespmem:$0x0];
	_ =	sdelay $0x4  }
0x1f: {  	v4 =	vshrl.u32 v3, $0x3  }
0x20: {  	v4 =	vmul.u32 $0x30, v4  }
0x21: {  	v3 =	vand.u32 $0x7, v3  }
0x22: {  	v3 =	vor.u32 v3, v4  }
0x23: {  	v4 =	vperm.xlane v3, v0;
	_ =	sdelay $0x1  }
0x24: {  	v4 =	vadd.s32 v1, v4;
	_ =	sdelay $0x3  }
0x25: {  	v3 =	vperm.xlane v3, v2  }
0x26: {  	[tilespmem:s15], [sflag:$0x1] =	stream.indirect_vreg.gather [hbm4b:s4+s22], $0x80, v4, vm0, $0xb8;
	[tilespmem:$0x1A100] =	vst v63  }
0x27: {  	s24 =	simm.s32 $0x2900;
	v3 =	vadd.s32 v1, v3  }
0x28: {  	[tilespmem:s24], [sflag:$0x1] =	stream.indirect_vreg.gather [hbm4b:s9+s22], $0x80, v4, vm0, $0xb8;
	[tilespmem:$0x1A100] =	vst v63  }
0x29: {  	s25 =	simm.s32 $0x3100  }
0x2a: {  	[tilespmem:s25], [sflag:$0x1] =	stream.indirect_vreg.gather [hbm4b:s10+s22], $0x80, v4, vm0, $0xb8;
	[tilespmem:$0x1A100] =	vst v63  }
0x2b: {  	s26 =	simm.s32 $0x3900  }
0x2c: {  	[tilespmem:s26], [sflag:$0x1] =	stream.indirect_vreg.gather [hbm4b:s4+s22], $0x80, v3, vm0, $0xb8;
	[tilespmem:$0x1A100] =	vst v63  }
0x2d: {  	s28 =	simm.s32 $0x4100  }
0x2e: {  	[tilespmem:s28], [sflag:$0x1] =	stream.indirect_vreg.gather [hbm4b:s9+s22], $0x80, v3, vm0, $0xb8;
	[tilespmem:$0x1A100] =	vst v63  }
0x2f: {  	s24 =	simm.s32 $0x4900  }
0x30: {  	[tilespmem:s24], [sflag:$0x1] =	stream.indirect_vreg.gather [hbm4b:s10+s22], $0x80, v3, vm0, $0xb8;
	[tilespmem:$0x1A100] =	vst v63  }
0x31: {  	v3 =	vld [tilespmem:$0x10];
	_ =	sdelay $0x4  }
0x32: {  	v4 =	vshrl.u32 v3, $0x3  }
0x33: {  	v4 =	vmul.u32 $0x30, v4  }
0x34: {  	v3 =	vand.u32 $0x7, v3  }
0x35: {  	v3 =	vor.u32 v3, v4  }
0x36: {  	v4 =	vperm.xlane v3, v0;
	_ =	sdelay $0x1  }
0x37: {  	v4 =	vadd.s32 v1, v4;
	_ =	sdelay $0x3  }
0x38: {  	s25 =	simm.s32 $0x5100;
	v3 =	vperm.xlane v3, v2  }
0x39: {  	[tilespmem:s25], [sflag:$0x1] =	stream.indirect_vreg.gather [hbm4b:s4+s22], $0x80, v4, vm0, $0xb8;
	[tilespmem:$0x1A100] =	vst v63  }
0x3a: {  	s26 =	simm.s32 $0x5900;
	v3 =	vadd.s32 v1, v3  }
0x3b: {  	[tilespmem:s26], [sflag:$0x1] =	stream.indirect_vreg.gather [hbm4b:s9+s22], $0x80, v4, vm0, $0xb8;
	[tilespmem:$0x1A100] =	vst v63  }
0x3c: {  	s28 =	simm.s32 $0x6100  }
0x3d: {  	[tilespmem:s28], [sflag:$0x1] =	stream.indirect_vreg.gather [hbm4b:s10+s22], $0x80, v4, vm0, $0xb8;
	[tilespmem:$0x1A100] =	vst v63  }
0x3e: {  	s24 =	simm.s32 $0x6900  }
0x3f: {  	[tilespmem:s24], [sflag:$0x1] =	stream.indirect_vreg.gather [hbm4b:s4+s22], $0x80, v3, vm0, $0xb8;
	[tilespmem:$0x1A100] =	vst v63  }
0x40: {  	s25 =	simm.s32 $0x7100  }
0x41: {  	[tilespmem:s25], [sflag:$0x1] =	stream.indirect_vreg.gather [hbm4b:s9+s22], $0x80, v3, vm0, $0xb8;
	[tilespmem:$0x1A100] =	vst v63  }
0x42: {  	s26 =	simm.s32 $0x7900  }
0x43: {  	[tilespmem:s26], [sflag:$0x1] =	stream.indirect_vreg.gather [hbm4b:s10+s22], $0x80, v3, vm0, $0xb8;
	[tilespmem:$0x1A100] =	vst v63  }
0x44: {  	v3 =	vld [tilespmem:$0x20];
	_ =	sdelay $0x4  }
0x45: {  	v4 =	vshrl.u32 v3, $0x3  }
0x46: {  	v4 =	vmul.u32 $0x30, v4  }
0x47: {  	v3 =	vand.u32 $0x7, v3  }
0x48: {  	v3 =	vor.u32 v3, v4  }
0x49: {  	v4 =	vperm.xlane v3, v0;
	_ =	sdelay $0x1  }
0x4a: {  	v4 =	vadd.s32 v1, v4;
	_ =	sdelay $0x3  }
0x4b: {  	s28 =	simm.s32 $0x8100;
	v3 =	vperm.xlane v3, v2  }
0x4c: {  	[tilespmem:s28], [sflag:$0x1] =	stream.indirect_vreg.gather [hbm4b:s4+s22], $0x80, v4, vm0, $0xb8;
	[tilespmem:$0x1A100] =	vst v63  }
0x4d: {  	s24 =	simm.s32 $0x8900;
	v3 =	vadd.s32 v1, v3  }
0x4e: {  	[tilespmem:s24], [sflag:$0x1] =	stream.indirect_vreg.gather [hbm4b:s9+s22], $0x80, v4, vm0, $0xb8;
	[tilespmem:$0x1A100] =	vst v63  }
0x4f: {  	s25 =	simm.s32 $0x9100  }
0x50: {  	[tilespmem:s25], [sflag:$0x1] =	stream.indirect_vreg.gather [hbm4b:s10+s22], $0x80, v4, vm0, $0xb8;
	[tilespmem:$0x1A100] =	vst v63  }
0x51: {  	s26 =	simm.s32 $0x9900  }
0x52: {  	[tilespmem:s26], [sflag:$0x1] =	stream.indirect_vreg.gather [hbm4b:s4+s22], $0x80, v3, vm0, $0xb8;
	[tilespmem:$0x1A100] =	vst v63  }
0x53: {  	s28 =	simm.s32 $0xA100  }
0x54: {  	[tilespmem:s28], [sflag:$0x1] =	stream.indirect_vreg.gather [hbm4b:s9+s22], $0x80, v3, vm0, $0xb8;
	[tilespmem:$0x1A100] =	vst v63  }
0x55: {  	s24 =	simm.s32 $0xA900  }
0x56: {  	[tilespmem:s24], [sflag:$0x1] =	stream.indirect_vreg.gather [hbm4b:s10+s22], $0x80, v3, vm0, $0xb8;
	[tilespmem:$0x1A100] =	vst v63  }
0x57: {  	v3 =	vld [tilespmem:$0x30];
	_ =	sdelay $0x4  }
0x58: {  	v4 =	vshrl.u32 v3, $0x3  }
0x59: {  	v4 =	vmul.u32 $0x30, v4  }
0x5a: {  	v3 =	vand.u32 $0x7, v3  }
0x5b: {  	v3 =	vor.u32 v3, v4  }
0x5c: {  	v4 =	vperm.xlane v3, v0;
	_ =	sdelay $0x1  }
0x5d: {  	v4 =	vadd.s32 v1, v4;
	_ =	sdelay $0x3  }
0x5e: {  	s25 =	simm.s32 $0xB100;
	v3 =	vperm.xlane v3, v2  }
0x5f: {  	[tilespmem:s25], [sflag:$0x1] =	stream.indirect_vreg.gather [hbm4b:s4+s22], $0x80, v4, vm0, $0xb8;
	[tilespmem:$0x1A100] =	vst v63  }
0x60: {  	s26 =	simm.s32 $0xB900;
	v3 =	vadd.s32 v1, v3  }
0x61: {  	[tilespmem:s26], [sflag:$0x1] =	stream.indirect_vreg.gather [hbm4b:s9+s22], $0x80, v4, vm0, $0xb8;
	[tilespmem:$0x1A100] =	vst v63  }
0x62: {  	s28 =	simm.s32 $0xC100  }
0x63: {  	[tilespmem:s28], [sflag:$0x1] =	stream.indirect_vreg.gather [hbm4b:s10+s22], $0x80, v4, vm0, $0xb8;
	[tilespmem:$0x1A100] =	vst v63  }
0x64: {  	s24 =	simm.s32 $0xC900  }
0x65: {  	[tilespmem:s24], [sflag:$0x1] =	stream.indirect_vreg.gather [hbm4b:s4+s22], $0x80, v3, vm0, $0xb8;
	[tilespmem:$0x1A100] =	vst v63  }
0x66: {  	s25 =	simm.s32 $0xD100  }
0x67: {  	[tilespmem:s25], [sflag:$0x1] =	stream.indirect_vreg.gather [hbm4b:s9+s22], $0x80, v3, vm0, $0xb8;
	[tilespmem:$0x1A100] =	vst v63  }
0x68: {  	s26 =	simm.s32 $0xD900  }
0x69: {  	[tilespmem:s26], [sflag:$0x1] =	stream.indirect_vreg.gather [hbm4b:s10+s22], $0x80, v3, vm0, $0xb8;
	[tilespmem:$0x1A100] =	vst v63  }
0x6a: {  	v3 =	vld [tilespmem:$0x80];
	_ =	sdelay $0x4  }
0x6b: {  	v4 =	vshrl.u32 v3, $0x3  }
0x6c: {  	v4 =	vmul.u32 $0x30, v4  }
0x6d: {  	v3 =	vand.u32 $0x7, v3  }
0x6e: {  	v3 =	vor.u32 v3, v4  }
0x6f: {  	v4 =	vperm.xlane v3, v0;
	_ =	sdelay $0x1  }
0x70: {  	v4 =	vadd.s32 v1, v4;
	_ =	sdelay $0x3  }
0x71: {  	s28 =	simm.s32 $0xE100;
	v3 =	vperm.xlane v3, v2  }
0x72: {  	[tilespmem:s28], [sflag:$0x2] =	stream.indirect_vreg.gather [hbm4b:s4+s22], $0x80, v4, vm0, $0xb8;
	[tilespmem:$0x1A100] =	vst v63  }
0x73: {  	s24 =	simm.s32 $0xE900;
	v3 =	vadd.s32 v1, v3  }
0x74: {  	[tilespmem:s24], [sflag:$0x2] =	stream.indirect_vreg.gather [hbm4b:s9+s22], $0x80, v4, vm0, $0xb8;
	[tilespmem:$0x1A100] =	vst v63  }
0x75: {  	s25 =	simm.s32 $0xF100  }
0x76: {  	[tilespmem:s25], [sflag:$0x2] =	stream.indirect_vreg.gather [hbm4b:s10+s22], $0x80, v4, vm0, $0xb8;
	[tilespmem:$0x1A100] =	vst v63  }
0x77: {  	s26 =	simm.s32 $0xF900  }
0x78: {  	[tilespmem:s26], [sflag:$0x2] =	stream.indirect_vreg.gather [hbm4b:s4+s22], $0x80, v3, vm0, $0xb8;
	[tilespmem:$0x1A100] =	vst v63  }
0x79: {  	s28 =	simm.s32 $0x10100  }
0x7a: {  	[tilespmem:s28], [sflag:$0x2] =	stream.indirect_vreg.gather [hbm4b:s9+s22], $0x80, v3, vm0, $0xb8;
	[tilespmem:$0x1A100] =	vst v63  }
0x7b: {  	s24 =	simm.s32 $0x10900  }
0x7c: {  	[tilespmem:s24], [sflag:$0x2] =	stream.indirect_vreg.gather [hbm4b:s10+s22], $0x80, v3, vm0, $0xb8;
	[tilespmem:$0x1A100] =	vst v63  }
0x7d: {  	v3 =	vld [tilespmem:$0x90];
	_ =	sdelay $0x4  }
0x7e: {  	v4 =	vshrl.u32 v3, $0x3  }
0x7f: {  	v4 =	vmul.u32 $0x30, v4  }
0x80: {  	v3 =	vand.u32 $0x7, v3  }
0x81: {  	v3 =	vor.u32 v3, v4  }
0x82: {  	v4 =	vperm.xlane v3, v0;
	_ =	sdelay $0x1  }
0x83: {  	v4 =	vadd.s32 v1, v4;
	_ =	sdelay $0x3  }
0x84: {  	s25 =	simm.s32 $0x11100;
	v3 =	vperm.xlane v3, v2  }
0x85: {  	[tilespmem:s25], [sflag:$0x2] =	stream.indirect_vreg.gather [hbm4b:s4+s22], $0x80, v4, vm0, $0xb8;
	[tilespmem:$0x1A100] =	vst v63  }
0x86: {  	s26 =	simm.s32 $0x11900;
	v3 =	vadd.s32 v1, v3  }
0x87: {  	[tilespmem:s26], [sflag:$0x2] =	stream.indirect_vreg.gather [hbm4b:s9+s22], $0x80, v4, vm0, $0xb8;
	[tilespmem:$0x1A100] =	vst v63  }
0x88: {  	s28 =	simm.s32 $0x12100  }
0x89: {  	[tilespmem:s28], [sflag:$0x2] =	stream.indirect_vreg.gather [hbm4b:s10+s22], $0x80, v4, vm0, $0xb8;
	[tilespmem:$0x1A100] =	vst v63  }
0x8a: {  	s24 =	simm.s32 $0x12900  }
0x8b: {  	[tilespmem:s24], [sflag:$0x2] =	stream.indirect_vreg.gather [hbm4b:s4+s22], $0x80, v3, vm0, $0xb8;
	[tilespmem:$0x1A100] =	vst v63  }
0x8c: {  	s25 =	simm.s32 $0x13100  }
0x8d: {  	[tilespmem:s25], [sflag:$0x2] =	stream.indirect_vreg.gather [hbm4b:s9+s22], $0x80, v3, vm0, $0xb8;
	[tilespmem:$0x1A100] =	vst v63  }
0x8e: {  	_ = 	snop  }
0x8f: {  	[tilespmem:s29], [sflag:$0x2] =	stream.indirect_vreg.gather [hbm4b:s10+s22], $0x80, v3, vm0, $0xb8;
	[tilespmem:$0x1A100] =	vst v63  }
0x90: {  	v3 =	vld [tilespmem:$0xA0];
	_ =	sdelay $0x4  }
0x91: {  	v4 =	vshrl.u32 v3, $0x3  }
0x92: {  	v4 =	vmul.u32 $0x30, v4  }
0x93: {  	v3 =	vand.u32 $0x7, v3  }
0x94: {  	v3 =	vor.u32 v3, v4  }
0x95: {  	v4 =	vperm.xlane v3, v0;
	_ =	sdelay $0x1  }
0x96: {  	v4 =	vadd.s32 v1, v4;
	_ =	sdelay $0x3  }
0x97: {  	v3 =	vperm.xlane v3, v2  }
0x98: {  	[tilespmem:s30], [sflag:$0x2] =	stream.indirect_vreg.gather [hbm4b:s4+s22], $0x80, v4, vm0, $0xb8;
	[tilespmem:$0x1A100] =	vst v63  }
0x99: {  	v3 =	vadd.s32 v1, v3  }
0x9a: {  	[tilespmem:s31], [sflag:$0x2] =	stream.indirect_vreg.gather [hbm4b:s9+s22], $0x80, v4, vm0, $0xb8;
	[tilespmem:$0x1A100] =	vst v63  }
0x9b: {  	_ = 	snop  }
0x9c: {  	[tilespmem:s0], [sflag:$0x2] =	stream.indirect_vreg.gather [hbm4b:s10+s22], $0x80, v4, vm0, $0xb8;
	[tilespmem:$0x1A100] =	vst v63  }
0x9d: {  	_ = 	snop  }
0x9e: {  	[tilespmem:s3], [sflag:$0x2] =	stream.indirect_vreg.gather [hbm4b:s4+s22], $0x80, v3, vm0, $0xb8;
	[tilespmem:$0x1A100] =	vst v63  }
0x9f: {  	_ = 	snop  }
0xa0: {  	[tilespmem:s11], [sflag:$0x2] =	stream.indirect_vreg.gather [hbm4b:s9+s22], $0x80, v3, vm0, $0xb8;
	[tilespmem:$0x1A100] =	vst v63  }
0xa1: {  	_ = 	snop  }
0xa2: {  	[tilespmem:s1], [sflag:$0x2] =	stream.indirect_vreg.gather [hbm4b:s10+s22], $0x80, v3, vm0, $0xb8;
	[tilespmem:$0x1A100] =	vst v63  }
0xa3: {  	v3 =	vld [tilespmem:$0xB0];
	_ =	sdelay $0x4  }
0xa4: {  	v4 =	vshrl.u32 v3, $0x3  }
0xa5: {  	v4 =	vmul.u32 $0x30, v4  }
0xa6: {  	v3 =	vand.u32 $0x7, v3  }
0xa7: {  	v3 =	vor.u32 v3, v4  }
0xa8: {  	v4 =	vperm.xlane v3, v0;
	_ =	sdelay $0x1  }
0xa9: {  	v4 =	vadd.s32 v1, v4;
	_ =	sdelay $0x3  }
0xaa: {  	v3 =	vperm.xlane v3, v2  }
0xab: {  	[tilespmem:s2], [sflag:$0x2] =	stream.indirect_vreg.gather [hbm4b:s4+s22], $0x80, v4, vm0, $0xb8;
	[tilespmem:$0x1A100] =	vst v63  }
0xac: {  	v3 =	vadd.s32 v1, v3  }
0xad: {  	[tilespmem:s13], [sflag:$0x2] =	stream.indirect_vreg.gather [hbm4b:s9+s22], $0x80, v4, vm0, $0xb8;
	[tilespmem:$0x1A100] =	vst v63  }
0xae: {  	_ = 	snop  }
0xaf: {  	[tilespmem:s14], [sflag:$0x2] =	stream.indirect_vreg.gather [hbm4b:s10+s22], $0x80, v4, vm0, $0xb8;
	[tilespmem:$0x1A100] =	vst v63  }
0xb0: {  	_ = 	snop  }
0xb1: {  	[tilespmem:s16], [sflag:$0x2] =	stream.indirect_vreg.gather [hbm4b:s4+s22], $0x80, v3, vm0, $0xb8;
	[tilespmem:$0x1A100] =	vst v63  }
0xb2: {  	_ = 	snop  }
0xb3: {  	[tilespmem:s17], [sflag:$0x2] =	stream.indirect_vreg.gather [hbm4b:s9+s22], $0x80, v3, vm0, $0xb8;
	[tilespmem:$0x1A100] =	vst v63  }
0xb4: {  	_ = 	snop  }
0xb5: {  	[tilespmem:s18], [sflag:$0x2] =	stream.indirect_vreg.gather [hbm4b:s10+s22], $0x80, v3, vm0, $0xb8;
	[tilespmem:$0x1A100] =	vst v63  }
0xb6: {  	_ =	swait.ge [sflag:s19], $0xC000  }
0xb7: {  	[sflag:s19] =	ssyncset.done $0x0  }
0xb8: {  	s26 =	simm.s32 $0x0;
	[sflag:s19] =	ssyncadd.s32 $0xFFFF4000  }
0xb9: {  	s23 =	smul.u32 $0x1800, s26;
	_ =	swait.ge [sflag:s20], $0xC000  }
0xba: {  	s22 =	sand.u32 $0x380, s22;
	[sflag:s20] =	ssyncset.done $0x0  }
0xbb: {  	s25 =	sor.u32 s22, s23;
	[sflag:s20] =	ssyncadd.s32 $0xFFFF4000  }
0xbc: {  	v4 =	vld [tilespmem:s25+$0x2110]  }
0xbd: {  	v3 =	vld [tilespmem:s25+$0xE110]  }
0xbe: {  	v6 =	vld [tilespmem:s25+$0x2120]  }
0xbf: {  	v5 =	vld [tilespmem:s25+$0xE120]  }
0xc0: {  	v10 =	vld [tilespmem:s25+$0x2130]  }
0xc1: {  	v7 =	vld [tilespmem:s25+$0xE130]  }
0xc2: {  	v12 =	vld [tilespmem:s25+$0x2140]  }
0xc3: {  	v11 =	vld [tilespmem:s25+$0xE140]  }
0xc4: {  	v13 =	vld [tilespmem:s25+$0x2160]  }
0xc5: {  	v14 =	vld [tilespmem:s25+$0x2170]  }
0xc6: {  	v15 =	vld [tilespmem:s25+$0x2500]  }
0xc7: {  	v16 =	vld [tilespmem:s25+$0x2510]  }
0xc8: {  	v17 =	vld [tilespmem:s25+$0x2520]  }
0xc9: {  	v18 =	vld [tilespmem:s25+$0x2530]  }
0xca: {  	v19 =	vld [tilespmem:s25+$0x2540]  }
0xcb: {  	v20 =	vld [tilespmem:s25+$0x2550]  }
0xcc: {  	v21 =	vld [tilespmem:s25+$0x2560]  }
0xcd: {  	v22 =	vld [tilespmem:s25+$0x2570]  }
0xce: {  	v23 =	vld [tilespmem:s25+$0x2900]  }
0xcf: {  	v24 =	vld [tilespmem:s25+$0x2910]  }
0xd0: {  	v25 =	vld [tilespmem:s25+$0x2920]  }
0xd1: {  	v26 =	vld [tilespmem:s25+$0x2930]  }
0xd2: {  	v27 =	vld [tilespmem:s25+$0x2940]  }
0xd3: {  	v28 =	vld [tilespmem:s25+$0x2950]  }
0xd4: {  	v29 =	vld [tilespmem:s25+$0x2960]  }
0xd5: {  	v30 =	vld [tilespmem:s25+$0x2970]  }
0xd6: {  	v31 =	vld [tilespmem:s25+$0x2D00]  }
0xd7: {  	v32 =	vld [tilespmem:s25+$0x2D10]  }
0xd8: {  	v33 =	vld [tilespmem:s25+$0x2D20]  }
0xd9: {  	v34 =	vld [tilespmem:s25+$0x2D30]  }
0xda: {  	v35 =	vld [tilespmem:s25+$0x2D40]  }
0xdb: {  	v36 =	vld [tilespmem:s25+$0x2D50]  }
0xdc: {  	v37 =	vld [tilespmem:s25+$0x2D60]  }
0xdd: {  	v38 =	vld [tilespmem:s25+$0x2D70]  }
0xde: {  	v39 =	vld [tilespmem:s25+$0x3100]  }
0xdf: {  	v40 =	vld [tilespmem:s25+$0x3110]  }
0xe0: {  	v41 =	vld [tilespmem:s25+$0x3120]  }
0xe1: {  	v42 =	vld [tilespmem:s25+$0x3130]  }
0xe2: {  	v43 =	vld [tilespmem:s25+$0x3140]  }
0xe3: {  	v44 =	vld [tilespmem:s25+$0x3150]  }
0xe4: {  	v45 =	vld [tilespmem:s25+$0x3160]  }
0xe5: {  	v46 =	vld [tilespmem:s25+$0x3500]  }
0xe6: {  	v47 =	vld [tilespmem:s25+$0x3510]  }
0xe7: {  	v48 =	vld [tilespmem:s25+$0xF510]  }
0xe8: {  	v49 =	vld [tilespmem:s25+$0xF530]  }
0xe9: {  	v50 =	vld [tilespmem:s25+$0x3530]  }
0xea: {  	s23 =	simm.s32 $0x110;
	v51 =	vld [tilespmem:s25+$0x3520]  }
0xeb: {  	v8 =	vld [tilespmem:s23+$0xFFFFFFF0]  }
0xec: {  	v9 =	vld [tilespmem:s23+$0x0]  }
0xed: {  	v52 =	vld [tilespmem:s25+$0xF520]  }
0xee: {  	v53 =	vld [tilespmem:s25+$0xF500]  }
0xef: {  	v54 =	vld [tilespmem:s25+$0x3170]  }
0xf0: {  	v55 =	vld [tilespmem:s25+$0xF170];
	v50 =	vmul.f32 v50, v8  }
0xf1: {  	v56 =	vld [tilespmem:s25+$0xF160];
	v49 =	vmul.f32 v49, v9;
	v51 =	vmul.f32 v51, v8  }
0xf2: {  	v61 =	vld [tilespmem:s25+$0xF100];
	v52 =	vmul.f32 v52, v9;
	v47 =	vmul.f32 v47, v8  }
0xf3: {  	v57 =	vld [tilespmem:s25+$0xF150];
	v48 =	vmul.f32 v48, v9;
	v46 =	vmul.f32 v46, v8;
	v49 =	vadd.f32 v49, v50  }
0xf4: {  	v58 =	vld [tilespmem:s25+$0xF140];
	v62 =	vmul.f32 v53, v9;
	v63 =	vmul.f32 v54, v8;
	v51 =	vadd.f32 v52, v51  }
0xf5: {  	v53 =	vld [tilespmem:s25+$0xF130];
	v59 =	vmul.f32 v55, v9;
	v45 =	vmul.f32 v45, v8;
	v47 =	vadd.f32 v48, v47;
	[tilespmem:s25+$0x3530] =	vst v49  }
0xf6: {  	v60 =	vmul.f32 v56, v9;
	v56 =	vld [tilespmem:s25+$0xED60];
	v39 =	vmul.f32 v39, v8;
	v46 =	vadd.f32 v62, v46;
	[tilespmem:s25+$0x3520] =	vst v51  }
0xf7: {  	v61 =	vmul.f32 v61, v9;
	v55 =	vld [tilespmem:s25+$0xE970];
	v12 =	vmul.f32 v12, v8;
	v52 =	vadd.f32 v59, v63;
	[tilespmem:s25+$0x3510] =	vst v47  }
0xf8: {  	v11 =	vmul.f32 v11, v9;
	v10 =	vmul.f32 v10, v8;
	v48 =	vld [tilespmem:s25+$0xF120];
	v45 =	vadd.f32 v60, v45;
	[tilespmem:s25+$0x3500] =	vst v46  }
0xf9: {  	v7 =	vmul.f32 v7, v9;
	v63 =	vmul.f32 v58, v9;
	v58 =	vld [tilespmem:s25+$0xED50];
	v39 =	vadd.f32 v61, v39;
	[tilespmem:s25+$0x3170] =	vst v52  }
0xfa: {  	v44 =	vmul.f32 v44, v8;
	v62 =	vmul.f32 v57, v9;
	v59 =	vld [tilespmem:s25+$0xED40];
	v11 =	vadd.f32 v11, v12;
	[tilespmem:s25+$0x3160] =	vst v45  }
0xfb: {  	v43 =	vmul.f32 v43, v8;
	v60 =	vld [tilespmem:s25+$0xED30];
	v7 =	vadd.f32 v7, v10;
	[tilespmem:s25+$0x3100] =	vst v39  }
0xfc: {  	v42 =	vmul.f32 v42, v8;
	v61 =	vld [tilespmem:s25+$0xE910];
	v44 =	vadd.f32 v62, v44;
	[tilespmem:s25+$0x2140] =	vst v11;
	v57 =	vmul.f32 v53, v9  }
0xfd: {  	v37 =	vmul.f32 v37, v8;
	v49 =	vld [tilespmem:s25+$0xF110];
	v43 =	vadd.f32 v63, v43;
	[tilespmem:s25+$0x2130] =	vst v7;
	v46 =	vmul.f32 v56, v9  }
0xfe: {  	v41 =	vmul.f32 v41, v8;
	v47 =	vld [tilespmem:s25+$0xED70];
	[tilespmem:s25+$0x3150] =	vst v44;
	v48 =	vmul.f32 v48, v9;
	v42 =	vadd.f32 v57, v42  }
0xff: {  	v36 =	vmul.f32 v36, v8;
	v62 =	vld [tilespmem:s25+$0xED20];
	[tilespmem:s25+$0x3140] =	vst v43;
	v54 =	vmul.f32 v58, v9;
	v37 =	vadd.f32 v46, v37  }
0x100: {  	v35 =	vmul.f32 v35, v8;
	v63 =	vld [tilespmem:s25+$0xED10];
	v45 =	vmul.f32 v59, v9;
	v41 =	vadd.f32 v48, v41;
	[tilespmem:s25+$0x3130] =	vst v42  }
0x101: {  	v34 =	vmul.f32 v34, v8;
	v56 =	vld [tilespmem:s25+$0xE960];
	v44 =	vmul.f32 v60, v9;
	v36 =	vadd.f32 v54, v36;
	[tilespmem:s25+$0x2D60] =	vst v37  }
0x102: {  	v40 =	vmul.f32 v40, v8;
	v53 =	vld [tilespmem:s25+$0xED00];
	v49 =	vmul.f32 v49, v9;
	v35 =	vadd.f32 v45, v35;
	[tilespmem:s25+$0x3120] =	vst v41  }
0x103: {  	v38 =	vmul.f32 v38, v8;
	v12 =	vld [tilespmem:s25+$0x3560];
	v47 =	vmul.f32 v47, v9;
	v34 =	vadd.f32 v44, v34;
	[tilespmem:s25+$0x2D50] =	vst v36  }
0x104: {  	v33 =	vmul.f32 v33, v8;
	v58 =	vld [tilespmem:s25+$0xE940];
	v43 =	vmul.f32 v62, v9;
	v40 =	vadd.f32 v49, v40;
	[tilespmem:s25+$0x2D40] =	vst v35  }
0x105: {  	v32 =	vmul.f32 v32, v8;
	v57 =	vld [tilespmem:s25+$0xE950];
	v42 =	vmul.f32 v63, v9;
	v38 =	vadd.f32 v47, v38;
	[tilespmem:s25+$0x2D30] =	vst v34  }
0x106: {  	v29 =	vmul.f32 v29, v8;
	v60 =	vld [tilespmem:s25+$0xE920];
	v39 =	vmul.f32 v56, v9;
	v33 =	vadd.f32 v43, v33;
	[tilespmem:s25+$0x3110] =	vst v40  }
0x107: {  	v31 =	vmul.f32 v31, v8;
	v59 =	vld [tilespmem:s25+$0xE930];
	v41 =	vmul.f32 v53, v9;
	v32 =	vadd.f32 v42, v32;
	[tilespmem:s25+$0x2D70] =	vst v38  }
0x108: {  	v24 =	vmul.f32 v24, v8;
	v62 =	vld [tilespmem:s25+$0xE900];
	v34 =	vmul.f32 v61, v9;
	v29 =	vadd.f32 v39, v29;
	[tilespmem:s25+$0x2D20] =	vst v33  }
0x109: {  	v27 =	vmul.f32 v27, v8;
	v63 =	vld [tilespmem:s25+$0xE570];
	v37 =	vmul.f32 v58, v9;
	v31 =	vadd.f32 v41, v31;
	[tilespmem:s25+$0x2D10] =	vst v32  }
0x10a: {  	v30 =	vmul.f32 v30, v8;
	v40 =	vmul.f32 v55, v9;
	v24 =	vadd.f32 v34, v24;
	[tilespmem:s25+$0x2960] =	vst v29;
	v29 =	vld [tilespmem:s25+$0xE540]  }
0x10b: {  	v25 =	vmul.f32 v25, v8;
	v35 =	vmul.f32 v60, v9;
	v27 =	vadd.f32 v37, v27;
	[tilespmem:s25+$0x2D00] =	vst v31;
	v31 =	vld [tilespmem:s25+$0xE560]  }
0x10c: {  	v28 =	vmul.f32 v28, v8;
	v38 =	vmul.f32 v57, v9;
	v30 =	vadd.f32 v40, v30;
	[tilespmem:s25+$0x2910] =	vst v24;
	v24 =	vld [tilespmem:s25+$0xE170]  }
0x10d: {  	v23 =	vmul.f32 v23, v8;
	v33 =	vmul.f32 v62, v9;
	v25 =	vadd.f32 v35, v25;
	[tilespmem:s25+$0x2940] =	vst v27;
	v27 =	vld [tilespmem:s25+$0xE520]  }
0x10e: {  	v26 =	vmul.f32 v26, v8;
	v36 =	vmul.f32 v59, v9;
	v28 =	vadd.f32 v38, v28;
	[tilespmem:s25+$0x2970] =	vst v30;
	v30 =	vld [tilespmem:s25+$0xE550]  }
0x10f: {  	v22 =	vmul.f32 v22, v8;
	v32 =	vmul.f32 v63, v9;
	v23 =	vadd.f32 v33, v23;
	[tilespmem:s25+$0x2920] =	vst v25;
	v25 =	vld [tilespmem:s25+$0xE500]  }
0x110: {  	v19 =	vmul.f32 v19, v8;
	v26 =	vadd.f32 v36, v26;
	[tilespmem:s25+$0x2950] =	vst v28;
	v28 =	vld [tilespmem:s25+$0xE530];
	v29 =	vmul.f32 v29, v9  }
0x111: {  	v21 =	vmul.f32 v21, v8;
	v22 =	vadd.f32 v32, v22;
	[tilespmem:s25+$0x2900] =	vst v23;
	v23 =	vld [tilespmem:s25+$0xE160];
	v31 =	vmul.f32 v31, v9  }
0x112: {  	v17 =	vmul.f32 v17, v8;
	[tilespmem:s25+$0x2930] =	vst v26;
	v26 =	vld [tilespmem:s25+$0xE510];
	v27 =	vmul.f32 v27, v9;
	v19 =	vadd.f32 v29, v19  }
0x113: {  	v20 =	vmul.f32 v20, v8;
	[tilespmem:s25+$0x2570] =	vst v22;
	v22 =	vld [tilespmem:s25+$0x2150];
	v30 =	vmul.f32 v30, v9;
	v21 =	vadd.f32 v31, v21  }
0x114: {  	v15 =	vmul.f32 v15, v8;
	v25 =	vmul.f32 v25, v9;
	v17 =	vadd.f32 v27, v17;
	[tilespmem:s25+$0x2540] =	vst v19;
	v19 =	vld [tilespmem:s25+$0xF550]  }
0x115: {  	v18 =	vmul.f32 v18, v8;
	v28 =	vmul.f32 v28, v9;
	v20 =	vadd.f32 v30, v20;
	[tilespmem:s25+$0x2560] =	vst v21;
	v21 =	vld [tilespmem:s25+$0xE150]  }
0x116: {  	v13 =	vmul.f32 v13, v8;
	v23 =	vmul.f32 v23, v9;
	v15 =	vadd.f32 v25, v15;
	[tilespmem:s25+$0x2520] =	vst v17;
	v17 =	vld [tilespmem:s25+$0x3540]  }
0x117: {  	v6 =	vmul.f32 v6, v8;
	v5 =	vmul.f32 v5, v9;
	v18 =	vadd.f32 v28, v18;
	[tilespmem:s25+$0x2550] =	vst v20;
	v20 =	vld [tilespmem:s25+$0xF540]  }
0x118: {  	v14 =	vmul.f32 v14, v8;
	v24 =	vmul.f32 v24, v9;
	v13 =	vadd.f32 v23, v13;
	[tilespmem:s25+$0x2500] =	vst v15;
	v15 =	vld [tilespmem:s25+$0x3550]  }
0x119: {  	v4 =	vmul.f32 v4, v8;
	v3 =	vmul.f32 v3, v9;
	v5 =	vadd.f32 v5, v6;
	[tilespmem:s25+$0x2530] =	vst v18;
	v18 =	vld [tilespmem:s25+$0xF560]  }
0x11a: {  	v6 =	vld [tilespmem:s25+$0x2100];
	v14 =	vadd.f32 v24, v14;
	v10 =	vmul.f32 v22, v8;
	[tilespmem:s25+$0x2160] =	vst v13;
	v13 =	vmul.f32 v21, v9  }
0x11b: {  	s28 =	simm.s32 $0x0;
	v16 =	vmul.f32 v16, v8;
	v3 =	vadd.f32 v3, v4;
	v7 =	vld [tilespmem:s25+$0xE100];
	[tilespmem:s25+$0x2120] =	vst v5;
	v26 =	vmul.f32 v26, v9  }
0x11c: {  	s24 =	simm.s32 $0x80;
	s22 =	smul.u32 $0x1800, s28;
	[tilespmem:s25+$0x2170] =	vst v14;
	v14 =	vld [tilespmem:s25+$0x3570];
	v11 =	vmul.f32 v17, v8;
	v17 =	vmul.f32 v20, v9;
	v4 =	vadd.f32 v13, v10  }
0x11d: {  	s26 =	sand.u32 $0x380, s24;
	[tilespmem:s25+$0x2110] =	vst v3;
	v16 =	vadd.f32 v26, v16;
	v5 =	vmul.f32 v15, v8;
	v10 =	vmul.f32 v19, v9  }
0x11e: {  	s22 =	sor.u32 s26, s22;
	v11 =	vadd.f32 v17, v11;
	[tilespmem:s25+$0x2150] =	vst v4;
	v4 =	vmul.f32 v12, v8;
	v12 =	vmul.f32 v18, v9  }
0x11f: {  	v3 =	vld [tilespmem:s22+$0x2110];
	[tilespmem:s25+$0x2510] =	vst v16;
	v5 =	vadd.f32 v10, v5  }
0x120: {  	v7 =	vmul.f32 v7, v9;
	v16 =	vld [tilespmem:s25+$0xF570];
	[tilespmem:s25+$0x3540] =	vst v11;
	v12 =	vadd.f32 v12, v4  }
0x121: {  	v10 =	vmul.f32 v14, v8;
	v8 =	vmul.f32 v6, v8;
	v4 =	vld [tilespmem:s22+$0xE110];
	[tilespmem:s25+$0x3550] =	vst v5  }
0x122: {  	v6 =	vld [tilespmem:s22+$0x2120];
	[tilespmem:s25+$0x3560] =	vst v12  }
0x123: {  	v7 =	vadd.f32 v7, v8;
	v5 =	vld [tilespmem:s22+$0xE120]  }
0x124: {  	v8 =	vld [tilespmem:s22+$0x2130]  }
0x125: {  	[tilespmem:s25+$0x2100] =	vst v7;
	v18 =	vld [tilespmem:s22+$0x2530]  }
0x126: {  	v11 =	vmul.f32 v16, v9;
	v26 =	vld [tilespmem:s22+$0x2930]  }
0x127: {  	v36 =	vld [tilespmem:s22+$0x2D30]  }
0x128: {  	v9 =	vadd.f32 v11, v10;
	v44 =	vld [tilespmem:s22+$0x3130]  }
0x129: {  	v48 =	vld [tilespmem:s22+$0x3500]  }
0x12a: {  	[tilespmem:s25+$0x3570] =	vst v9;
	v50 =	vld [tilespmem:s22+$0x3510]  }
0x12b: {  	v7 =	vld [tilespmem:s22+$0xE130]  }
0x12c: {  	v10 =	vld [tilespmem:s22+$0x2140]  }
0x12d: {  	v9 =	vld [tilespmem:s22+$0xE140]  }
0x12e: {  	v12 =	vld [tilespmem:s22+$0x2150]  }
0x12f: {  	v11 =	vld [tilespmem:s22+$0xE150]  }
0x130: {  	v13 =	vld [tilespmem:s22+$0x2160]  }
0x131: {  	v14 =	vld [tilespmem:s22+$0x2170]  }
0x132: {  	v15 =	vld [tilespmem:s22+$0x2500]  }
0x133: {  	v16 =	vld [tilespmem:s22+$0x2510]  }
0x134: {  	v17 =	vld [tilespmem:s22+$0x2520]  }
0x135: {  	v19 =	vld [tilespmem:s22+$0x2540]  }
0x136: {  	v20 =	vld [tilespmem:s22+$0x2550]  }
0x137: {  	v21 =	vld [tilespmem:s22+$0x2560]  }
0x138: {  	v22 =	vld [tilespmem:s22+$0x2570]  }
0x139: {  	v23 =	vld [tilespmem:s22+$0x2900]  }
0x13a: {  	v24 =	vld [tilespmem:s22+$0x2910]  }
0x13b: {  	v25 =	vld [tilespmem:s22+$0x2920]  }
0x13c: {  	v27 =	vld [tilespmem:s22+$0x2940]  }
0x13d: {  	v28 =	vld [tilespmem:s22+$0x2950]  }
0x13e: {  	v29 =	vld [tilespmem:s22+$0x2960]  }
0x13f: {  	v30 =	vld [tilespmem:s22+$0x2970]  }
0x140: {  	v31 =	vld [tilespmem:s22+$0x2D00]  }
0x141: {  	v34 =	vld [tilespmem:s22+$0x2D10]  }
0x142: {  	v35 =	vld [tilespmem:s22+$0x2D20]  }
0x143: {  	v37 =	vld [tilespmem:s22+$0x2D40]  }
0x144: {  	v38 =	vld [tilespmem:s22+$0x2D50]  }
0x145: {  	v39 =	vld [tilespmem:s22+$0x2D60]  }
0x146: {  	v40 =	vld [tilespmem:s22+$0x2D70]  }
0x147: {  	v41 =	vld [tilespmem:s22+$0x3100]  }
0x148: {  	v42 =	vld [tilespmem:s22+$0x3110]  }
0x149: {  	v43 =	vld [tilespmem:s22+$0x3120]  }
0x14a: {  	v45 =	vld [tilespmem:s22+$0x3140]  }
0x14b: {  	v46 =	vld [tilespmem:s22+$0x3150]  }
0x14c: {  	v47 =	vld [tilespmem:s22+$0x3160]  }
0x14d: {  	v49 =	vld [tilespmem:s22+$0xF510]  }
0x14e: {  	p0 =	por p1, p1;
	s25 =	simm.s32 $0x2;
	v51 =	vld [tilespmem:s22+$0xF530]  }
.LBB2_3:
0x14f: {  	p1 =	sne.s32 s25, $0x3F;
	v52 =	vld [tilespmem:s22+$0x3530]  }
0x150: {  	s23 =	sadd.s32 $0x80, s23;
	v53 =	vld [tilespmem:s22+$0x3520]  }
0x151: {  	v33 =	vld [tilespmem:s23+$0xFFFFFFF0]  }
0x152: {  	v32 =	vld [tilespmem:s23+$0x0]  }
0x153: {  	v54 =	vld [tilespmem:s22+$0xF520]  }
0x154: {  	v55 =	vld [tilespmem:s22+$0xF500]  }
0x155: {  	v56 =	vld [tilespmem:s22+$0x3170]  }
0x156: {  	v57 =	vld [tilespmem:s22+$0xF170];
	v50 =	vmul.f32 v50, v33;
	v53 =	vmul.f32 v53, v33  }
0x157: {  	v52 =	vmul.f32 v52, v33;
	v58 =	vld [tilespmem:s22+$0xF160];
	v51 =	vmul.f32 v51, v32  }
0x158: {  	v49 =	vmul.f32 v49, v32;
	v59 =	vld [tilespmem:s22+$0xF150];
	v54 =	vmul.f32 v54, v32  }
0x159: {  	v48 =	vmul.f32 v48, v33;
	v60 =	vld [tilespmem:s22+$0xF140];
	v55 =	vmul.f32 v55, v32;
	v51 =	vadd.f32 v51, v52  }
0x15a: {  	v49 =	vadd.f32 v49, v50;
	v52 =	vld [tilespmem:s22+$0xF130];
	v56 =	vmul.f32 v56, v33;
	v50 =	vadd.f32 v54, v53  }
0x15b: {  	v47 =	vmul.f32 v47, v33;
	v53 =	vld [tilespmem:s22+$0xF120];
	v54 =	vmul.f32 v57, v32;
	v48 =	vadd.f32 v55, v48;
	[tilespmem:s22+$0x3530] =	vst v51  }
0x15c: {  	v46 =	vmul.f32 v46, v33;
	v51 =	vld [tilespmem:s22+$0xF110];
	v55 =	vmul.f32 v58, v32;
	[tilespmem:s22+$0x3520] =	vst v50  }
0x15d: {  	v45 =	vmul.f32 v45, v33;
	v50 =	vld [tilespmem:s22+$0xF100];
	v57 =	vmul.f32 v59, v32;
	v54 =	vadd.f32 v54, v56;
	[tilespmem:s22+$0x3510] =	vst v49  }
0x15e: {  	v44 =	vmul.f32 v44, v33;
	v49 =	vld [tilespmem:s22+$0xED70];
	v56 =	vmul.f32 v60, v32;
	v47 =	vadd.f32 v55, v47;
	[tilespmem:s22+$0x3500] =	vst v48  }
0x15f: {  	v43 =	vmul.f32 v43, v33;
	v48 =	vld [tilespmem:s22+$0xED60];
	v52 =	vmul.f32 v52, v32;
	v46 =	vadd.f32 v57, v46;
	[tilespmem:s22+$0x3170] =	vst v54  }
0x160: {  	v42 =	vmul.f32 v42, v33;
	v54 =	vld [tilespmem:s22+$0xED50];
	v53 =	vmul.f32 v53, v32;
	v45 =	vadd.f32 v56, v45;
	[tilespmem:s22+$0x3160] =	vst v47  }
0x161: {  	v41 =	vmul.f32 v41, v33;
	v47 =	vld [tilespmem:s22+$0xED40];
	v51 =	vmul.f32 v51, v32;
	v44 =	vadd.f32 v52, v44;
	[tilespmem:s22+$0x3150] =	vst v46  }
0x162: {  	v40 =	vmul.f32 v40, v33;
	v46 =	vld [tilespmem:s22+$0xED30];
	v50 =	vmul.f32 v50, v32;
	v43 =	vadd.f32 v53, v43;
	[tilespmem:s22+$0x3140] =	vst v45  }
0x163: {  	v39 =	vmul.f32 v39, v33;
	v45 =	vld [tilespmem:s22+$0xED20];
	v49 =	vmul.f32 v49, v32;
	v42 =	vadd.f32 v51, v42;
	[tilespmem:s22+$0x3130] =	vst v44  }
0x164: {  	v38 =	vmul.f32 v38, v33;
	v44 =	vld [tilespmem:s22+$0xED10];
	v48 =	vmul.f32 v48, v32;
	v41 =	vadd.f32 v50, v41;
	[tilespmem:s22+$0x3120] =	vst v43  }
0x165: {  	v37 =	vmul.f32 v37, v33;
	v43 =	vld [tilespmem:s22+$0xED00];
	v50 =	vmul.f32 v54, v32;
	v40 =	vadd.f32 v49, v40;
	[tilespmem:s22+$0x3110] =	vst v42  }
0x166: {  	v36 =	vmul.f32 v36, v33;
	v42 =	vld [tilespmem:s22+$0xE970];
	v47 =	vmul.f32 v47, v32;
	v39 =	vadd.f32 v48, v39;
	[tilespmem:s22+$0x3100] =	vst v41  }
0x167: {  	v35 =	vmul.f32 v35, v33;
	v41 =	vld [tilespmem:s22+$0xE960];
	v46 =	vmul.f32 v46, v32;
	v38 =	vadd.f32 v50, v38;
	[tilespmem:s22+$0x2D70] =	vst v40  }
0x168: {  	v34 =	vmul.f32 v34, v33;
	v40 =	vld [tilespmem:s22+$0xE950];
	v45 =	vmul.f32 v45, v32;
	v37 =	vadd.f32 v47, v37;
	[tilespmem:s22+$0x2D60] =	vst v39  }
0x169: {  	v31 =	vmul.f32 v31, v33;
	v39 =	vld [tilespmem:s22+$0xE940];
	v44 =	vmul.f32 v44, v32;
	v36 =	vadd.f32 v46, v36;
	[tilespmem:s22+$0x2D50] =	vst v38  }
0x16a: {  	v30 =	vmul.f32 v30, v33;
	v38 =	vld [tilespmem:s22+$0xE930];
	v43 =	vmul.f32 v43, v32;
	v35 =	vadd.f32 v45, v35;
	[tilespmem:s22+$0x2D40] =	vst v37  }
0x16b: {  	v29 =	vmul.f32 v29, v33;
	v37 =	vld [tilespmem:s22+$0xE920];
	v42 =	vmul.f32 v42, v32;
	v34 =	vadd.f32 v44, v34;
	[tilespmem:s22+$0x2D30] =	vst v36  }
0x16c: {  	v28 =	vmul.f32 v28, v33;
	v36 =	vld [tilespmem:s22+$0xE910];
	v41 =	vmul.f32 v41, v32;
	v31 =	vadd.f32 v43, v31;
	[tilespmem:s22+$0x2D20] =	vst v35  }
0x16d: {  	v27 =	vmul.f32 v27, v33;
	v35 =	vld [tilespmem:s22+$0xE900];
	v40 =	vmul.f32 v40, v32;
	v30 =	vadd.f32 v42, v30;
	[tilespmem:s22+$0x2D10] =	vst v34  }
0x16e: {  	v26 =	vmul.f32 v26, v33;
	v34 =	vld [tilespmem:s22+$0xE570];
	v39 =	vmul.f32 v39, v32;
	v29 =	vadd.f32 v41, v29;
	[tilespmem:s22+$0x2D00] =	vst v31  }
0x16f: {  	v25 =	vmul.f32 v25, v33;
	v31 =	vld [tilespmem:s22+$0xE560];
	v38 =	vmul.f32 v38, v32;
	v28 =	vadd.f32 v40, v28;
	[tilespmem:s22+$0x2970] =	vst v30  }
0x170: {  	v24 =	vmul.f32 v24, v33;
	v30 =	vld [tilespmem:s22+$0xE550];
	v37 =	vmul.f32 v37, v32;
	v27 =	vadd.f32 v39, v27;
	[tilespmem:s22+$0x2960] =	vst v29  }
0x171: {  	v23 =	vmul.f32 v23, v33;
	v29 =	vld [tilespmem:s22+$0xE540];
	v36 =	vmul.f32 v36, v32;
	v26 =	vadd.f32 v38, v26;
	[tilespmem:s22+$0x2950] =	vst v28  }
0x172: {  	v22 =	vmul.f32 v22, v33;
	v28 =	vld [tilespmem:s22+$0xE530];
	v35 =	vmul.f32 v35, v32;
	v25 =	vadd.f32 v37, v25;
	[tilespmem:s22+$0x2940] =	vst v27  }
0x173: {  	v21 =	vmul.f32 v21, v33;
	v27 =	vld [tilespmem:s22+$0xE520];
	v34 =	vmul.f32 v34, v32;
	v24 =	vadd.f32 v36, v24;
	[tilespmem:s22+$0x2930] =	vst v26  }
0x174: {  	v20 =	vmul.f32 v20, v33;
	v26 =	vld [tilespmem:s22+$0xE510];
	v31 =	vmul.f32 v31, v32;
	v23 =	vadd.f32 v35, v23;
	[tilespmem:s22+$0x2920] =	vst v25  }
0x175: {  	v19 =	vmul.f32 v19, v33;
	v25 =	vld [tilespmem:s22+$0xE500];
	v30 =	vmul.f32 v30, v32;
	v22 =	vadd.f32 v34, v22;
	[tilespmem:s22+$0x2910] =	vst v24  }
0x176: {  	v18 =	vmul.f32 v18, v33;
	v24 =	vld [tilespmem:s22+$0xE170];
	v29 =	vmul.f32 v29, v32;
	v21 =	vadd.f32 v31, v21;
	[tilespmem:s22+$0x2900] =	vst v23  }
0x177: {  	v17 =	vmul.f32 v17, v33;
	v23 =	vld [tilespmem:s22+$0xE160];
	v28 =	vmul.f32 v28, v32;
	v20 =	vadd.f32 v30, v20;
	[tilespmem:s22+$0x2570] =	vst v22  }
0x178: {  	v16 =	vmul.f32 v16, v33;
	v22 =	vmul.f32 v27, v32;
	v19 =	vadd.f32 v29, v19;
	[tilespmem:s22+$0x2560] =	vst v21;
	v21 =	vld [tilespmem:s22+$0xF540]  }
0x179: {  	v15 =	vmul.f32 v15, v33;
	v26 =	vmul.f32 v26, v32;
	v18 =	vadd.f32 v28, v18;
	[tilespmem:s22+$0x2550] =	vst v20;
	v20 =	vld [tilespmem:s22+$0xF550]  }
0x17a: {  	v14 =	vmul.f32 v14, v33;
	v25 =	vmul.f32 v25, v32;
	v17 =	vadd.f32 v22, v17;
	[tilespmem:s22+$0x2540] =	vst v19;
	v19 =	vld [tilespmem:s22+$0xF560]  }
0x17b: {  	v13 =	vmul.f32 v13, v33;
	v22 =	vmul.f32 v24, v32;
	v16 =	vadd.f32 v26, v16;
	[tilespmem:s22+$0x2530] =	vst v18;
	v18 =	vld [tilespmem:s22+$0xF570]  }
0x17c: {  	v12 =	vmul.f32 v12, v33;
	v23 =	vmul.f32 v23, v32;
	v15 =	vadd.f32 v25, v15;
	[tilespmem:s22+$0x2520] =	vst v17;
	v17 =	vld [tilespmem:s22+$0x3540]  }
0x17d: {  	v10 =	vmul.f32 v10, v33;
	v11 =	vmul.f32 v11, v32;
	v14 =	vadd.f32 v22, v14;
	[tilespmem:s22+$0x2510] =	vst v16;
	v16 =	vld [tilespmem:s22+$0x3550]  }
0x17e: {  	v8 =	vmul.f32 v8, v33;
	v9 =	vmul.f32 v9, v32;
	v13 =	vadd.f32 v23, v13;
	[tilespmem:s22+$0x2500] =	vst v15;
	v15 =	vld [tilespmem:s22+$0x3560]  }
0x17f: {  	v6 =	vmul.f32 v6, v33;
	v7 =	vmul.f32 v7, v32;
	v11 =	vadd.f32 v11, v12;
	[tilespmem:s22+$0x2170] =	vst v14;
	v12 =	vld [tilespmem:s22+$0x3570]  }
0x180: {  	v3 =	vmul.f32 v3, v33;
	v5 =	vmul.f32 v5, v32;
	v9 =	vadd.f32 v9, v10;
	v14 =	vld [tilespmem:s22+$0x2100];
	[tilespmem:s22+$0x2160] =	vst v13  }
0x181: {  	v4 =	vmul.f32 v4, v32;
	v7 =	vadd.f32 v7, v8;
	v10 =	vld [tilespmem:s22+$0xE100];
	[tilespmem:s22+$0x2150] =	vst v11;
	v8 =	vmul.f32 v17, v33  }
0x182: {  	s26 =	sshrl.u32 s25, $0x3;
	v5 =	vadd.f32 v5, v6;
	v6 =	vmul.f32 v21, v32;
	[tilespmem:s22+$0x2140] =	vst v9;
	v9 =	vmul.f32 v16, v33  }
0x183: {  	s24 =	sadd.s32 $0x80, s24;
	s26 =	smul.u32 $0x1800, s26;
	v3 =	vadd.f32 v4, v3;
	v4 =	vmul.f32 v20, v32;
	[tilespmem:s22+$0x2130] =	vst v7;
	v7 =	vmul.f32 v15, v33  }
0x184: {  	s28 =	sand.u32 $0x380, s24;
	[tilespmem:s22+$0x2120] =	vst v5;
	v5 =	vadd.f32 v6, v8;
	v6 =	vmul.f32 v19, v32;
	v8 =	vmul.f32 v12, v33  }
0x185: {  	s26 =	sor.u32 s28, s26;
	v9 =	vadd.f32 v4, v9;
	v12 =	vmul.f32 v18, v32;
	v11 =	vmul.f32 v14, v33;
	[tilespmem:s22+$0x2110] =	vst v3  }
0x186: {  	v3 =	vld [tilespmem:s26+$0x2110];
	v10 =	vmul.f32 v10, v32;
	[tilespmem:s22+$0x3540] =	vst v5;
	v5 =	vadd.f32 v6, v7  }
0x187: {  	v7 =	vadd.f32 v12, v8;
	v4 =	vld [tilespmem:s26+$0xE110];
	[tilespmem:s22+$0x3550] =	vst v9  }
0x188: {  	v6 =	vld [tilespmem:s26+$0x2120];
	v9 =	vadd.f32 v10, v11;
	[tilespmem:s22+$0x3560] =	vst v5  }
0x189: {  	v5 =	vld [tilespmem:s26+$0xE120];
	[tilespmem:s22+$0x3570] =	vst v7  }
0x18a: {  	v8 =	vld [tilespmem:s26+$0x2130];
	[tilespmem:s22+$0x2100] =	vst v9;
	s22 =	smov.u32 s26  }
0x18b: {  	v7 =	vld [tilespmem:s22+$0xE130]  }
0x18c: {  	v10 =	vld [tilespmem:s22+$0x2140]  }
0x18d: {  	v9 =	vld [tilespmem:s22+$0xE140]  }
0x18e: {  	v12 =	vld [tilespmem:s22+$0x2150]  }
0x18f: {  	v11 =	vld [tilespmem:s22+$0xE150]  }
0x190: {  	v13 =	vld [tilespmem:s22+$0x2160]  }
0x191: {  	v14 =	vld [tilespmem:s22+$0x2170]  }
0x192: {  	v15 =	vld [tilespmem:s22+$0x2500]  }
0x193: {  	v16 =	vld [tilespmem:s22+$0x2510]  }
0x194: {  	v17 =	vld [tilespmem:s22+$0x2520]  }
0x195: {  	v18 =	vld [tilespmem:s22+$0x2530]  }
0x196: {  	v19 =	vld [tilespmem:s22+$0x2540]  }
0x197: {  	v20 =	vld [tilespmem:s22+$0x2550]  }
0x198: {  	v21 =	vld [tilespmem:s22+$0x2560]  }
0x199: {  	v22 =	vld [tilespmem:s22+$0x2570]  }
0x19a: {  	v23 =	vld [tilespmem:s22+$0x2900]  }
0x19b: {  	v24 =	vld [tilespmem:s22+$0x2910]  }
0x19c: {  	v25 =	vld [tilespmem:s22+$0x2920]  }
0x19d: {  	v26 =	vld [tilespmem:s22+$0x2930]  }
0x19e: {  	v27 =	vld [tilespmem:s22+$0x2940]  }
0x19f: {  	v28 =	vld [tilespmem:s22+$0x2950]  }
0x1a0: {  	v29 =	vld [tilespmem:s22+$0x2960]  }
0x1a1: {  	v30 =	vld [tilespmem:s22+$0x2970]  }
0x1a2: {  	v31 =	vld [tilespmem:s22+$0x2D00]  }
0x1a3: {  	v34 =	vld [tilespmem:s22+$0x2D10]  }
0x1a4: {  	v35 =	vld [tilespmem:s22+$0x2D20]  }
0x1a5: {  	v36 =	vld [tilespmem:s22+$0x2D30]  }
0x1a6: {  	v37 =	vld [tilespmem:s22+$0x2D40]  }
0x1a7: {  	v38 =	vld [tilespmem:s22+$0x2D50]  }
0x1a8: {  	v39 =	vld [tilespmem:s22+$0x2D60]  }
0x1a9: {  	v40 =	vld [tilespmem:s22+$0x2D70]  }
0x1aa: {  	v41 =	vld [tilespmem:s22+$0x3100]  }
0x1ab: {  	v42 =	vld [tilespmem:s22+$0x3110]  }
0x1ac: {  	v43 =	vld [tilespmem:s22+$0x3120]  }
0x1ad: {  	v44 =	vld [tilespmem:s22+$0x3130]  }
0x1ae: {  	v45 =	vld [tilespmem:s22+$0x3140]  }
0x1af: {  	v46 =	vld [tilespmem:s22+$0x3150]  }
.Ltmp0:
0x1b0: {  	v47 =	vld [tilespmem:s22+$0x3160];
	(pc) =	sbr.rel @p1 .LBB2_3-.Ltmp0, $4  }
0x1b1: {  	v48 =	vld [tilespmem:s22+$0x3500]  }
0x1b2: {  	v50 =	vld [tilespmem:s22+$0x3510]  }
0x1b3: {  	v49 =	vld [tilespmem:s22+$0xF510]  }
0x1b4: {  	s25 =	sadd.s32 $0x1, s25;
	v51 =	vld [tilespmem:s22+$0xF530]  }
0x1b5: {  	v52 =	vld [tilespmem:s22+$0x3530]  }
0x1b6: {  	v53 =	vld [tilespmem:s22+$0x3520];
	s23 =	sadd.s32 $0x80, s23  }
0x1b7: {  	v32 =	vld [tilespmem:s23+$0xFFFFFFF0]  }
0x1b8: {  	v33 =	vld [tilespmem:s23+$0x0]  }
0x1b9: {  	v54 =	vld [tilespmem:s22+$0xF520];
	_ =	sdelay $0x1  }
0x1ba: {  	v55 =	vld [tilespmem:s22+$0xF500]  }
0x1bb: {  	v56 =	vld [tilespmem:s22+$0x3170]  }
0x1bc: {  	v58 =	vld [tilespmem:s22+$0xF160];
	v52 =	vmul.f32 v52, v32;
	v51 =	vmul.f32 v51, v33  }
0x1bd: {  	v57 =	vld [tilespmem:s22+$0xF170];
	v53 =	vmul.f32 v53, v32;
	v54 =	vmul.f32 v54, v33  }
0x1be: {  	v59 =	vld [tilespmem:s22+$0xF150];
	v50 =	vmul.f32 v50, v32;
	v49 =	vmul.f32 v49, v33  }
0x1bf: {  	v60 =	vld [tilespmem:s22+$0xF140];
	v48 =	vmul.f32 v48, v32;
	v62 =	vmul.f32 v55, v33;
	v51 =	vadd.f32 v51, v52  }
0x1c0: {  	v61 =	vld [tilespmem:s22+$0xF120];
	v63 =	vmul.f32 v56, v32;
	v47 =	vmul.f32 v47, v32;
	v53 =	vadd.f32 v54, v53  }
0x1c1: {  	v58 =	vmul.f32 v58, v33;
	v55 =	vld [tilespmem:s22+$0xE560];
	v12 =	vmul.f32 v12, v32;
	v49 =	vadd.f32 v49, v50;
	[tilespmem:s22+$0x3530] =	vst v51  }
0x1c2: {  	v56 =	vld [tilespmem:s22+$0xE550];
	v11 =	vmul.f32 v11, v33;
	v10 =	vmul.f32 v10, v32;
	v48 =	vadd.f32 v62, v48;
	[tilespmem:s22+$0x3520] =	vst v53  }
0x1c3: {  	v9 =	vmul.f32 v9, v33;
	v8 =	vmul.f32 v8, v32;
	v52 =	vld [tilespmem:s22+$0xF130];
	v47 =	vadd.f32 v58, v47;
	[tilespmem:s22+$0x3510] =	vst v49  }
0x1c4: {  	v7 =	vmul.f32 v7, v33;
	v6 =	vmul.f32 v6, v32;
	v50 =	vld [tilespmem:s22+$0xF100];
	v11 =	vadd.f32 v11, v12;
	[tilespmem:s22+$0x3500] =	vst v48  }
0x1c5: {  	v5 =	vmul.f32 v5, v33;
	v3 =	vmul.f32 v3, v32;
	v58 =	vld [tilespmem:s22+$0xED20];
	v9 =	vadd.f32 v9, v10;
	[tilespmem:s22+$0x3160] =	vst v47  }
0x1c6: {  	v4 =	vmul.f32 v4, v33;
	v62 =	vmul.f32 v59, v33;
	v59 =	vld [tilespmem:s22+$0xED10];
	v7 =	vadd.f32 v7, v8;
	[tilespmem:s22+$0x2150] =	vst v11  }
0x1c7: {  	v57 =	vmul.f32 v57, v33;
	v54 =	vld [tilespmem:s22+$0xE570];
	v5 =	vadd.f32 v5, v6;
	[tilespmem:s22+$0x2140] =	vst v9  }
0x1c8: {  	v46 =	vmul.f32 v46, v32;
	v3 =	vadd.f32 v4, v3;
	v51 =	vld [tilespmem:s22+$0xF110];
	[tilespmem:s22+$0x2130] =	vst v7  }
0x1c9: {  	v45 =	vmul.f32 v45, v32;
	v49 =	vld [tilespmem:s22+$0xED70];
	v53 =	vadd.f32 v57, v63;
	v63 =	vmul.f32 v60, v33;
	[tilespmem:s22+$0x2120] =	vst v5  }
0x1ca: {  	v43 =	vmul.f32 v43, v32;
	v48 =	vld [tilespmem:s22+$0xED60];
	v46 =	vadd.f32 v62, v46;
	v57 =	vmul.f32 v61, v33;
	[tilespmem:s22+$0x2110] =	vst v3  }
0x1cb: {  	v44 =	vmul.f32 v44, v32;
	v47 =	vld [tilespmem:s22+$0xED40];
	[tilespmem:s22+$0x3170] =	vst v53;
	v45 =	vadd.f32 v63, v45;
	v52 =	vmul.f32 v52, v33  }
0x1cc: {  	v41 =	vmul.f32 v41, v32;
	v60 =	vld [tilespmem:s22+$0xED00];
	[tilespmem:s22+$0x3150] =	vst v46;
	v43 =	vadd.f32 v57, v43;
	v50 =	vmul.f32 v50, v33  }
0x1cd: {  	v35 =	vmul.f32 v35, v32;
	v61 =	vld [tilespmem:s22+$0xE970];
	[tilespmem:s22+$0x3140] =	vst v45;
	v45 =	vmul.f32 v58, v33;
	v44 =	vadd.f32 v52, v44  }
0x1ce: {  	v42 =	vmul.f32 v42, v32;
	v53 =	vld [tilespmem:s22+$0xED50];
	[tilespmem:s22+$0x3120] =	vst v43;
	v51 =	vmul.f32 v51, v33;
	v41 =	vadd.f32 v50, v41  }
0x1cf: {  	v40 =	vmul.f32 v40, v32;
	v46 =	vld [tilespmem:s22+$0xED30];
	v49 =	vmul.f32 v49, v33;
	v35 =	vadd.f32 v45, v35;
	[tilespmem:s22+$0x3130] =	vst v44  }
0x1d0: {  	v39 =	vmul.f32 v39, v32;
	v62 =	vld [tilespmem:s22+$0xE960];
	v48 =	vmul.f32 v48, v33;
	v42 =	vadd.f32 v51, v42;
	[tilespmem:s22+$0x3100] =	vst v41  }
0x1d1: {  	v37 =	vmul.f32 v37, v32;
	v57 =	vld [tilespmem:s22+$0xE540];
	v47 =	vmul.f32 v47, v33;
	v40 =	vadd.f32 v49, v40;
	[tilespmem:s22+$0x2D20] =	vst v35  }
0x1d2: {  	v31 =	vmul.f32 v31, v32;
	v58 =	vld [tilespmem:s22+$0xE530];
	v43 =	vmul.f32 v60, v33;
	v39 =	vadd.f32 v48, v39;
	[tilespmem:s22+$0x3110] =	vst v42  }
0x1d3: {  	v38 =	vmul.f32 v38, v32;
	v50 =	vld [tilespmem:s22+$0xE930];
	v63 =	vmul.f32 v53, v33;
	v37 =	vadd.f32 v47, v37;
	[tilespmem:s22+$0x2D70] =	vst v40  }
0x1d4: {  	v36 =	vmul.f32 v36, v32;
	v60 =	vld [tilespmem:s22+$0xE510];
	v46 =	vmul.f32 v46, v33;
	v31 =	vadd.f32 v43, v31;
	[tilespmem:s22+$0x2D60] =	vst v39  }
0x1d5: {  	v34 =	vmul.f32 v34, v32;
	v52 =	vld [tilespmem:s22+$0xE910];
	v44 =	vmul.f32 v59, v33;
	v38 =	vadd.f32 v63, v38;
	[tilespmem:s22+$0x2D40] =	vst v37  }
0x1d6: {  	v29 =	vmul.f32 v29, v32;
	v45 =	vld [tilespmem:s22+$0x3540];
	v41 =	vmul.f32 v62, v33;
	v36 =	vadd.f32 v46, v36;
	[tilespmem:s22+$0x2D00] =	vst v31  }
0x1d7: {  	v21 =	vmul.f32 v21, v32;
	v48 =	vld [tilespmem:s22+$0xE950];
	v62 =	vmul.f32 v55, v33;
	v34 =	vadd.f32 v44, v34;
	[tilespmem:s22+$0x2D50] =	vst v38  }
0x1d8: {  	v30 =	vmul.f32 v30, v32;
	v49 =	vld [tilespmem:s22+$0xE940];
	v42 =	vmul.f32 v61, v33;
	v29 =	vadd.f32 v41, v29;
	[tilespmem:s22+$0x2D30] =	vst v36  }
0x1d9: {  	v16 =	vmul.f32 v16, v32;
	v51 =	vld [tilespmem:s22+$0xE920];
	v21 =	vadd.f32 v62, v21;
	v41 =	vmul.f32 v60, v33;
	[tilespmem:s22+$0x2D10] =	vst v34  }
0x1da: {  	v26 =	vmul.f32 v26, v32;
	v53 =	vld [tilespmem:s22+$0xE900];
	v30 =	vadd.f32 v42, v30;
	[tilespmem:s22+$0x2960] =	vst v29;
	v38 =	vmul.f32 v50, v33  }
0x1db: {  	v24 =	vmul.f32 v24, v32;
	v59 =	vld [tilespmem:s22+$0xE520];
	v36 =	vmul.f32 v52, v33;
	[tilespmem:s22+$0x2560] =	vst v21;
	v16 =	vadd.f32 v41, v16  }
0x1dc: {  	v22 =	vmul.f32 v22, v32;
	v43 =	vld [tilespmem:s22+$0xF570];
	v34 =	vmul.f32 v54, v33;
	[tilespmem:s22+$0x2970] =	vst v30;
	v26 =	vadd.f32 v38, v26  }
0x1dd: {  	v28 =	vmul.f32 v28, v32;
	v61 =	vld [tilespmem:s22+$0xE500];
	v40 =	vmul.f32 v48, v33;
	v24 =	vadd.f32 v36, v24;
	[tilespmem:s22+$0x2510] =	vst v16  }
0x1de: {  	v27 =	vmul.f32 v27, v32;
	v63 =	vld [tilespmem:s22+$0xE170];
	v39 =	vmul.f32 v49, v33;
	v22 =	vadd.f32 v34, v22;
	[tilespmem:s22+$0x2930] =	vst v26  }
0x1df: {  	v25 =	vmul.f32 v25, v32;
	v46 =	vld [tilespmem:s22+$0x3550];
	v37 =	vmul.f32 v51, v33;
	v28 =	vadd.f32 v40, v28;
	[tilespmem:s22+$0x2910] =	vst v24  }
0x1e0: {  	v23 =	vmul.f32 v23, v32;
	v50 =	vld [tilespmem:s22+$0xE100];
	v35 =	vmul.f32 v53, v33;
	v27 =	vadd.f32 v39, v27;
	[tilespmem:s22+$0x2570] =	vst v22  }
0x1e1: {  	v20 =	vmul.f32 v20, v32;
	v48 =	vld [tilespmem:s22+$0x3560];
	v30 =	vmul.f32 v56, v33;
	v25 =	vadd.f32 v37, v25;
	[tilespmem:s22+$0x2950] =	vst v28  }
0x1e2: {  	v19 =	vmul.f32 v19, v32;
	v51 =	vld [tilespmem:s22+$0x2100];
	v23 =	vadd.f32 v35, v23;
	v35 =	vmul.f32 v57, v33;
	[tilespmem:s22+$0x2940] =	vst v27  }
0x1e3: {  	v18 =	vmul.f32 v18, v32;
	v34 =	vld [tilespmem:s22+$0xE160];
	v37 =	vmul.f32 v58, v33;
	v20 =	vadd.f32 v30, v20;
	[tilespmem:s22+$0x2920] =	vst v25  }
0x1e4: {  	v17 =	vmul.f32 v17, v32;
	v36 =	vld [tilespmem:s22+$0xF540];
	v39 =	vmul.f32 v59, v33;
	[tilespmem:s22+$0x2900] =	vst v23;
	v19 =	vadd.f32 v35, v19  }
0x1e5: {  	v15 =	vmul.f32 v15, v32;
	v38 =	vld [tilespmem:s22+$0xF550];
	v42 =	vmul.f32 v61, v33;
	v18 =	vadd.f32 v37, v18;
	[tilespmem:s22+$0x2550] =	vst v20  }
0x1e6: {  	v14 =	vmul.f32 v14, v32;
	v40 =	vld [tilespmem:s22+$0xF560];
	v44 =	vmul.f32 v63, v33;
	v17 =	vadd.f32 v39, v17;
	[tilespmem:s22+$0x2540] =	vst v19  }
0x1e7: {  	v49 =	vld [tilespmem:s22+$0x3570];
	v15 =	vadd.f32 v42, v15;
	v10 =	vmul.f32 v50, v33;
	v61 =	vmul.f32 v51, v32;
	[tilespmem:s22+$0x2530] =	vst v18  }
0x1e8: {  	v13 =	vmul.f32 v13, v32;
	v14 =	vadd.f32 v44, v14;
	[tilespmem:s22+$0x2520] =	vst v17;
	v47 =	vmul.f32 v34, v33  }
0x1e9: {  	v52 =	vmul.f32 v45, v32;
	[tilespmem:s22+$0x2500] =	vst v15;
	v53 =	vmul.f32 v36, v33;
	v63 =	vadd.f32 v10, v61  }
0x1ea: {  	v54 =	vmul.f32 v46, v32;
	[tilespmem:s22+$0x2170] =	vst v14;
	v55 =	vmul.f32 v38, v33;
	v13 =	vadd.f32 v47, v13  }
0x1eb: {  	v56 =	vmul.f32 v48, v32;
	v58 =	vmul.f32 v40, v33;
	v57 =	vadd.f32 v53, v52;
	[tilespmem:s22+$0x2100] =	vst v63  }
0x1ec: {  	v60 =	vmul.f32 v43, v33;
	v59 =	vmul.f32 v49, v32;
	v3 =	vadd.f32 v55, v54;
	[tilespmem:s22+$0x2160] =	vst v13  }
0x1ed: {  	v62 =	vadd.f32 v58, v56;
	[tilespmem:s22+$0x3540] =	vst v57  }
0x1ee: {  	s21 =	smul.u32 $0x300, s21;
	[tilespmem:s22+$0x3550] =	vst v3;
	v3 =	vadd.f32 v60, v59  }
0x1ef: {  	s26 =	rddreg [dreg:$0x1];
	[tilespmem:s22+$0x3560] =	vst v62  }
.Ltmp1:
0x1f0: {  	s28 =	simm.s32 $0x0;
	s21 =	sadd.s32 s26, s21;
	[tilespmem:s22+$0x3570] =	vst v3;
	(pc) =	sbr.rel @p0 .LBB2_2-.Ltmp1, $4  }
0x1f1: {  	[hbm4b:s21+s28] =	stream.linear.scatter [tilespmem:s15], [sflag:$0x3], $0xC000, $0x38;
	[tilespmem:$0x1A100] =	vst v63  }
0x1f2: {  	_ =	swait.ge [sflag:s12], $0xC000  }
0x1f3: {  	[sflag:s12] =	ssyncset.done $0x0  }
0x1f4: {  	p1 =	por $0x0, $0x0;
	s21 =	simm.s32 $0x40;
	[sflag:s12] =	ssyncadd.s32 $0xFFFF4000  }
0x1f5: {  	s22 =	rddreg [dreg:$0x4]  }
0x1f6: {  	s21 =	rddreg [dreg:$0x3];
	s22 =	sadd.s32 $0x1, s22  }
0x1f7: {  	p0 =	sne.s32 s22, s21  }
.Ltmp2:
0x1f8: {  	_ = 	snop;
	(pc) =	sbr.rel @p0 .LBB2_1-.Ltmp2, $1  }
0x1f9: {  	_ =	sdelay $0x3  }
0x1fa: {  	_ =	sfence.sel $0x180000  }
0x1fb: {  	[bflag:$0x0] =	sbarrier.arrive $0xFFFF  }
0x1fc: {  	_ =	strace $0x9000004A  }
0x1fd: {  	s0 =	stileid.u32;
	[bflag:$0x2] =	sbarrier.arrive $0xFFFF  }
0x1fe: {  	p0 =	sne.s32 s0, $0x0;
	s0 =	rddreg [dreg:$0x2]  }
0x1ff: {  	s0 =	sadd.s32 @!p0 $0x100000, s0  }
0x200: {  	[sflag:s0] =	ssyncadd.tile.s32 @!p0 $0x1;
	_ =	shalt  }
.Lfunc_end2:
_tile_overlayer_lowered:
.L_overlay_start_2:
0x201: {  	(tag) =	ssettag $0x2  }
0x202: {  	s0 =	rddreg [dreg:$0x0];
	s2 =	stileid.u32  }
0x203: {  	s1 =	rddreg [dreg:$0x1];
	p0 =	sne.s32 s2, $0x0  }
0x204: {  	s3 =	rddreg [dreg:$0x2];
	[bflag:$0x3] =	sbarrier.arrive $0xFFFF;
	s2 =	simm.s32 @!p0 $0x1C03  }
0x205: {  	[timem:s3], [sflag:s2] =	dma.local @!p0 [hbm:s0], s1  }
0x206: {  	s0 =	simm.s32 @!p0 $0x3  }
0x207: {  	_ =	swait.ge @!p0 [sflag:s0], s1  }
0x208: {  	s1 =	ssub.s32 @!p0 $0x0, s1;
	[sflag:s0] =	ssyncset.done @!p0 $0x0  }
0x209: {  	[sflag:s0] =	ssyncadd.s32 @!p0 s1  }
0x20a: {  	[bflag:$0x3] =	sbarrier.arrive $0xFFFF  }
0x20b: {  	_ =	shalt  }

</sc_bundles>
